<compile_context>
chip_gen: v7x
topology: tpu7x:2x2x1
jax: 0.10.2.dev20260603
libtpu: 0.0.44.dev20260713+nightly
codegen_flags: <defaults>
</compile_context>

<pallas_src>
import jax
import jax.numpy as jnp
from jax import lax
from jax.experimental import pallas as pl
from jax.experimental.pallas import tpu as pltpu
from jax.experimental.pallas import tpu_sc as plsc

_NC = 2
_NS = 16
_NW = _NC * _NS
_D = 128


def _sc_gather(table, idx2d):
    n_rows, d = idx2d.shape
    v_rows, C = table.shape
    R = n_rows // _NW
    mesh = plsc.VectorSubcoreMesh(core_axis_name="c", subcore_axis_name="s",
                                  num_cores=_NC, num_subcores=_NS)

    NB = 5
    LOOK = 3
    LAG = 2
    assert (R - LAG - LOOK) % NB == 0 and R > NB

    def body(table_hbm, idx_hbm, out_hbm, idx_v, b0, b1, b2, b3, b4,
             gsem, wsem):
        bufs = (b0, b1, b2, b3, b4)
        wid = lax.axis_index("s") * _NC + lax.axis_index("c")
        pltpu.sync_copy(idx_hbm.at[pl.ds(wid * R, R)], idx_v)
        dummy = table_hbm.at[pl.ds(0, d)]

        def g_start(k, b):
            pltpu.async_copy(table_hbm.at[idx_v.at[k]], bufs[b], gsem)

        def step(k, b, do_wbwait, do_prefetch):
            pltpu.make_async_copy(dummy, bufs[b], gsem).wait()
            pltpu.async_copy(
                bufs[b], out_hbm.at[pl.ds((wid * R + k) * d, d)], wsem)
            if do_wbwait:
                pltpu.make_async_copy(dummy, bufs[b], wsem).wait()
            if do_prefetch:
                g_start(k + LOOK, (b + LOOK) % NB)

        for k in range(LOOK):
            g_start(k, k % NB)
        for k in range(LAG):
            step(k, k % NB, False, True)

        def round_(r, carry):
            k0 = LAG + r * NB
            for i in range(NB):
                b = (LAG + i) % NB
                pltpu.make_async_copy(dummy, bufs[b], gsem).wait()
                pltpu.async_copy(
                    bufs[b],
                    out_hbm.at[pl.ds((wid * R + k0 + i) * d, d)], wsem)
                bl = (LAG + i - LAG) % NB
                pltpu.make_async_copy(dummy, bufs[bl], wsem).wait()
                g_start(k0 + i + LOOK, (LAG + i + LOOK) % NB)
            return carry

        n_rounds = (R - LAG - LOOK) // NB
        lax.fori_loop(0, n_rounds, round_, 0)
        for k in range(LAG + n_rounds * NB, R):
            b = k % NB
            pltpu.make_async_copy(dummy, bufs[b], gsem).wait()
            pltpu.async_copy(
                bufs[b], out_hbm.at[pl.ds((wid * R + k) * d, d)], wsem)
            pltpu.make_async_copy(dummy, bufs[(k - LAG) % NB], wsem).wait()
        for k in range(R - LAG, R):
            pltpu.make_async_copy(dummy, bufs[k % NB], wsem).wait()

    f = pl.kernel(
        body,
        out_type=jax.ShapeDtypeStruct((n_rows * d, C), table.dtype),
        mesh=mesh,
        scratch_types=[
            pltpu.VMEM((R, d), jnp.int32),
            pltpu.VMEM((d, C), jnp.float32),
            pltpu.VMEM((d, C), jnp.float32),
            pltpu.VMEM((d, C), jnp.float32),
            pltpu.VMEM((d, C), jnp.float32),
            pltpu.VMEM((d, C), jnp.float32),
            pltpu.SemaphoreType.DMA,
            pltpu.SemaphoreType.DMA,
        ],
    )
    return f(table, idx2d)


def _sc_scatter(vals, idx2d, n_out):
    n_rows, d = idx2d.shape
    C = vals.shape[1]
    R = n_rows // _NW
    TBL = ((n_out + _NS * 16 - 1) // (_NS * 16)) * (_NS * 16)
    ZR = TBL // _NS
    c_sz = 128
    mesh = plsc.VectorSubcoreMesh(core_axis_name="c", subcore_axis_name="s",
                                  num_cores=_NC, num_subcores=_NS)

    assert R % 2 == 0

    def body(vals_hbm, idx_hbm, out_hbm, idx_v, v0, v1, zb, table_sh,
             lsem):
        cid = lax.axis_index("c")
        sid = lax.axis_index("s")
        wid = sid * _NC + cid
        vb = (v0, v1)
        dummy = vals_hbm.at[pl.ds(0, d)]

        for rr in range(16):
            for cc in range(0, C, 16):
                zb[rr, pl.ds(cc, 16)] = jnp.zeros((16,), jnp.float32)
        def zfire(k, carry):
            pltpu.async_copy(zb, table_sh.at[pl.ds(sid * ZR + k * 16, 16)],
                             lsem)
            return carry

        def zdrain(k, carry):
            pltpu.make_async_copy(vals_hbm.at[pl.ds(0, 16)], zb, lsem).wait()
            return carry

        lax.fori_loop(0, ZR // 16, zfire, 0)
        pltpu.sync_copy(idx_hbm.at[pl.ds(wid * R, R)], idx_v)
        lax.fori_loop(0, ZR // 16, zdrain, 0)
        plsc.subcore_barrier()

        def load(k, b):
            pltpu.async_copy(vals_hbm.at[pl.ds((wid * R + k) * d, d)], vb[b],
                             lsem)

        load(0, 0)
        load(1, 1)

        def round_(r, carry):
            for i in range(2):
                k = r * 2 + i
                pltpu.make_async_copy(dummy, vb[i], lsem).wait()
                pltpu.sync_copy(vb[i], table_sh.at[idx_v.at[k]], add=True)
                load(k + 2, i)
            return carry

        lax.fori_loop(0, R // 2 - 1, round_, 0)
        for i in range(2):
            k = R - 2 + i
            pltpu.make_async_copy(dummy, vb[i], lsem).wait()
            pltpu.sync_copy(vb[i], table_sh.at[idx_v.at[k]], add=True)
        plsc.subcore_barrier()

        for m in range(ZR // c_sz):
            off = sid * ZR + m * c_sz
            pltpu.sync_copy(table_sh.at[pl.ds(off, c_sz)], v0)
            pltpu.sync_copy(v0, out_hbm.at[cid, pl.ds(off, c_sz)])

    f = pl.kernel(
        body,
        out_type=jax.ShapeDtypeStruct((_NC, TBL, C), jnp.float32),
        mesh=mesh,
        scratch_types=[
            pltpu.VMEM((R, d), jnp.int32),
            pltpu.VMEM((d, C), jnp.float32),
            pltpu.VMEM((d, C), jnp.float32),
            pltpu.VMEM((16, C), jnp.float32),
            pltpu.VMEM_SHARED((TBL, C), jnp.float32),
            pltpu.SemaphoreType.DMA,
        ],
    )
    return f(vals, idx2d)


def _round_to_f16(x):
    u = lax.bitcast_convert_type(x, jnp.uint32)
    lsb = (u >> jnp.uint32(13)) & jnp.uint32(1)
    u = (u + jnp.uint32(0x0FFF) + lsb) & jnp.uint32(0xFFFFE000)
    return lax.bitcast_convert_type(u, jnp.float32)


def _tc_edge(edge2, gath2, g1, b1, W1p, b1p, W2p, b2p, e_pad_rows):
    N_e, C = edge2.shape
    E = 2000
    grid = (N_e // E,)

    def body(ed_ref, gt_ref, g_ref, bb_ref, w1_ref, c1_ref, w2_ref, c2_ref,
             e32_ref, eo_ref):
        ed = ed_ref[...]
        gt = gt_ref[...]
        inv_n = 1.0 / (3 * C)
        mu = (jnp.sum(ed, axis=1, keepdims=True)
              + jnp.sum(gt, axis=1, keepdims=True)) * inv_n
        d1 = ed - mu
        d2 = gt - mu
        var = (jnp.sum(d1 * d1, axis=1, keepdims=True)
               + jnp.sum(d2 * d2, axis=1, keepdims=True)) * inv_n
        s = 1.0 / jnp.sqrt(var + 1e-5)
        x = jnp.concatenate([d1, d2], axis=1) * s * g_ref[...] + bb_ref[...]
        h = jnp.dot(x, w1_ref[...], preferred_element_type=jnp.float32) + c1_ref[...]
        h = 0.5 * h * (1.0 + lax.erf(h * 0.7071067811865476))
        e = jnp.dot(h, w2_ref[...], preferred_element_type=jnp.float32) + c2_ref[...]
        e32 = _round_to_f16(e)
        e32_ref[...] = e32
        eo_ref[...] = ed + e32

    return pl.pallas_call(
        body,
        grid=grid,
        in_specs=[
            pl.BlockSpec((E, C), lambda i: (i, 0)),
            pl.BlockSpec((E, 2 * C), lambda i: (i, 0)),
            pl.BlockSpec((1, 3 * C), lambda i: (0, 0)),
            pl.BlockSpec((1, 3 * C), lambda i: (0, 0)),
            pl.BlockSpec((3 * C, C), lambda i: (0, 0)),
            pl.BlockSpec((1, C), lambda i: (0, 0)),
            pl.BlockSpec((C, C), lambda i: (0, 0)),
            pl.BlockSpec((1, C), lambda i: (0, 0)),
        ],
        out_specs=[
            pl.BlockSpec((E, C), lambda i: (i, 0)),
            pl.BlockSpec((E, C), lambda i: (i, 0)),
        ],
        out_shape=[
            jax.ShapeDtypeStruct((e_pad_rows, C), jnp.float32),
            jax.ShapeDtypeStruct((N_e, C), jnp.float32),
        ],
    )(edge2, gath2, g1, b1, W1p, b1p, W2p, b2p)


def _tc_node(node2, aggs, g2, b2, W1p, b1p, W2p, b2p):
    N_n, C = node2.shape
    NB = 1000
    grid = (N_n // NB,)

    def body(nd_ref, a0_ref, a1_ref, g_ref, bb_ref, w1_ref, c1_ref, w2_ref,
             c2_ref, out_ref):
        nd = nd_ref[...]
        ag = a0_ref[0] + a1_ref[0]
        inv_n = 1.0 / (2 * C)
        mu = (jnp.sum(nd, axis=1, keepdims=True)
              + jnp.sum(ag, axis=1, keepdims=True)) * inv_n
        d1 = nd - mu
        d2 = ag - mu
        var = (jnp.sum(d1 * d1, axis=1, keepdims=True)
               + jnp.sum(d2 * d2, axis=1, keepdims=True)) * inv_n
        s = 1.0 / jnp.sqrt(var + 1e-5)
        x = jnp.concatenate([d1, d2], axis=1) * s * g_ref[...] + bb_ref[...]
        h = jnp.dot(x, w1_ref[...], preferred_element_type=jnp.float32) + c1_ref[...]
        h = 0.5 * h * (1.0 + lax.erf(h * 0.7071067811865476))
        o = jnp.dot(h, w2_ref[...], preferred_element_type=jnp.float32) + c2_ref[...]
        out_ref[...] = nd + o

    return pl.pallas_call(
        body,
        grid=grid,
        in_specs=[
            pl.BlockSpec((NB, C), lambda i: (i, 0)),
            pl.BlockSpec((1, NB, C), lambda i: (0, i, 0)),
            pl.BlockSpec((1, NB, C), lambda i: (1, i, 0)),
            pl.BlockSpec((1, 2 * C), lambda i: (0, 0)),
            pl.BlockSpec((1, 2 * C), lambda i: (0, 0)),
            pl.BlockSpec((2 * C, C), lambda i: (0, 0)),
            pl.BlockSpec((1, C), lambda i: (0, 0)),
            pl.BlockSpec((C, C), lambda i: (0, 0)),
            pl.BlockSpec((1, C), lambda i: (0, 0)),
        ],
        out_specs=pl.BlockSpec((NB, C), lambda i: (i, 0)),
        out_shape=jax.ShapeDtypeStruct((N_n, C), jnp.float32),
    )(node2, aggs, aggs, g2, b2, W1p, b1p, W2p, b2p)


def kernel(node, edge, edgeIdx, edge2node, g1, b1, g2, b2,
           We1, be1, We2, be2, Wn1, bn1, Wn2, bn2):
    B, N_n, C = node.shape
    N_e = edge.shape[1]
    H3 = We1.shape[1]
    H2 = Wn1.shape[1]

    node2 = node.reshape(N_n, C)
    edge2 = edge.reshape(N_e, C)

    nf = 2 * N_e
    Rg = ((-(-nf // (_NW * _D)) + 7) // 8) * 8
    pad_g = _NW * _D * Rg - nf
    idx_flat = edgeIdx.astype(jnp.int32).reshape(-1)
    idx2d = jnp.concatenate(
        [idx_flat, jnp.zeros((pad_g,), jnp.int32)]).reshape(_NW * Rg, _D)
    gath = _sc_gather(node2, idx2d)
    gath2 = gath.reshape(-1, 2 * C)

    W1p = jnp.pad(We1, ((0, 0), (0, C - H3)))
    b1p = jnp.pad(be1, (0, C - H3)).reshape(1, C)
    W2p = jnp.pad(We2, ((0, C - H3), (0, 0)))
    b2p = be2.reshape(1, C)

    ns = N_e // _D
    Rs = ((-(-ns // _NW) + 7) // 8) * 8
    e_pad_rows = _NW * Rs * _D
    TBL = ((N_n + _NS * 16 - 1) // (_NS * 16)) * (_NS * 16)

    e32, edge_out = _tc_edge(edge2, gath2, g1.reshape(1, 3 * C),
                             b1.reshape(1, 3 * C), W1p, b1p, W2p, b2p,
                             e_pad_rows)

    pad_s = e_pad_rows - N_e
    e2n = jnp.concatenate(
        [edge2node.astype(jnp.int32),
         jnp.full((pad_s,), TBL - 1, jnp.int32)]).reshape(_NW * Rs, _D)
    aggs = _sc_scatter(e32, e2n, N_n)

    V1p = jnp.pad(Wn1, ((0, 0), (0, C - H2)))
    d1p = jnp.pad(bn1, (0, C - H2)).reshape(1, C)
    V2p = jnp.pad(Wn2, ((0, C - H2), (0, 0)))
    d2p = bn2.reshape(1, C)

    node_out = _tc_node(node2, aggs, g2.reshape(1, 2 * C),
                        b2.reshape(1, 2 * C), V1p, d1p, V2p, d2p)

    return (node_out.reshape(B, N_n, C), edge_out.reshape(B, N_e, C))

# --- scband reference (transcript-rebuilt; emitter-appended) ---
"""Pipeline reference for scband-graph-connection-block-1434519077336 (READ-ONLY COPY).

The authoritative reference and input builder live on the scoring server;
editing this copy changes nothing except your own understanding.
"""

import jax, jax.numpy as jnp
import numpy as np


def _layernorm(x, g, b, eps=1e-5):
    mu = jnp.mean(x, axis=-1, keepdims=True)
    var = jnp.mean((x - mu) ** 2, axis=-1, keepdims=True)
    return (x - mu) / jnp.sqrt(var + eps) * g + b


def _mlp(x, W1, b1, W2, b2):
    x = x @ W1 + b1
    x = jax.nn.gelu(x, approximate=False)
    return x @ W2 + b2


def setup_inputs(seed: int = 0):
    key = jax.random.key(seed)
    ks = jax.random.split(key, 8)
    B, N_n, N_e, C, H = 1, 10000, 160000, 128, 32
    node = jax.random.normal(ks[0], (B, N_n, C), dtype=jnp.float32)
    edge = jax.random.normal(ks[1], (B, N_e, C), dtype=jnp.float32)
    edgeIdx = jax.random.randint(ks[2], (N_e, 2), 0, N_n)
    edge2node = jax.random.randint(ks[3], (N_e,), 0, N_n)
    g1 = jnp.ones((3 * C,), dtype=jnp.float32)
    b1 = jnp.zeros((3 * C,), dtype=jnp.float32)
    g2 = jnp.ones((2 * C,), dtype=jnp.float32)
    b2 = jnp.zeros((2 * C,), dtype=jnp.float32)
    We1 = jax.random.normal(ks[4], (3 * C, 3 * H), dtype=jnp.float32) * 0.02
    be1 = jnp.zeros((3 * H,), dtype=jnp.float32)
    We2 = jax.random.normal(ks[5], (3 * H, C), dtype=jnp.float32) * 0.02
    be2 = jnp.zeros((C,), dtype=jnp.float32)
    Wn1 = jax.random.normal(ks[6], (2 * C, 2 * H), dtype=jnp.float32) * 0.02
    bn1 = jnp.zeros((2 * H,), dtype=jnp.float32)
    Wn2 = jax.random.normal(ks[7], (2 * H, C), dtype=jnp.float32) * 0.02
    bn2 = jnp.zeros((C,), dtype=jnp.float32)
    return {'node': node, 'edge': edge, 'edgeIdx': edgeIdx, 'edge2node': edge2node,
            'g1': g1, 'b1': b1, 'g2': g2, 'b2': b2,
            'We1': We1, 'be1': be1, 'We2': We2, 'be2': be2,
            'Wn1': Wn1, 'bn1': bn1, 'Wn2': Wn2, 'bn2': bn2}


def reference(node, edge, edgeIdx, edge2node, g1, b1, g2, b2,
              We1, be1, We2, be2, Wn1, bn1, Wn2, bn2):
    B, N_n, C = node.shape
    N_e = edge.shape[1]
    shortcut_edge = edge
    shortcut_node = node
    # gather endpoint node features per edge: [B, N_e, 2, C] -> [B, N_e, 2C]
    gath = node[:, edgeIdx].reshape(B, N_e, 2 * C)
    e = jnp.concatenate([shortcut_edge, gath], axis=2)
    e = _layernorm(e, g1, b1)
    e = _mlp(e, We1, be1, We2, be2)
    # [B, N_e, C] -> [N_e, B*C], cast to half as in the torch code
    e_flat = jnp.transpose(e, (1, 0, 2)).reshape(N_e, B * C).astype(jnp.float16)
    # torch.sparse.mm(edge2node, edge): edge2node is an incidence matrix with a 1
    # at (dst_node[e], e); implemented as a segment-sum (scatter-add) over edges
    agg = jax.ops.segment_sum(e_flat, edge2node, num_segments=N_n)
    n_agg = jnp.transpose(agg.reshape(N_n, B, C), (1, 0, 2)).astype(jnp.float32)
    n = jnp.concatenate([shortcut_node, n_agg], axis=2)
    e_back = jnp.transpose(e_flat.reshape(N_e, B, C), (1, 0, 2))
    n = _layernorm(n, g2, b2)
    n = _mlp(n, Wn1, bn1, Wn2, bn2)
    edge_out = shortcut_edge + e_back.astype(jnp.float32)
    node_out = shortcut_node + n
    return (node_out, edge_out)

if __name__ == "__main__":
    import jax
    _d = setup_inputs()
    print(jax.jit(kernel)(*tuple(_d.values())))

</pallas_src>

<mosaic_0001>
#map = affine_map<(d0, d1) -> (0, 0)>
#map1 = affine_map<(d0, d1) -> (0, 0, 0)>
module attributes {stable_mosaic.version = 14 : i64} {
  func.func @body(%arg0: i32, %arg1: i32, %arg2: memref<163840x128xf32, #tpu.memory_space<hbm>>, %arg3: memref<1280x128xi32, #tpu.memory_space<hbm>>, %arg4: memref<2x10240x128xf32, #tpu.memory_space<hbm>>, %arg5: memref<40x128xi32, #tpu.memory_space<vmem>>, %arg6: memref<128x128xf32, #tpu.memory_space<vmem>>, %arg7: memref<128x128xf32, #tpu.memory_space<vmem>>, %arg8: memref<16x128xf32, #tpu.memory_space<vmem>>, %arg9: memref<10240x128xf32, #tpu.memory_space<vmem_shared>>, %arg10: memref<!tpu.dma_semaphore, #tpu.memory_space<semaphore_mem>>) attributes {dimension_semantics = [#tpu.dimension_semantics<core_parallel>, #tpu.dimension_semantics<subcore_parallel>], iteration_bounds = array<i64: 2, 16>, scalar_prefetch = 0 : i64, scratch_operands = 6 : i64, tpu.core_type = #tpu.core_type<sc_vector_subcore>, window_params = [{transform_indices = #map}, {transform_indices = #map}, {transform_indices = #map1}]} {
    %mul3A = arith.constant 2 : i32
    %mul3A_0 = arith.muli %arg1, %mul3A : i32
    %add3A = arith.addi %mul3A_0, %arg0 : i32
    %broadcast_in_dim3A = arith.constant 0.000000e+00 : f32
    %broadcast_in_dim3A_1 = vector.broadcast %broadcast_in_dim3A : f32 to vector<16xf32>
    %swap3A = arith.constant 0 : i32
    %swap3A_2 = arith.index_cast %swap3A : i32 to index
    %swap3A_3 = arith.constant 0 : index
    %swap3A_4 = tpu.vector_load %arg8[%swap3A_2, %swap3A_3] {strides = array<i32>} : memref<16x128xf32, #tpu.memory_space<vmem>>, vector<1x16xf32>,
    %swap3A_5 = vector.shape_cast %swap3A_4 : vector<1x16xf32> to vector<16xf32>
    %swap3A_6 = vector.shape_cast %broadcast_in_dim3A_1 : vector<16xf32> to vector<1x16xf32>
    tpu.vector_store %arg8[%swap3A_2, %swap3A_3], %swap3A_6 {strides = array<i32>} : memref<16x128xf32, #tpu.memory_space<vmem>>, vector<1x16xf32>,
    %broadcast_in_dim3A_7 = arith.constant 0.000000e+00 : f32
    %broadcast_in_dim3A_8 = vector.broadcast %broadcast_in_dim3A_7 : f32 to vector<16xf32>
    %swap3A_9 = arith.constant 0 : i32
    %swap3A_10 = arith.index_cast %swap3A_9 : i32 to index
    %swap3A_11 = arith.constant 16 : index
    %swap3A_12 = tpu.vector_load %arg8[%swap3A_10, %swap3A_11] {strides = array<i32>} : memref<16x128xf32, #tpu.memory_space<vmem>>, vector<1x16xf32>,
    %swap3A_13 = vector.shape_cast %swap3A_12 : vector<1x16xf32> to vector<16xf32>
    %swap3A_14 = vector.shape_cast %broadcast_in_dim3A_8 : vector<16xf32> to vector<1x16xf32>
    tpu.vector_store %arg8[%swap3A_10, %swap3A_11], %swap3A_14 {strides = array<i32>} : memref<16x128xf32, #tpu.memory_space<vmem>>, vector<1x16xf32>,
    %broadcast_in_dim3A_15 = arith.constant 0.000000e+00 : f32
    %broadcast_in_dim3A_16 = vector.broadcast %broadcast_in_dim3A_15 : f32 to vector<16xf32>
    %swap3A_17 = arith.constant 0 : i32
    %swap3A_18 = arith.index_cast %swap3A_17 : i32 to index
    %swap3A_19 = arith.constant 32 : index
    %swap3A_20 = tpu.vector_load %arg8[%swap3A_18, %swap3A_19] {strides = array<i32>} : memref<16x128xf32, #tpu.memory_space<vmem>>, vector<1x16xf32>,
    %swap3A_21 = vector.shape_cast %swap3A_20 : vector<1x16xf32> to vector<16xf32>
    %swap3A_22 = vector.shape_cast %broadcast_in_dim3A_16 : vector<16xf32> to vector<1x16xf32>
    tpu.vector_store %arg8[%swap3A_18, %swap3A_19], %swap3A_22 {strides = array<i32>} : memref<16x128xf32, #tpu.memory_space<vmem>>, vector<1x16xf32>,
    %broadcast_in_dim3A_23 = arith.constant 0.000000e+00 : f32
    %broadcast_in_dim3A_24 = vector.broadcast %broadcast_in_dim3A_23 : f32 to vector<16xf32>
    %swap3A_25 = arith.constant 0 : i32
    %swap3A_26 = arith.index_cast %swap3A_25 : i32 to index
    %swap3A_27 = arith.constant 48 : index
    %swap3A_28 = tpu.vector_load %arg8[%swap3A_26, %swap3A_27] {strides = array<i32>} : memref<16x128xf32, #tpu.memory_space<vmem>>, vector<1x16xf32>,
    %swap3A_29 = vector.shape_cast %swap3A_28 : vector<1x16xf32> to vector<16xf32>
    %swap3A_30 = vector.shape_cast %broadcast_in_dim3A_24 : vector<16xf32> to vector<1x16xf32>
    tpu.vector_store %arg8[%swap3A_26, %swap3A_27], %swap3A_30 {strides = array<i32>} : memref<16x128xf32, #tpu.memory_space<vmem>>, vector<1x16xf32>,
    %broadcast_in_dim3A_31 = arith.constant 0.000000e+00 : f32
    %broadcast_in_dim3A_32 = vector.broadcast %broadcast_in_dim3A_31 : f32 to vector<16xf32>
    %swap3A_33 = arith.constant 0 : i32
    %swap3A_34 = arith.index_cast %swap3A_33 : i32 to index
    %swap3A_35 = arith.constant 64 : index
    %swap3A_36 = tpu.vector_load %arg8[%swap3A_34, %swap3A_35] {strides = array<i32>} : memref<16x128xf32, #tpu.memory_space<vmem>>, vector<1x16xf32>,
    %swap3A_37 = vector.shape_cast %swap3A_36 : vector<1x16xf32> to vector<16xf32>
    %swap3A_38 = vector.shape_cast %broadcast_in_dim3A_32 : vector<16xf32> to vector<1x16xf32>
    tpu.vector_store %arg8[%swap3A_34, %swap3A_35], %swap3A_38 {strides = array<i32>} : memref<16x128xf32, #tpu.memory_space<vmem>>, vector<1x16xf32>,
    %broadcast_in_dim3A_39 = arith.constant 0.000000e+00 : f32
    %broadcast_in_dim3A_40 = vector.broadcast %broadcast_in_dim3A_39 : f32 to vector<16xf32>
    %swap3A_41 = arith.constant 0 : i32
    %swap3A_42 = arith.index_cast %swap3A_41 : i32 to index
    %swap3A_43 = arith.constant 80 : index
    %swap3A_44 = tpu.vector_load %arg8[%swap3A_42, %swap3A_43] {strides = array<i32>} : memref<16x128xf32, #tpu.memory_space<vmem>>, vector<1x16xf32>,
    %swap3A_45 = vector.shape_cast %swap3A_44 : vector<1x16xf32> to vector<16xf32>
    %swap3A_46 = vector.shape_cast %broadcast_in_dim3A_40 : vector<16xf32> to vector<1x16xf32>
    tpu.vector_store %arg8[%swap3A_42, %swap3A_43], %swap3A_46 {strides = array<i32>} : memref<16x128xf32, #tpu.memory_space<vmem>>, vector<1x16xf32>,
    %broadcast_in_dim3A_47 = arith.constant 0.000000e+00 : f32
    %broadcast_in_dim3A_48 = vector.broadcast %broadcast_in_dim3A_47 : f32 to vector<16xf32>
    %swap3A_49 = arith.constant 0 : i32
    %swap3A_50 = arith.index_cast %swap3A_49 : i32 to index
    %swap3A_51 = arith.constant 96 : index
    %swap3A_52 = tpu.vector_load %arg8[%swap3A_50, %swap3A_51] {strides = array<i32>} : memref<16x128xf32, #tpu.memory_space<vmem>>, vector<1x16xf32>,
    %swap3A_53 = vector.shape_cast %swap3A_52 : vector<1x16xf32> to vector<16xf32>
    %swap3A_54 = vector.shape_cast %broadcast_in_dim3A_48 : vector<16xf32> to vector<1x16xf32>
    tpu.vector_store %arg8[%swap3A_50, %swap3A_51], %swap3A_54 {strides = array<i32>} : memref<16x128xf32, #tpu.memory_space<vmem>>, vector<1x16xf32>,
    %broadcast_in_dim3A_55 = arith.constant 0.000000e+00 : f32
    %broadcast_in_dim3A_56 = vector.broadcast %broadcast_in_dim3A_55 : f32 to vector<16xf32>
    %swap3A_57 = arith.constant 0 : i32
    %swap3A_58 = arith.index_cast %swap3A_57 : i32 to index
    %swap3A_59 = arith.constant 112 : index
    %swap3A_60 = tpu.vector_load %arg8[%swap3A_58, %swap3A_59] {strides = array<i32>} : memref<16x128xf32, #tpu.memory_space<vmem>>, vector<1x16xf32>,
    %swap3A_61 = vector.shape_cast %swap3A_60 : vector<1x16xf32> to vector<16xf32>
    %swap3A_62 = vector.shape_cast %broadcast_in_dim3A_56 : vector<16xf32> to vector<1x16xf32>
    tpu.vector_store %arg8[%swap3A_58, %swap3A_59], %swap3A_62 {strides = array<i32>} : memref<16x128xf32, #tpu.memory_space<vmem>>, vector<1x16xf32>,
    %broadcast_in_dim3A_63 = arith.constant 0.000000e+00 : f32
    %broadcast_in_dim3A_64 = vector.broadcast %broadcast_in_dim3A_63 : f32 to vector<16xf32>
    %swap3A_65 = arith.constant 1 : i32
    %swap3A_66 = arith.index_cast %swap3A_65 : i32 to index
    %swap3A_67 = arith.constant 0 : index
    %swap3A_68 = tpu.vector_load %arg8[%swap3A_66, %swap3A_67] {strides = array<i32>} : memref<16x128xf32, #tpu.memory_space<vmem>>, vector<1x16xf32>,
    %swap3A_69 = vector.shape_cast %swap3A_68 : vector<1x16xf32> to vector<16xf32>
    %swap3A_70 = vector.shape_cast %broadcast_in_dim3A_64 : vector<16xf32> to vector<1x16xf32>
    tpu.vector_store %arg8[%swap3A_66, %swap3A_67], %swap3A_70 {strides = array<i32>} : memref<16x128xf32, #tpu.memory_space<vmem>>, vector<1x16xf32>,
    %broadcast_in_dim3A_71 = arith.constant 0.000000e+00 : f32
    %broadcast_in_dim3A_72 = vector.broadcast %broadcast_in_dim3A_71 : f32 to vector<16xf32>
    %swap3A_73 = arith.constant 1 : i32
    %swap3A_74 = arith.index_cast %swap3A_73 : i32 to index
    %swap3A_75 = arith.constant 16 : index
    %swap3A_76 = tpu.vector_load %arg8[%swap3A_74, %swap3A_75] {strides = array<i32>} : memref<16x128xf32, #tpu.memory_space<vmem>>, vector<1x16xf32>,
    %swap3A_77 = vector.shape_cast %swap3A_76 : vector<1x16xf32> to vector<16xf32>
    %swap3A_78 = vector.shape_cast %broadcast_in_dim3A_72 : vector<16xf32> to vector<1x16xf32>
    tpu.vector_store %arg8[%swap3A_74, %swap3A_75], %swap3A_78 {strides = array<i32>} : memref<16x128xf32, #tpu.memory_space<vmem>>, vector<1x16xf32>,
    %broadcast_in_dim3A_79 = arith.constant 0.000000e+00 : f32
    %broadcast_in_dim3A_80 = vector.broadcast %broadcast_in_dim3A_79 : f32 to vector<16xf32>
    %swap3A_81 = arith.constant 1 : i32
    %swap3A_82 = arith.index_cast %swap3A_81 : i32 to index
    %swap3A_83 = arith.constant 32 : index
    %swap3A_84 = tpu.vector_load %arg8[%swap3A_82, %swap3A_83] {strides = array<i32>} : memref<16x128xf32, #tpu.memory_space<vmem>>, vector<1x16xf32>,
    %swap3A_85 = vector.shape_cast %swap3A_84 : vector<1x16xf32> to vector<16xf32>
    %swap3A_86 = vector.shape_cast %broadcast_in_dim3A_80 : vector<16xf32> to vector<1x16xf32>
    tpu.vector_store %arg8[%swap3A_82, %swap3A_83], %swap3A_86 {strides = array<i32>} : memref<16x128xf32, #tpu.memory_space<vmem>>, vector<1x16xf32>,
    %broadcast_in_dim3A_87 = arith.constant 0.000000e+00 : f32
    %broadcast_in_dim3A_88 = vector.broadcast %broadcast_in_dim3A_87 : f32 to vector<16xf32>
    %swap3A_89 = arith.constant 1 : i32
    %swap3A_90 = arith.index_cast %swap3A_89 : i32 to index
    %swap3A_91 = arith.constant 48 : index
    %swap3A_92 = tpu.vector_load %arg8[%swap3A_90, %swap3A_91] {strides = array<i32>} : memref<16x128xf32, #tpu.memory_space<vmem>>, vector<1x16xf32>,
    %swap3A_93 = vector.shape_cast %swap3A_92 : vector<1x16xf32> to vector<16xf32>
    %swap3A_94 = vector.shape_cast %broadcast_in_dim3A_88 : vector<16xf32> to vector<1x16xf32>
    tpu.vector_store %arg8[%swap3A_90, %swap3A_91], %swap3A_94 {strides = array<i32>} : memref<16x128xf32, #tpu.memory_space<vmem>>, vector<1x16xf32>,
    %broadcast_in_dim3A_95 = arith.constant 0.000000e+00 : f32
    %broadcast_in_dim3A_96 = vector.broadcast %broadcast_in_dim3A_95 : f32 to vector<16xf32>
    %swap3A_97 = arith.constant 1 : i32
    %swap3A_98 = arith.index_cast %swap3A_97 : i32 to index
    %swap3A_99 = arith.constant 64 : index
    %swap3A_100 = tpu.vector_load %arg8[%swap3A_98, %swap3A_99] {strides = array<i32>} : memref<16x128xf32, #tpu.memory_space<vmem>>, vector<1x16xf32>,
    %swap3A_101 = vector.shape_cast %swap3A_100 : vector<1x16xf32> to vector<16xf32>
    %swap3A_102 = vector.shape_cast %broadcast_in_dim3A_96 : vector<16xf32> to vector<1x16xf32>
    tpu.vector_store %arg8[%swap3A_98, %swap3A_99], %swap3A_102 {strides = array<i32>} : memref<16x128xf32, #tpu.memory_space<vmem>>, vector<1x16xf32>,
    %broadcast_in_dim3A_103 = arith.constant 0.000000e+00 : f32
    %broadcast_in_dim3A_104 = vector.broadcast %broadcast_in_dim3A_103 : f32 to vector<16xf32>
    %swap3A_105 = arith.constant 1 : i32
    %swap3A_106 = arith.index_cast %swap3A_105 : i32 to index
    %swap3A_107 = arith.constant 80 : index
    %swap3A_108 = tpu.vector_load %arg8[%swap3A_106, %swap3A_107] {strides = array<i32>} : memref<16x128xf32, #tpu.memory_space<vmem>>, vector<1x16xf32>,
    %swap3A_109 = vector.shape_cast %swap3A_108 : vector<1x16xf32> to vector<16xf32>
    %swap3A_110 = vector.shape_cast %broadcast_in_dim3A_104 : vector<16xf32> to vector<1x16xf32>
    tpu.vector_store %arg8[%swap3A_106, %swap3A_107], %swap3A_110 {strides = array<i32>} : memref<16x128xf32, #tpu.memory_space<vmem>>, vector<1x16xf32>,
    %broadcast_in_dim3A_111 = arith.constant 0.000000e+00 : f32
    %broadcast_in_dim3A_112 = vector.broadcast %broadcast_in_dim3A_111 : f32 to vector<16xf32>
    %swap3A_113 = arith.constant 1 : i32
    %swap3A_114 = arith.index_cast %swap3A_113 : i32 to index
    %swap3A_115 = arith.constant 96 : index
    %swap3A_116 = tpu.vector_load %arg8[%swap3A_114, %swap3A_115] {strides = array<i32>} : memref<16x128xf32, #tpu.memory_space<vmem>>, vector<1x16xf32>,
    %swap3A_117 = vector.shape_cast %swap3A_116 : vector<1x16xf32> to vector<16xf32>
    %swap3A_118 = vector.shape_cast %broadcast_in_dim3A_112 : vector<16xf32> to vector<1x16xf32>
    tpu.vector_store %arg8[%swap3A_114, %swap3A_115], %swap3A_118 {strides = array<i32>} : memref<16x128xf32, #tpu.memory_space<vmem>>, vector<1x16xf32>,
    %broadcast_in_dim3A_119 = arith.constant 0.000000e+00 : f32
    %broadcast_in_dim3A_120 = vector.broadcast %broadcast_in_dim3A_119 : f32 to vector<16xf32>
    %swap3A_121 = arith.constant 1 : i32
    %swap3A_122 = arith.index_cast %swap3A_121 : i32 to index
    %swap3A_123 = arith.constant 112 : index
    %swap3A_124 = tpu.vector_load %arg8[%swap3A_122, %swap3A_123] {strides = array<i32>} : memref<16x128xf32, #tpu.memory_space<vmem>>, vector<1x16xf32>,
    %swap3A_125 = vector.shape_cast %swap3A_124 : vector<1x16xf32> to vector<16xf32>
    %swap3A_126 = vector.shape_cast %broadcast_in_dim3A_120 : vector<16xf32> to vector<1x16xf32>
    tpu.vector_store %arg8[%swap3A_122, %swap3A_123], %swap3A_126 {strides = array<i32>} : memref<16x128xf32, #tpu.memory_space<vmem>>, vector<1x16xf32>,
    %broadcast_in_dim3A_127 = arith.constant 0.000000e+00 : f32
    %broadcast_in_dim3A_128 = vector.broadcast %broadcast_in_dim3A_127 : f32 to vector<16xf32>
    %swap3A_129 = arith.constant 2 : i32
    %swap3A_130 = arith.index_cast %swap3A_129 : i32 to index
    %swap3A_131 = arith.constant 0 : index
    %swap3A_132 = tpu.vector_load %arg8[%swap3A_130, %swap3A_131] {strides = array<i32>} : memref<16x128xf32, #tpu.memory_space<vmem>>, vector<1x16xf32>,
    %swap3A_133 = vector.shape_cast %swap3A_132 : vector<1x16xf32> to vector<16xf32>
    %swap3A_134 = vector.shape_cast %broadcast_in_dim3A_128 : vector<16xf32> to vector<1x16xf32>
    tpu.vector_store %arg8[%swap3A_130, %swap3A_131], %swap3A_134 {strides = array<i32>} : memref<16x128xf32, #tpu.memory_space<vmem>>, vector<1x16xf32>,
    %broadcast_in_dim3A_135 = arith.constant 0.000000e+00 : f32
    %broadcast_in_dim3A_136 = vector.broadcast %broadcast_in_dim3A_135 : f32 to vector<16xf32>
    %swap3A_137 = arith.constant 2 : i32
    %swap3A_138 = arith.index_cast %swap3A_137 : i32 to index
    %swap3A_139 = arith.constant 16 : index
    %swap3A_140 = tpu.vector_load %arg8[%swap3A_138, %swap3A_139] {strides = array<i32>} : memref<16x128xf32, #tpu.memory_space<vmem>>, vector<1x16xf32>,
    %swap3A_141 = vector.shape_cast %swap3A_140 : vector<1x16xf32> to vector<16xf32>
    %swap3A_142 = vector.shape_cast %broadcast_in_dim3A_136 : vector<16xf32> to vector<1x16xf32>
    tpu.vector_store %arg8[%swap3A_138, %swap3A_139], %swap3A_142 {strides = array<i32>} : memref<16x128xf32, #tpu.memory_space<vmem>>, vector<1x16xf32>,
    %broadcast_in_dim3A_143 = arith.constant 0.000000e+00 : f32
    %broadcast_in_dim3A_144 = vector.broadcast %broadcast_in_dim3A_143 : f32 to vector<16xf32>
    %swap3A_145 = arith.constant 2 : i32
    %swap3A_146 = arith.index_cast %swap3A_145 : i32 to index
    %swap3A_147 = arith.constant 32 : index
    %swap3A_148 = tpu.vector_load %arg8[%swap3A_146, %swap3A_147] {strides = array<i32>} : memref<16x128xf32, #tpu.memory_space<vmem>>, vector<1x16xf32>,
    %swap3A_149 = vector.shape_cast %swap3A_148 : vector<1x16xf32> to vector<16xf32>
    %swap3A_150 = vector.shape_cast %broadcast_in_dim3A_144 : vector<16xf32> to vector<1x16xf32>
    tpu.vector_store %arg8[%swap3A_146, %swap3A_147], %swap3A_150 {strides = array<i32>} : memref<16x128xf32, #tpu.memory_space<vmem>>, vector<1x16xf32>,
    %broadcast_in_dim3A_151 = arith.constant 0.000000e+00 : f32
    %broadcast_in_dim3A_152 = vector.broadcast %broadcast_in_dim3A_151 : f32 to vector<16xf32>
    %swap3A_153 = arith.constant 2 : i32
    %swap3A_154 = arith.index_cast %swap3A_153 : i32 to index
    %swap3A_155 = arith.constant 48 : index
    %swap3A_156 = tpu.vector_load %arg8[%swap3A_154, %swap3A_155] {strides = array<i32>} : memref<16x128xf32, #tpu.memory_space<vmem>>, vector<1x16xf32>,
    %swap3A_157 = vector.shape_cast %swap3A_156 : vector<1x16xf32> to vector<16xf32>
    %swap3A_158 = vector.shape_cast %broadcast_in_dim3A_152 : vector<16xf32> to vector<1x16xf32>
    tpu.vector_store %arg8[%swap3A_154, %swap3A_155], %swap3A_158 {strides = array<i32>} : memref<16x128xf32, #tpu.memory_space<vmem>>, vector<1x16xf32>,
    %broadcast_in_dim3A_159 = arith.constant 0.000000e+00 : f32
    %broadcast_in_dim3A_160 = vector.broadcast %broadcast_in_dim3A_159 : f32 to vector<16xf32>
    %swap3A_161 = arith.constant 2 : i32
    %swap3A_162 = arith.index_cast %swap3A_161 : i32 to index
    %swap3A_163 = arith.constant 64 : index
    %swap3A_164 = tpu.vector_load %arg8[%swap3A_162, %swap3A_163] {strides = array<i32>} : memref<16x128xf32, #tpu.memory_space<vmem>>, vector<1x16xf32>,
    %swap3A_165 = vector.shape_cast %swap3A_164 : vector<1x16xf32> to vector<16xf32>
    %swap3A_166 = vector.shape_cast %broadcast_in_dim3A_160 : vector<16xf32> to vector<1x16xf32>
    tpu.vector_store %arg8[%swap3A_162, %swap3A_163], %swap3A_166 {strides = array<i32>} : memref<16x128xf32, #tpu.memory_space<vmem>>, vector<1x16xf32>,
    %broadcast_in_dim3A_167 = arith.constant 0.000000e+00 : f32
    %broadcast_in_dim3A_168 = vector.broadcast %broadcast_in_dim3A_167 : f32 to vector<16xf32>
    %swap3A_169 = arith.constant 2 : i32
    %swap3A_170 = arith.index_cast %swap3A_169 : i32 to index
    %swap3A_171 = arith.constant 80 : index
    %swap3A_172 = tpu.vector_load %arg8[%swap3A_170, %swap3A_171] {strides = array<i32>} : memref<16x128xf32, #tpu.memory_space<vmem>>, vector<1x16xf32>,
    %swap3A_173 = vector.shape_cast %swap3A_172 : vector<1x16xf32> to vector<16xf32>
    %swap3A_174 = vector.shape_cast %broadcast_in_dim3A_168 : vector<16xf32> to vector<1x16xf32>
    tpu.vector_store %arg8[%swap3A_170, %swap3A_171], %swap3A_174 {strides = array<i32>} : memref<16x128xf32, #tpu.memory_space<vmem>>, vector<1x16xf32>,
    %broadcast_in_dim3A_175 = arith.constant 0.000000e+00 : f32
    %broadcast_in_dim3A_176 = vector.broadcast %broadcast_in_dim3A_175 : f32 to vector<16xf32>
    %swap3A_177 = arith.constant 2 : i32
    %swap3A_178 = arith.index_cast %swap3A_177 : i32 to index
    %swap3A_179 = arith.constant 96 : index
    %swap3A_180 = tpu.vector_load %arg8[%swap3A_178, %swap3A_179] {strides = array<i32>} : memref<16x128xf32, #tpu.memory_space<vmem>>, vector<1x16xf32>,
    %swap3A_181 = vector.shape_cast %swap3A_180 : vector<1x16xf32> to vector<16xf32>
    %swap3A_182 = vector.shape_cast %broadcast_in_dim3A_176 : vector<16xf32> to vector<1x16xf32>
    tpu.vector_store %arg8[%swap3A_178, %swap3A_179], %swap3A_182 {strides = array<i32>} : memref<16x128xf32, #tpu.memory_space<vmem>>, vector<1x16xf32>,
    %broadcast_in_dim3A_183 = arith.constant 0.000000e+00 : f32
    %broadcast_in_dim3A_184 = vector.broadcast %broadcast_in_dim3A_183 : f32 to vector<16xf32>
    %swap3A_185 = arith.constant 2 : i32
    %swap3A_186 = arith.index_cast %swap3A_185 : i32 to index
    %swap3A_187 = arith.constant 112 : index
    %swap3A_188 = tpu.vector_load %arg8[%swap3A_186, %swap3A_187] {strides = array<i32>} : memref<16x128xf32, #tpu.memory_space<vmem>>, vector<1x16xf32>,
    %swap3A_189 = vector.shape_cast %swap3A_188 : vector<1x16xf32> to vector<16xf32>
    %swap3A_190 = vector.shape_cast %broadcast_in_dim3A_184 : vector<16xf32> to vector<1x16xf32>
    tpu.vector_store %arg8[%swap3A_186, %swap3A_187], %swap3A_190 {strides = array<i32>} : memref<16x128xf32, #tpu.memory_space<vmem>>, vector<1x16xf32>,
    %broadcast_in_dim3A_191 = arith.constant 0.000000e+00 : f32
    %broadcast_in_dim3A_192 = vector.broadcast %broadcast_in_dim3A_191 : f32 to vector<16xf32>
    %swap3A_193 = arith.constant 3 : i32
    %swap3A_194 = arith.index_cast %swap3A_193 : i32 to index
    %swap3A_195 = arith.constant 0 : index
    %swap3A_196 = tpu.vector_load %arg8[%swap3A_194, %swap3A_195] {strides = array<i32>} : memref<16x128xf32, #tpu.memory_space<vmem>>, vector<1x16xf32>,
    %swap3A_197 = vector.shape_cast %swap3A_196 : vector<1x16xf32> to vector<16xf32>
    %swap3A_198 = vector.shape_cast %broadcast_in_dim3A_192 : vector<16xf32> to vector<1x16xf32>
    tpu.vector_store %arg8[%swap3A_194, %swap3A_195], %swap3A_198 {strides = array<i32>} : memref<16x128xf32, #tpu.memory_space<vmem>>, vector<1x16xf32>,
    %broadcast_in_dim3A_199 = arith.constant 0.000000e+00 : f32
    %broadcast_in_dim3A_200 = vector.broadcast %broadcast_in_dim3A_199 : f32 to vector<16xf32>
    %swap3A_201 = arith.constant 3 : i32
    %swap3A_202 = arith.index_cast %swap3A_201 : i32 to index
    %swap3A_203 = arith.constant 16 : index
    %swap3A_204 = tpu.vector_load %arg8[%swap3A_202, %swap3A_203] {strides = array<i32>} : memref<16x128xf32, #tpu.memory_space<vmem>>, vector<1x16xf32>,
    %swap3A_205 = vector.shape_cast %swap3A_204 : vector<1x16xf32> to vector<16xf32>
    %swap3A_206 = vector.shape_cast %broadcast_in_dim3A_200 : vector<16xf32> to vector<1x16xf32>
    tpu.vector_store %arg8[%swap3A_202, %swap3A_203], %swap3A_206 {strides = array<i32>} : memref<16x128xf32, #tpu.memory_space<vmem>>, vector<1x16xf32>,
    %broadcast_in_dim3A_207 = arith.constant 0.000000e+00 : f32
    %broadcast_in_dim3A_208 = vector.broadcast %broadcast_in_dim3A_207 : f32 to vector<16xf32>
    %swap3A_209 = arith.constant 3 : i32
    %swap3A_210 = arith.index_cast %swap3A_209 : i32 to index
    %swap3A_211 = arith.constant 32 : index
    %swap3A_212 = tpu.vector_load %arg8[%swap3A_210, %swap3A_211] {strides = array<i32>} : memref<16x128xf32, #tpu.memory_space<vmem>>, vector<1x16xf32>,
    %swap3A_213 = vector.shape_cast %swap3A_212 : vector<1x16xf32> to vector<16xf32>
    %swap3A_214 = vector.shape_cast %broadcast_in_dim3A_208 : vector<16xf32> to vector<1x16xf32>
    tpu.vector_store %arg8[%swap3A_210, %swap3A_211], %swap3A_214 {strides = array<i32>} : memref<16x128xf32, #tpu.memory_space<vmem>>, vector<1x16xf32>,
    %broadcast_in_dim3A_215 = arith.constant 0.000000e+00 : f32
    %broadcast_in_dim3A_216 = vector.broadcast %broadcast_in_dim3A_215 : f32 to vector<16xf32>
    %swap3A_217 = arith.constant 3 : i32
    %swap3A_218 = arith.index_cast %swap3A_217 : i32 to index
    %swap3A_219 = arith.constant 48 : index
    %swap3A_220 = tpu.vector_load %arg8[%swap3A_218, %swap3A_219] {strides = array<i32>} : memref<16x128xf32, #tpu.memory_space<vmem>>, vector<1x16xf32>,
    %swap3A_221 = vector.shape_cast %swap3A_220 : vector<1x16xf32> to vector<16xf32>
    %swap3A_222 = vector.shape_cast %broadcast_in_dim3A_216 : vector<16xf32> to vector<1x16xf32>
    tpu.vector_store %arg8[%swap3A_218, %swap3A_219], %swap3A_222 {strides = array<i32>} : memref<16x128xf32, #tpu.memory_space<vmem>>, vector<1x16xf32>,
    %broadcast_in_dim3A_223 = arith.constant 0.000000e+00 : f32
    %broadcast_in_dim3A_224 = vector.broadcast %broadcast_in_dim3A_223 : f32 to vector<16xf32>
    %swap3A_225 = arith.constant 3 : i32
    %swap3A_226 = arith.index_cast %swap3A_225 : i32 to index
    %swap3A_227 = arith.constant 64 : index
    %swap3A_228 = tpu.vector_load %arg8[%swap3A_226, %swap3A_227] {strides = array<i32>} : memref<16x128xf32, #tpu.memory_space<vmem>>, vector<1x16xf32>,
    %swap3A_229 = vector.shape_cast %swap3A_228 : vector<1x16xf32> to vector<16xf32>
    %swap3A_230 = vector.shape_cast %broadcast_in_dim3A_224 : vector<16xf32> to vector<1x16xf32>
    tpu.vector_store %arg8[%swap3A_226, %swap3A_227], %swap3A_230 {strides = array<i32>} : memref<16x128xf32, #tpu.memory_space<vmem>>, vector<1x16xf32>,
    %broadcast_in_dim3A_231 = arith.constant 0.000000e+00 : f32
    %broadcast_in_dim3A_232 = vector.broadcast %broadcast_in_dim3A_231 : f32 to vector<16xf32>
    %swap3A_233 = arith.constant 3 : i32
    %swap3A_234 = arith.index_cast %swap3A_233 : i32 to index
    %swap3A_235 = arith.constant 80 : index
    %swap3A_236 = tpu.vector_load %arg8[%swap3A_234, %swap3A_235] {strides = array<i32>} : memref<16x128xf32, #tpu.memory_space<vmem>>, vector<1x16xf32>,
    %swap3A_237 = vector.shape_cast %swap3A_236 : vector<1x16xf32> to vector<16xf32>
    %swap3A_238 = vector.shape_cast %broadcast_in_dim3A_232 : vector<16xf32> to vector<1x16xf32>
    tpu.vector_store %arg8[%swap3A_234, %swap3A_235], %swap3A_238 {strides = array<i32>} : memref<16x128xf32, #tpu.memory_space<vmem>>, vector<1x16xf32>,
    %broadcast_in_dim3A_239 = arith.constant 0.000000e+00 : f32
    %broadcast_in_dim3A_240 = vector.broadcast %broadcast_in_dim3A_239 : f32 to vector<16xf32>
    %swap3A_241 = arith.constant 3 : i32
    %swap3A_242 = arith.index_cast %swap3A_241 : i32 to index
    %swap3A_243 = arith.constant 96 : index
    %swap3A_244 = tpu.vector_load %arg8[%swap3A_242, %swap3A_243] {strides = array<i32>} : memref<16x128xf32, #tpu.memory_space<vmem>>, vector<1x16xf32>,
    %swap3A_245 = vector.shape_cast %swap3A_244 : vector<1x16xf32> to vector<16xf32>
    %swap3A_246 = vector.shape_cast %broadcast_in_dim3A_240 : vector<16xf32> to vector<1x16xf32>
    tpu.vector_store %arg8[%swap3A_242, %swap3A_243], %swap3A_246 {strides = array<i32>} : memref<16x128xf32, #tpu.memory_space<vmem>>, vector<1x16xf32>,
    %broadcast_in_dim3A_247 = arith.constant 0.000000e+00 : f32
    %broadcast_in_dim3A_248 = vector.broadcast %broadcast_in_dim3A_247 : f32 to vector<16xf32>
    %swap3A_249 = arith.constant 3 : i32
    %swap3A_250 = arith.index_cast %swap3A_249 : i32 to index
    %swap3A_251 = arith.constant 112 : index
    %swap3A_252 = tpu.vector_load %arg8[%swap3A_250, %swap3A_251] {strides = array<i32>} : memref<16x128xf32, #tpu.memory_space<vmem>>, vector<1x16xf32>,
    %swap3A_253 = vector.shape_cast %swap3A_252 : vector<1x16xf32> to vector<16xf32>
    %swap3A_254 = vector.shape_cast %broadcast_in_dim3A_248 : vector<16xf32> to vector<1x16xf32>
    tpu.vector_store %arg8[%swap3A_250, %swap3A_251], %swap3A_254 {strides = array<i32>} : memref<16x128xf32, #tpu.memory_space<vmem>>, vector<1x16xf32>,
    %broadcast_in_dim3A_255 = arith.constant 0.000000e+00 : f32
    %broadcast_in_dim3A_256 = vector.broadcast %broadcast_in_dim3A_255 : f32 to vector<16xf32>
    %swap3A_257 = arith.constant 4 : i32
    %swap3A_258 = arith.index_cast %swap3A_257 : i32 to index
    %swap3A_259 = arith.constant 0 : index
    %swap3A_260 = tpu.vector_load %arg8[%swap3A_258, %swap3A_259] {strides = array<i32>} : memref<16x128xf32, #tpu.memory_space<vmem>>, vector<1x16xf32>,
    %swap3A_261 = vector.shape_cast %swap3A_260 : vector<1x16xf32> to vector<16xf32>
    %swap3A_262 = vector.shape_cast %broadcast_in_dim3A_256 : vector<16xf32> to vector<1x16xf32>
    tpu.vector_store %arg8[%swap3A_258, %swap3A_259], %swap3A_262 {strides = array<i32>} : memref<16x128xf32, #tpu.memory_space<vmem>>, vector<1x16xf32>,
    %broadcast_in_dim3A_263 = arith.constant 0.000000e+00 : f32
    %broadcast_in_dim3A_264 = vector.broadcast %broadcast_in_dim3A_263 : f32 to vector<16xf32>
    %swap3A_265 = arith.constant 4 : i32
    %swap3A_266 = arith.index_cast %swap3A_265 : i32 to index
    %swap3A_267 = arith.constant 16 : index
    %swap3A_268 = tpu.vector_load %arg8[%swap3A_266, %swap3A_267] {strides = array<i32>} : memref<16x128xf32, #tpu.memory_space<vmem>>, vector<1x16xf32>,
    %swap3A_269 = vector.shape_cast %swap3A_268 : vector<1x16xf32> to vector<16xf32>
    %swap3A_270 = vector.shape_cast %broadcast_in_dim3A_264 : vector<16xf32> to vector<1x16xf32>
    tpu.vector_store %arg8[%swap3A_266, %swap3A_267], %swap3A_270 {strides = array<i32>} : memref<16x128xf32, #tpu.memory_space<vmem>>, vector<1x16xf32>,
    %broadcast_in_dim3A_271 = arith.constant 0.000000e+00 : f32
    %broadcast_in_dim3A_272 = vector.broadcast %broadcast_in_dim3A_271 : f32 to vector<16xf32>
    %swap3A_273 = arith.constant 4 : i32
    %swap3A_274 = arith.index_cast %swap3A_273 : i32 to index
    %swap3A_275 = arith.constant 32 : index
    %swap3A_276 = tpu.vector_load %arg8[%swap3A_274, %swap3A_275] {strides = array<i32>} : memref<16x128xf32, #tpu.memory_space<vmem>>, vector<1x16xf32>,
    %swap3A_277 = vector.shape_cast %swap3A_276 : vector<1x16xf32> to vector<16xf32>
    %swap3A_278 = vector.shape_cast %broadcast_in_dim3A_272 : vector<16xf32> to vector<1x16xf32>
    tpu.vector_store %arg8[%swap3A_274, %swap3A_275], %swap3A_278 {strides = array<i32>} : memref<16x128xf32, #tpu.memory_space<vmem>>, vector<1x16xf32>,
    %broadcast_in_dim3A_279 = arith.constant 0.000000e+00 : f32
    %broadcast_in_dim3A_280 = vector.broadcast %broadcast_in_dim3A_279 : f32 to vector<16xf32>
    %swap3A_281 = arith.constant 4 : i32
    %swap3A_282 = arith.index_cast %swap3A_281 : i32 to index
    %swap3A_283 = arith.constant 48 : index
    %swap3A_284 = tpu.vector_load %arg8[%swap3A_282, %swap3A_283] {strides = array<i32>} : memref<16x128xf32, #tpu.memory_space<vmem>>, vector<1x16xf32>,
    %swap3A_285 = vector.shape_cast %swap3A_284 : vector<1x16xf32> to vector<16xf32>
    %swap3A_286 = vector.shape_cast %broadcast_in_dim3A_280 : vector<16xf32> to vector<1x16xf32>
    tpu.vector_store %arg8[%swap3A_282, %swap3A_283], %swap3A_286 {strides = array<i32>} : memref<16x128xf32, #tpu.memory_space<vmem>>, vector<1x16xf32>,
    %broadcast_in_dim3A_287 = arith.constant 0.000000e+00 : f32
    %broadcast_in_dim3A_288 = vector.broadcast %broadcast_in_dim3A_287 : f32 to vector<16xf32>
    %swap3A_289 = arith.constant 4 : i32
    %swap3A_290 = arith.index_cast %swap3A_289 : i32 to index
    %swap3A_291 = arith.constant 64 : index
    %swap3A_292 = tpu.vector_load %arg8[%swap3A_290, %swap3A_291] {strides = array<i32>} : memref<16x128xf32, #tpu.memory_space<vmem>>, vector<1x16xf32>,
    %swap3A_293 = vector.shape_cast %swap3A_292 : vector<1x16xf32> to vector<16xf32>
    %swap3A_294 = vector.shape_cast %broadcast_in_dim3A_288 : vector<16xf32> to vector<1x16xf32>
    tpu.vector_store %arg8[%swap3A_290, %swap3A_291], %swap3A_294 {strides = array<i32>} : memref<16x128xf32, #tpu.memory_space<vmem>>, vector<1x16xf32>,
    %broadcast_in_dim3A_295 = arith.constant 0.000000e+00 : f32
    %broadcast_in_dim3A_296 = vector.broadcast %broadcast_in_dim3A_295 : f32 to vector<16xf32>
    %swap3A_297 = arith.constant 4 : i32
    %swap3A_298 = arith.index_cast %swap3A_297 : i32 to index
    %swap3A_299 = arith.constant 80 : index
    %swap3A_300 = tpu.vector_load %arg8[%swap3A_298, %swap3A_299] {strides = array<i32>} : memref<16x128xf32, #tpu.memory_space<vmem>>, vector<1x16xf32>,
    %swap3A_301 = vector.shape_cast %swap3A_300 : vector<1x16xf32> to vector<16xf32>
    %swap3A_302 = vector.shape_cast %broadcast_in_dim3A_296 : vector<16xf32> to vector<1x16xf32>
    tpu.vector_store %arg8[%swap3A_298, %swap3A_299], %swap3A_302 {strides = array<i32>} : memref<16x128xf32, #tpu.memory_space<vmem>>, vector<1x16xf32>,
    %broadcast_in_dim3A_303 = arith.constant 0.000000e+00 : f32
    %broadcast_in_dim3A_304 = vector.broadcast %broadcast_in_dim3A_303 : f32 to vector<16xf32>
    %swap3A_305 = arith.constant 4 : i32
    %swap3A_306 = arith.index_cast %swap3A_305 : i32 to index
    %swap3A_307 = arith.constant 96 : index
    %swap3A_308 = tpu.vector_load %arg8[%swap3A_306, %swap3A_307] {strides = array<i32>} : memref<16x128xf32, #tpu.memory_space<vmem>>, vector<1x16xf32>,
    %swap3A_309 = vector.shape_cast %swap3A_308 : vector<1x16xf32> to vector<16xf32>
    %swap3A_310 = vector.shape_cast %broadcast_in_dim3A_304 : vector<16xf32> to vector<1x16xf32>
    tpu.vector_store %arg8[%swap3A_306, %swap3A_307], %swap3A_310 {strides = array<i32>} : memref<16x128xf32, #tpu.memory_space<vmem>>, vector<1x16xf32>,
    %broadcast_in_dim3A_311 = arith.constant 0.000000e+00 : f32
    %broadcast_in_dim3A_312 = vector.broadcast %broadcast_in_dim3A_311 : f32 to vector<16xf32>
    %swap3A_313 = arith.constant 4 : i32
    %swap3A_314 = arith.index_cast %swap3A_313 : i32 to index
    %swap3A_315 = arith.constant 112 : index
    %swap3A_316 = tpu.vector_load %arg8[%swap3A_314, %swap3A_315] {strides = array<i32>} : memref<16x128xf32, #tpu.memory_space<vmem>>, vector<1x16xf32>,
    %swap3A_317 = vector.shape_cast %swap3A_316 : vector<1x16xf32> to vector<16xf32>
    %swap3A_318 = vector.shape_cast %broadcast_in_dim3A_312 : vector<16xf32> to vector<1x16xf32>
    tpu.vector_store %arg8[%swap3A_314, %swap3A_315], %swap3A_318 {strides = array<i32>} : memref<16x128xf32, #tpu.memory_space<vmem>>, vector<1x16xf32>,
    %broadcast_in_dim3A_319 = arith.constant 0.000000e+00 : f32
    %broadcast_in_dim3A_320 = vector.broadcast %broadcast_in_dim3A_319 : f32 to vector<16xf32>
    %swap3A_321 = arith.constant 5 : i32
    %swap3A_322 = arith.index_cast %swap3A_321 : i32 to index
    %swap3A_323 = arith.constant 0 : index
    %swap3A_324 = tpu.vector_load %arg8[%swap3A_322, %swap3A_323] {strides = array<i32>} : memref<16x128xf32, #tpu.memory_space<vmem>>, vector<1x16xf32>,
    %swap3A_325 = vector.shape_cast %swap3A_324 : vector<1x16xf32> to vector<16xf32>
    %swap3A_326 = vector.shape_cast %broadcast_in_dim3A_320 : vector<16xf32> to vector<1x16xf32>
    tpu.vector_store %arg8[%swap3A_322, %swap3A_323], %swap3A_326 {strides = array<i32>} : memref<16x128xf32, #tpu.memory_space<vmem>>, vector<1x16xf32>,
    %broadcast_in_dim3A_327 = arith.constant 0.000000e+00 : f32
    %broadcast_in_dim3A_328 = vector.broadcast %broadcast_in_dim3A_327 : f32 to vector<16xf32>
    %swap3A_329 = arith.constant 5 : i32
    %swap3A_330 = arith.index_cast %swap3A_329 : i32 to index
    %swap3A_331 = arith.constant 16 : index
    %swap3A_332 = tpu.vector_load %arg8[%swap3A_330, %swap3A_331] {strides = array<i32>} : memref<16x128xf32, #tpu.memory_space<vmem>>, vector<1x16xf32>,
    %swap3A_333 = vector.shape_cast %swap3A_332 : vector<1x16xf32> to vector<16xf32>
    %swap3A_334 = vector.shape_cast %broadcast_in_dim3A_328 : vector<16xf32> to vector<1x16xf32>
    tpu.vector_store %arg8[%swap3A_330, %swap3A_331], %swap3A_334 {strides = array<i32>} : memref<16x128xf32, #tpu.memory_space<vmem>>, vector<1x16xf32>,
    %broadcast_in_dim3A_335 = arith.constant 0.000000e+00 : f32
    %broadcast_in_dim3A_336 = vector.broadcast %broadcast_in_dim3A_335 : f32 to vector<16xf32>
    %swap3A_337 = arith.constant 5 : i32
    %swap3A_338 = arith.index_cast %swap3A_337 : i32 to index
    %swap3A_339 = arith.constant 32 : index
    %swap3A_340 = tpu.vector_load %arg8[%swap3A_338, %swap3A_339] {strides = array<i32>} : memref<16x128xf32, #tpu.memory_space<vmem>>, vector<1x16xf32>,
    %swap3A_341 = vector.shape_cast %swap3A_340 : vector<1x16xf32> to vector<16xf32>
    %swap3A_342 = vector.shape_cast %broadcast_in_dim3A_336 : vector<16xf32> to vector<1x16xf32>
    tpu.vector_store %arg8[%swap3A_338, %swap3A_339], %swap3A_342 {strides = array<i32>} : memref<16x128xf32, #tpu.memory_space<vmem>>, vector<1x16xf32>,
    %broadcast_in_dim3A_343 = arith.constant 0.000000e+00 : f32
    %broadcast_in_dim3A_344 = vector.broadcast %broadcast_in_dim3A_343 : f32 to vector<16xf32>
    %swap3A_345 = arith.constant 5 : i32
    %swap3A_346 = arith.index_cast %swap3A_345 : i32 to index
    %swap3A_347 = arith.constant 48 : index
    %swap3A_348 = tpu.vector_load %arg8[%swap3A_346, %swap3A_347] {strides = array<i32>} : memref<16x128xf32, #tpu.memory_space<vmem>>, vector<1x16xf32>,
    %swap3A_349 = vector.shape_cast %swap3A_348 : vector<1x16xf32> to vector<16xf32>
    %swap3A_350 = vector.shape_cast %broadcast_in_dim3A_344 : vector<16xf32> to vector<1x16xf32>
    tpu.vector_store %arg8[%swap3A_346, %swap3A_347], %swap3A_350 {strides = array<i32>} : memref<16x128xf32, #tpu.memory_space<vmem>>, vector<1x16xf32>,
    %broadcast_in_dim3A_351 = arith.constant 0.000000e+00 : f32
    %broadcast_in_dim3A_352 = vector.broadcast %broadcast_in_dim3A_351 : f32 to vector<16xf32>
    %swap3A_353 = arith.constant 5 : i32
    %swap3A_354 = arith.index_cast %swap3A_353 : i32 to index
    %swap3A_355 = arith.constant 64 : index
    %swap3A_356 = tpu.vector_load %arg8[%swap3A_354, %swap3A_355] {strides = array<i32>} : memref<16x128xf32, #tpu.memory_space<vmem>>, vector<1x16xf32>,
    %swap3A_357 = vector.shape_cast %swap3A_356 : vector<1x16xf32> to vector<16xf32>
    %swap3A_358 = vector.shape_cast %broadcast_in_dim3A_352 : vector<16xf32> to vector<1x16xf32>
    tpu.vector_store %arg8[%swap3A_354, %swap3A_355], %swap3A_358 {strides = array<i32>} : memref<16x128xf32, #tpu.memory_space<vmem>>, vector<1x16xf32>,
    %broadcast_in_dim3A_359 = arith.constant 0.000000e+00 : f32
    %broadcast_in_dim3A_360 = vector.broadcast %broadcast_in_dim3A_359 : f32 to vector<16xf32>
    %swap3A_361 = arith.constant 5 : i32
    %swap3A_362 = arith.index_cast %swap3A_361 : i32 to index
    %swap3A_363 = arith.constant 80 : index
    %swap3A_364 = tpu.vector_load %arg8[%swap3A_362, %swap3A_363] {strides = array<i32>} : memref<16x128xf32, #tpu.memory_space<vmem>>, vector<1x16xf32>,
    %swap3A_365 = vector.shape_cast %swap3A_364 : vector<1x16xf32> to vector<16xf32>
    %swap3A_366 = vector.shape_cast %broadcast_in_dim3A_360 : vector<16xf32> to vector<1x16xf32>
    tpu.vector_store %arg8[%swap3A_362, %swap3A_363], %swap3A_366 {strides = array<i32>} : memref<16x128xf32, #tpu.memory_space<vmem>>, vector<1x16xf32>,
    %broadcast_in_dim3A_367 = arith.constant 0.000000e+00 : f32
    %broadcast_in_dim3A_368 = vector.broadcast %broadcast_in_dim3A_367 : f32 to vector<16xf32>
    %swap3A_369 = arith.constant 5 : i32
    %swap3A_370 = arith.index_cast %swap3A_369 : i32 to index
    %swap3A_371 = arith.constant 96 : index
    %swap3A_372 = tpu.vector_load %arg8[%swap3A_370, %swap3A_371] {strides = array<i32>} : memref<16x128xf32, #tpu.memory_space<vmem>>, vector<1x16xf32>,
    %swap3A_373 = vector.shape_cast %swap3A_372 : vector<1x16xf32> to vector<16xf32>
    %swap3A_374 = vector.shape_cast %broadcast_in_dim3A_368 : vector<16xf32> to vector<1x16xf32>
    tpu.vector_store %arg8[%swap3A_370, %swap3A_371], %swap3A_374 {strides = array<i32>} : memref<16x128xf32, #tpu.memory_space<vmem>>, vector<1x16xf32>,
    %broadcast_in_dim3A_375 = arith.constant 0.000000e+00 : f32
    %broadcast_in_dim3A_376 = vector.broadcast %broadcast_in_dim3A_375 : f32 to vector<16xf32>
    %swap3A_377 = arith.constant 5 : i32
    %swap3A_378 = arith.index_cast %swap3A_377 : i32 to index
    %swap3A_379 = arith.constant 112 : index
    %swap3A_380 = tpu.vector_load %arg8[%swap3A_378, %swap3A_379] {strides = array<i32>} : memref<16x128xf32, #tpu.memory_space<vmem>>, vector<1x16xf32>,
    %swap3A_381 = vector.shape_cast %swap3A_380 : vector<1x16xf32> to vector<16xf32>
    %swap3A_382 = vector.shape_cast %broadcast_in_dim3A_376 : vector<16xf32> to vector<1x16xf32>
    tpu.vector_store %arg8[%swap3A_378, %swap3A_379], %swap3A_382 {strides = array<i32>} : memref<16x128xf32, #tpu.memory_space<vmem>>, vector<1x16xf32>,
    %broadcast_in_dim3A_383 = arith.constant 0.000000e+00 : f32
    %broadcast_in_dim3A_384 = vector.broadcast %broadcast_in_dim3A_383 : f32 to vector<16xf32>
    %swap3A_385 = arith.constant 6 : i32
    %swap3A_386 = arith.index_cast %swap3A_385 : i32 to index
    %swap3A_387 = arith.constant 0 : index
    %swap3A_388 = tpu.vector_load %arg8[%swap3A_386, %swap3A_387] {strides = array<i32>} : memref<16x128xf32, #tpu.memory_space<vmem>>, vector<1x16xf32>,
    %swap3A_389 = vector.shape_cast %swap3A_388 : vector<1x16xf32> to vector<16xf32>
    %swap3A_390 = vector.shape_cast %broadcast_in_dim3A_384 : vector<16xf32> to vector<1x16xf32>
    tpu.vector_store %arg8[%swap3A_386, %swap3A_387], %swap3A_390 {strides = array<i32>} : memref<16x128xf32, #tpu.memory_space<vmem>>, vector<1x16xf32>,
    %broadcast_in_dim3A_391 = arith.constant 0.000000e+00 : f32
    %broadcast_in_dim3A_392 = vector.broadcast %broadcast_in_dim3A_391 : f32 to vector<16xf32>
    %swap3A_393 = arith.constant 6 : i32
    %swap3A_394 = arith.index_cast %swap3A_393 : i32 to index
    %swap3A_395 = arith.constant 16 : index
    %swap3A_396 = tpu.vector_load %arg8[%swap3A_394, %swap3A_395] {strides = array<i32>} : memref<16x128xf32, #tpu.memory_space<vmem>>, vector<1x16xf32>,
    %swap3A_397 = vector.shape_cast %swap3A_396 : vector<1x16xf32> to vector<16xf32>
    %swap3A_398 = vector.shape_cast %broadcast_in_dim3A_392 : vector<16xf32> to vector<1x16xf32>
    tpu.vector_store %arg8[%swap3A_394, %swap3A_395], %swap3A_398 {strides = array<i32>} : memref<16x128xf32, #tpu.memory_space<vmem>>, vector<1x16xf32>,
    %broadcast_in_dim3A_399 = arith.constant 0.000000e+00 : f32
    %broadcast_in_dim3A_400 = vector.broadcast %broadcast_in_dim3A_399 : f32 to vector<16xf32>
    %swap3A_401 = arith.constant 6 : i32
    %swap3A_402 = arith.index_cast %swap3A_401 : i32 to index
    %swap3A_403 = arith.constant 32 : index
    %swap3A_404 = tpu.vector_load %arg8[%swap3A_402, %swap3A_403] {strides = array<i32>} : memref<16x128xf32, #tpu.memory_space<vmem>>, vector<1x16xf32>,
    %swap3A_405 = vector.shape_cast %swap3A_404 : vector<1x16xf32> to vector<16xf32>
    %swap3A_406 = vector.shape_cast %broadcast_in_dim3A_400 : vector<16xf32> to vector<1x16xf32>
    tpu.vector_store %arg8[%swap3A_402, %swap3A_403], %swap3A_406 {strides = array<i32>} : memref<16x128xf32, #tpu.memory_space<vmem>>, vector<1x16xf32>,
    %broadcast_in_dim3A_407 = arith.constant 0.000000e+00 : f32
    %broadcast_in_dim3A_408 = vector.broadcast %broadcast_in_dim3A_407 : f32 to vector<16xf32>
    %swap3A_409 = arith.constant 6 : i32
    %swap3A_410 = arith.index_cast %swap3A_409 : i32 to index
    %swap3A_411 = arith.constant 48 : index
    %swap3A_412 = tpu.vector_load %arg8[%swap3A_410, %swap3A_411] {strides = array<i32>} : memref<16x128xf32, #tpu.memory_space<vmem>>, vector<1x16xf32>,
    %swap3A_413 = vector.shape_cast %swap3A_412 : vector<1x16xf32> to vector<16xf32>
    %swap3A_414 = vector.shape_cast %broadcast_in_dim3A_408 : vector<16xf32> to vector<1x16xf32>
    tpu.vector_store %arg8[%swap3A_410, %swap3A_411], %swap3A_414 {strides = array<i32>} : memref<16x128xf32, #tpu.memory_space<vmem>>, vector<1x16xf32>,
    %broadcast_in_dim3A_415 = arith.constant 0.000000e+00 : f32
    %broadcast_in_dim3A_416 = vector.broadcast %broadcast_in_dim3A_415 : f32 to vector<16xf32>
    %swap3A_417 = arith.constant 6 : i32
    %swap3A_418 = arith.index_cast %swap3A_417 : i32 to index
    %swap3A_419 = arith.constant 64 : index
    %swap3A_420 = tpu.vector_load %arg8[%swap3A_418, %swap3A_419] {strides = array<i32>} : memref<16x128xf32, #tpu.memory_space<vmem>>, vector<1x16xf32>,
    %swap3A_421 = vector.shape_cast %swap3A_420 : vector<1x16xf32> to vector<16xf32>
    %swap3A_422 = vector.shape_cast %broadcast_in_dim3A_416 : vector<16xf32> to vector<1x16xf32>
    tpu.vector_store %arg8[%swap3A_418, %swap3A_419], %swap3A_422 {strides = array<i32>} : memref<16x128xf32, #tpu.memory_space<vmem>>, vector<1x16xf32>,
    %broadcast_in_dim3A_423 = arith.constant 0.000000e+00 : f32
    %broadcast_in_dim3A_424 = vector.broadcast %broadcast_in_dim3A_423 : f32 to vector<16xf32>
    %swap3A_425 = arith.constant 6 : i32
    %swap3A_426 = arith.index_cast %swap3A_425 : i32 to index
    %swap3A_427 = arith.constant 80 : index
    %swap3A_428 = tpu.vector_load %arg8[%swap3A_426, %swap3A_427] {strides = array<i32>} : memref<16x128xf32, #tpu.memory_space<vmem>>, vector<1x16xf32>,
    %swap3A_429 = vector.shape_cast %swap3A_428 : vector<1x16xf32> to vector<16xf32>
    %swap3A_430 = vector.shape_cast %broadcast_in_dim3A_424 : vector<16xf32> to vector<1x16xf32>
    tpu.vector_store %arg8[%swap3A_426, %swap3A_427], %swap3A_430 {strides = array<i32>} : memref<16x128xf32, #tpu.memory_space<vmem>>, vector<1x16xf32>,
    %broadcast_in_dim3A_431 = arith.constant 0.000000e+00 : f32
    %broadcast_in_dim3A_432 = vector.broadcast %broadcast_in_dim3A_431 : f32 to vector<16xf32>
    %swap3A_433 = arith.constant 6 : i32
    %swap3A_434 = arith.index_cast %swap3A_433 : i32 to index
    %swap3A_435 = arith.constant 96 : index
    %swap3A_436 = tpu.vector_load %arg8[%swap3A_434, %swap3A_435] {strides = array<i32>} : memref<16x128xf32, #tpu.memory_space<vmem>>, vector<1x16xf32>,
    %swap3A_437 = vector.shape_cast %swap3A_436 : vector<1x16xf32> to vector<16xf32>
    %swap3A_438 = vector.shape_cast %broadcast_in_dim3A_432 : vector<16xf32> to vector<1x16xf32>
    tpu.vector_store %arg8[%swap3A_434, %swap3A_435], %swap3A_438 {strides = array<i32>} : memref<16x128xf32, #tpu.memory_space<vmem>>, vector<1x16xf32>,
    %broadcast_in_dim3A_439 = arith.constant 0.000000e+00 : f32
    %broadcast_in_dim3A_440 = vector.broadcast %broadcast_in_dim3A_439 : f32 to vector<16xf32>
    %swap3A_441 = arith.constant 6 : i32
    %swap3A_442 = arith.index_cast %swap3A_441 : i32 to index
    %swap3A_443 = arith.constant 112 : index
    %swap3A_444 = tpu.vector_load %arg8[%swap3A_442, %swap3A_443] {strides = array<i32>} : memref<16x128xf32, #tpu.memory_space<vmem>>, vector<1x16xf32>,
    %swap3A_445 = vector.shape_cast %swap3A_444 : vector<1x16xf32> to vector<16xf32>
    %swap3A_446 = vector.shape_cast %broadcast_in_dim3A_440 : vector<16xf32> to vector<1x16xf32>
    tpu.vector_store %arg8[%swap3A_442, %swap3A_443], %swap3A_446 {strides = array<i32>} : memref<16x128xf32, #tpu.memory_space<vmem>>, vector<1x16xf32>,
    %broadcast_in_dim3A_447 = arith.constant 0.000000e+00 : f32
    %broadcast_in_dim3A_448 = vector.broadcast %broadcast_in_dim3A_447 : f32 to vector<16xf32>
    %swap3A_449 = arith.constant 7 : i32
    %swap3A_450 = arith.index_cast %swap3A_449 : i32 to index
    %swap3A_451 = arith.constant 0 : index
    %swap3A_452 = tpu.vector_load %arg8[%swap3A_450, %swap3A_451] {strides = array<i32>} : memref<16x128xf32, #tpu.memory_space<vmem>>, vector<1x16xf32>,
    %swap3A_453 = vector.shape_cast %swap3A_452 : vector<1x16xf32> to vector<16xf32>
    %swap3A_454 = vector.shape_cast %broadcast_in_dim3A_448 : vector<16xf32> to vector<1x16xf32>
    tpu.vector_store %arg8[%swap3A_450, %swap3A_451], %swap3A_454 {strides = array<i32>} : memref<16x128xf32, #tpu.memory_space<vmem>>, vector<1x16xf32>,
    %broadcast_in_dim3A_455 = arith.constant 0.000000e+00 : f32
    %broadcast_in_dim3A_456 = vector.broadcast %broadcast_in_dim3A_455 : f32 to vector<16xf32>
    %swap3A_457 = arith.constant 7 : i32
    %swap3A_458 = arith.index_cast %swap3A_457 : i32 to index
    %swap3A_459 = arith.constant 16 : index
    %swap3A_460 = tpu.vector_load %arg8[%swap3A_458, %swap3A_459] {strides = array<i32>} : memref<16x128xf32, #tpu.memory_space<vmem>>, vector<1x16xf32>,
    %swap3A_461 = vector.shape_cast %swap3A_460 : vector<1x16xf32> to vector<16xf32>
    %swap3A_462 = vector.shape_cast %broadcast_in_dim3A_456 : vector<16xf32> to vector<1x16xf32>
    tpu.vector_store %arg8[%swap3A_458, %swap3A_459], %swap3A_462 {strides = array<i32>} : memref<16x128xf32, #tpu.memory_space<vmem>>, vector<1x16xf32>,
    %broadcast_in_dim3A_463 = arith.constant 0.000000e+00 : f32
    %broadcast_in_dim3A_464 = vector.broadcast %broadcast_in_dim3A_463 : f32 to vector<16xf32>
    %swap3A_465 = arith.constant 7 : i32
    %swap3A_466 = arith.index_cast %swap3A_465 : i32 to index
    %swap3A_467 = arith.constant 32 : index
    %swap3A_468 = tpu.vector_load %arg8[%swap3A_466, %swap3A_467] {strides = array<i32>} : memref<16x128xf32, #tpu.memory_space<vmem>>, vector<1x16xf32>,
    %swap3A_469 = vector.shape_cast %swap3A_468 : vector<1x16xf32> to vector<16xf32>
    %swap3A_470 = vector.shape_cast %broadcast_in_dim3A_464 : vector<16xf32> to vector<1x16xf32>
    tpu.vector_store %arg8[%swap3A_466, %swap3A_467], %swap3A_470 {strides = array<i32>} : memref<16x128xf32, #tpu.memory_space<vmem>>, vector<1x16xf32>,
    %broadcast_in_dim3A_471 = arith.constant 0.000000e+00 : f32
    %broadcast_in_dim3A_472 = vector.broadcast %broadcast_in_dim3A_471 : f32 to vector<16xf32>
    %swap3A_473 = arith.constant 7 : i32
    %swap3A_474 = arith.index_cast %swap3A_473 : i32 to index
    %swap3A_475 = arith.constant 48 : index
    %swap3A_476 = tpu.vector_load %arg8[%swap3A_474, %swap3A_475] {strides = array<i32>} : memref<16x128xf32, #tpu.memory_space<vmem>>, vector<1x16xf32>,
    %swap3A_477 = vector.shape_cast %swap3A_476 : vector<1x16xf32> to vector<16xf32>
    %swap3A_478 = vector.shape_cast %broadcast_in_dim3A_472 : vector<16xf32> to vector<1x16xf32>
    tpu.vector_store %arg8[%swap3A_474, %swap3A_475], %swap3A_478 {strides = array<i32>} : memref<16x128xf32, #tpu.memory_space<vmem>>, vector<1x16xf32>,
    %broadcast_in_dim3A_479 = arith.constant 0.000000e+00 : f32
    %broadcast_in_dim3A_480 = vector.broadcast %broadcast_in_dim3A_479 : f32 to vector<16xf32>
    %swap3A_481 = arith.constant 7 : i32
    %swap3A_482 = arith.index_cast %swap3A_481 : i32 to index
    %swap3A_483 = arith.constant 64 : index
    %swap3A_484 = tpu.vector_load %arg8[%swap3A_482, %swap3A_483] {strides = array<i32>} : memref<16x128xf32, #tpu.memory_space<vmem>>, vector<1x16xf32>,
    %swap3A_485 = vector.shape_cast %swap3A_484 : vector<1x16xf32> to vector<16xf32>
    %swap3A_486 = vector.shape_cast %broadcast_in_dim3A_480 : vector<16xf32> to vector<1x16xf32>
    tpu.vector_store %arg8[%swap3A_482, %swap3A_483], %swap3A_486 {strides = array<i32>} : memref<16x128xf32, #tpu.memory_space<vmem>>, vector<1x16xf32>,
    %broadcast_in_dim3A_487 = arith.constant 0.000000e+00 : f32
    %broadcast_in_dim3A_488 = vector.broadcast %broadcast_in_dim3A_487 : f32 to vector<16xf32>
    %swap3A_489 = arith.constant 7 : i32
    %swap3A_490 = arith.index_cast %swap3A_489 : i32 to index
    %swap3A_491 = arith.constant 80 : index
    %swap3A_492 = tpu.vector_load %arg8[%swap3A_490, %swap3A_491] {strides = array<i32>} : memref<16x128xf32, #tpu.memory_space<vmem>>, vector<1x16xf32>,
    %swap3A_493 = vector.shape_cast %swap3A_492 : vector<1x16xf32> to vector<16xf32>
    %swap3A_494 = vector.shape_cast %broadcast_in_dim3A_488 : vector<16xf32> to vector<1x16xf32>
    tpu.vector_store %arg8[%swap3A_490, %swap3A_491], %swap3A_494 {strides = array<i32>} : memref<16x128xf32, #tpu.memory_space<vmem>>, vector<1x16xf32>,
    %broadcast_in_dim3A_495 = arith.constant 0.000000e+00 : f32
    %broadcast_in_dim3A_496 = vector.broadcast %broadcast_in_dim3A_495 : f32 to vector<16xf32>
    %swap3A_497 = arith.constant 7 : i32
    %swap3A_498 = arith.index_cast %swap3A_497 : i32 to index
    %swap3A_499 = arith.constant 96 : index
    %swap3A_500 = tpu.vector_load %arg8[%swap3A_498, %swap3A_499] {strides = array<i32>} : memref<16x128xf32, #tpu.memory_space<vmem>>, vector<1x16xf32>,
    %swap3A_501 = vector.shape_cast %swap3A_500 : vector<1x16xf32> to vector<16xf32>
    %swap3A_502 = vector.shape_cast %broadcast_in_dim3A_496 : vector<16xf32> to vector<1x16xf32>
    tpu.vector_store %arg8[%swap3A_498, %swap3A_499], %swap3A_502 {strides = array<i32>} : memref<16x128xf32, #tpu.memory_space<vmem>>, vector<1x16xf32>,
    %broadcast_in_dim3A_503 = arith.constant 0.000000e+00 : f32
    %broadcast_in_dim3A_504 = vector.broadcast %broadcast_in_dim3A_503 : f32 to vector<16xf32>
    %swap3A_505 = arith.constant 7 : i32
    %swap3A_506 = arith.index_cast %swap3A_505 : i32 to index
    %swap3A_507 = arith.constant 112 : index
    %swap3A_508 = tpu.vector_load %arg8[%swap3A_506, %swap3A_507] {strides = array<i32>} : memref<16x128xf32, #tpu.memory_space<vmem>>, vector<1x16xf32>,
    %swap3A_509 = vector.shape_cast %swap3A_508 : vector<1x16xf32> to vector<16xf32>
    %swap3A_510 = vector.shape_cast %broadcast_in_dim3A_504 : vector<16xf32> to vector<1x16xf32>
    tpu.vector_store %arg8[%swap3A_506, %swap3A_507], %swap3A_510 {strides = array<i32>} : memref<16x128xf32, #tpu.memory_space<vmem>>, vector<1x16xf32>,
    %broadcast_in_dim3A_511 = arith.constant 0.000000e+00 : f32
    %broadcast_in_dim3A_512 = vector.broadcast %broadcast_in_dim3A_511 : f32 to vector<16xf32>
    %swap3A_513 = arith.constant 8 : i32
    %swap3A_514 = arith.index_cast %swap3A_513 : i32 to index
    %swap3A_515 = arith.constant 0 : index
    %swap3A_516 = tpu.vector_load %arg8[%swap3A_514, %swap3A_515] {strides = array<i32>} : memref<16x128xf32, #tpu.memory_space<vmem>>, vector<1x16xf32>,
    %swap3A_517 = vector.shape_cast %swap3A_516 : vector<1x16xf32> to vector<16xf32>
    %swap3A_518 = vector.shape_cast %broadcast_in_dim3A_512 : vector<16xf32> to vector<1x16xf32>
    tpu.vector_store %arg8[%swap3A_514, %swap3A_515], %swap3A_518 {strides = array<i32>} : memref<16x128xf32, #tpu.memory_space<vmem>>, vector<1x16xf32>,
    %broadcast_in_dim3A_519 = arith.constant 0.000000e+00 : f32
    %broadcast_in_dim3A_520 = vector.broadcast %broadcast_in_dim3A_519 : f32 to vector<16xf32>
    %swap3A_521 = arith.constant 8 : i32
    %swap3A_522 = arith.index_cast %swap3A_521 : i32 to index
    %swap3A_523 = arith.constant 16 : index
    %swap3A_524 = tpu.vector_load %arg8[%swap3A_522, %swap3A_523] {strides = array<i32>} : memref<16x128xf32, #tpu.memory_space<vmem>>, vector<1x16xf32>,
    %swap3A_525 = vector.shape_cast %swap3A_524 : vector<1x16xf32> to vector<16xf32>
    %swap3A_526 = vector.shape_cast %broadcast_in_dim3A_520 : vector<16xf32> to vector<1x16xf32>
    tpu.vector_store %arg8[%swap3A_522, %swap3A_523], %swap3A_526 {strides = array<i32>} : memref<16x128xf32, #tpu.memory_space<vmem>>, vector<1x16xf32>,
    %broadcast_in_dim3A_527 = arith.constant 0.000000e+00 : f32
    %broadcast_in_dim3A_528 = vector.broadcast %broadcast_in_dim3A_527 : f32 to vector<16xf32>
    %swap3A_529 = arith.constant 8 : i32
    %swap3A_530 = arith.index_cast %swap3A_529 : i32 to index
    %swap3A_531 = arith.constant 32 : index
    %swap3A_532 = tpu.vector_load %arg8[%swap3A_530, %swap3A_531] {strides = array<i32>} : memref<16x128xf32, #tpu.memory_space<vmem>>, vector<1x16xf32>,
    %swap3A_533 = vector.shape_cast %swap3A_532 : vector<1x16xf32> to vector<16xf32>
    %swap3A_534 = vector.shape_cast %broadcast_in_dim3A_528 : vector<16xf32> to vector<1x16xf32>
    tpu.vector_store %arg8[%swap3A_530, %swap3A_531], %swap3A_534 {strides = array<i32>} : memref<16x128xf32, #tpu.memory_space<vmem>>, vector<1x16xf32>,
    %broadcast_in_dim3A_535 = arith.constant 0.000000e+00 : f32
    %broadcast_in_dim3A_536 = vector.broadcast %broadcast_in_dim3A_535 : f32 to vector<16xf32>
    %swap3A_537 = arith.constant 8 : i32
    %swap3A_538 = arith.index_cast %swap3A_537 : i32 to index
    %swap3A_539 = arith.constant 48 : index
    %swap3A_540 = tpu.vector_load %arg8[%swap3A_538, %swap3A_539] {strides = array<i32>} : memref<16x128xf32, #tpu.memory_space<vmem>>, vector<1x16xf32>,
    %swap3A_541 = vector.shape_cast %swap3A_540 : vector<1x16xf32> to vector<16xf32>
    %swap3A_542 = vector.shape_cast %broadcast_in_dim3A_536 : vector<16xf32> to vector<1x16xf32>
    tpu.vector_store %arg8[%swap3A_538, %swap3A_539], %swap3A_542 {strides = array<i32>} : memref<16x128xf32, #tpu.memory_space<vmem>>, vector<1x16xf32>,
    %broadcast_in_dim3A_543 = arith.constant 0.000000e+00 : f32
    %broadcast_in_dim3A_544 = vector.broadcast %broadcast_in_dim3A_543 : f32 to vector<16xf32>
    %swap3A_545 = arith.constant 8 : i32
    %swap3A_546 = arith.index_cast %swap3A_545 : i32 to index
    %swap3A_547 = arith.constant 64 : index
    %swap3A_548 = tpu.vector_load %arg8[%swap3A_546, %swap3A_547] {strides = array<i32>} : memref<16x128xf32, #tpu.memory_space<vmem>>, vector<1x16xf32>,
    %swap3A_549 = vector.shape_cast %swap3A_548 : vector<1x16xf32> to vector<16xf32>
    %swap3A_550 = vector.shape_cast %broadcast_in_dim3A_544 : vector<16xf32> to vector<1x16xf32>
    tpu.vector_store %arg8[%swap3A_546, %swap3A_547], %swap3A_550 {strides = array<i32>} : memref<16x128xf32, #tpu.memory_space<vmem>>, vector<1x16xf32>,
    %broadcast_in_dim3A_551 = arith.constant 0.000000e+00 : f32
    %broadcast_in_dim3A_552 = vector.broadcast %broadcast_in_dim3A_551 : f32 to vector<16xf32>
    %swap3A_553 = arith.constant 8 : i32
    %swap3A_554 = arith.index_cast %swap3A_553 : i32 to index
    %swap3A_555 = arith.constant 80 : index
    %swap3A_556 = tpu.vector_load %arg8[%swap3A_554, %swap3A_555] {strides = array<i32>} : memref<16x128xf32, #tpu.memory_space<vmem>>, vector<1x16xf32>,
    %swap3A_557 = vector.shape_cast %swap3A_556 : vector<1x16xf32> to vector<16xf32>
    %swap3A_558 = vector.shape_cast %broadcast_in_dim3A_552 : vector<16xf32> to vector<1x16xf32>
    tpu.vector_store %arg8[%swap3A_554, %swap3A_555], %swap3A_558 {strides = array<i32>} : memref<16x128xf32, #tpu.memory_space<vmem>>, vector<1x16xf32>,
    %broadcast_in_dim3A_559 = arith.constant 0.000000e+00 : f32
    %broadcast_in_dim3A_560 = vector.broadcast %broadcast_in_dim3A_559 : f32 to vector<16xf32>
    %swap3A_561 = arith.constant 8 : i32
    %swap3A_562 = arith.index_cast %swap3A_561 : i32 to index
    %swap3A_563 = arith.constant 96 : index
    %swap3A_564 = tpu.vector_load %arg8[%swap3A_562, %swap3A_563] {strides = array<i32>} : memref<16x128xf32, #tpu.memory_space<vmem>>, vector<1x16xf32>,
    %swap3A_565 = vector.shape_cast %swap3A_564 : vector<1x16xf32> to vector<16xf32>
    %swap3A_566 = vector.shape_cast %broadcast_in_dim3A_560 : vector<16xf32> to vector<1x16xf32>
    tpu.vector_store %arg8[%swap3A_562, %swap3A_563], %swap3A_566 {strides = array<i32>} : memref<16x128xf32, #tpu.memory_space<vmem>>, vector<1x16xf32>,
    %broadcast_in_dim3A_567 = arith.constant 0.000000e+00 : f32
    %broadcast_in_dim3A_568 = vector.broadcast %broadcast_in_dim3A_567 : f32 to vector<16xf32>
    %swap3A_569 = arith.constant 8 : i32
    %swap3A_570 = arith.index_cast %swap3A_569 : i32 to index
    %swap3A_571 = arith.constant 112 : index
    %swap3A_572 = tpu.vector_load %arg8[%swap3A_570, %swap3A_571] {strides = array<i32>} : memref<16x128xf32, #tpu.memory_space<vmem>>, vector<1x16xf32>,
    %swap3A_573 = vector.shape_cast %swap3A_572 : vector<1x16xf32> to vector<16xf32>
    %swap3A_574 = vector.shape_cast %broadcast_in_dim3A_568 : vector<16xf32> to vector<1x16xf32>
    tpu.vector_store %arg8[%swap3A_570, %swap3A_571], %swap3A_574 {strides = array<i32>} : memref<16x128xf32, #tpu.memory_space<vmem>>, vector<1x16xf32>,
    %broadcast_in_dim3A_575 = arith.constant 0.000000e+00 : f32
    %broadcast_in_dim3A_576 = vector.broadcast %broadcast_in_dim3A_575 : f32 to vector<16xf32>
    %swap3A_577 = arith.constant 9 : i32
    %swap3A_578 = arith.index_cast %swap3A_577 : i32 to index
    %swap3A_579 = arith.constant 0 : index
    %swap3A_580 = tpu.vector_load %arg8[%swap3A_578, %swap3A_579] {strides = array<i32>} : memref<16x128xf32, #tpu.memory_space<vmem>>, vector<1x16xf32>,
    %swap3A_581 = vector.shape_cast %swap3A_580 : vector<1x16xf32> to vector<16xf32>
    %swap3A_582 = vector.shape_cast %broadcast_in_dim3A_576 : vector<16xf32> to vector<1x16xf32>
    tpu.vector_store %arg8[%swap3A_578, %swap3A_579], %swap3A_582 {strides = array<i32>} : memref<16x128xf32, #tpu.memory_space<vmem>>, vector<1x16xf32>,
    %broadcast_in_dim3A_583 = arith.constant 0.000000e+00 : f32
    %broadcast_in_dim3A_584 = vector.broadcast %broadcast_in_dim3A_583 : f32 to vector<16xf32>
    %swap3A_585 = arith.constant 9 : i32
    %swap3A_586 = arith.index_cast %swap3A_585 : i32 to index
    %swap3A_587 = arith.constant 16 : index
    %swap3A_588 = tpu.vector_load %arg8[%swap3A_586, %swap3A_587] {strides = array<i32>} : memref<16x128xf32, #tpu.memory_space<vmem>>, vector<1x16xf32>,
    %swap3A_589 = vector.shape_cast %swap3A_588 : vector<1x16xf32> to vector<16xf32>
    %swap3A_590 = vector.shape_cast %broadcast_in_dim3A_584 : vector<16xf32> to vector<1x16xf32>
    tpu.vector_store %arg8[%swap3A_586, %swap3A_587], %swap3A_590 {strides = array<i32>} : memref<16x128xf32, #tpu.memory_space<vmem>>, vector<1x16xf32>,
    %broadcast_in_dim3A_591 = arith.constant 0.000000e+00 : f32
    %broadcast_in_dim3A_592 = vector.broadcast %broadcast_in_dim3A_591 : f32 to vector<16xf32>
    %swap3A_593 = arith.constant 9 : i32
    %swap3A_594 = arith.index_cast %swap3A_593 : i32 to index
    %swap3A_595 = arith.constant 32 : index
    %swap3A_596 = tpu.vector_load %arg8[%swap3A_594, %swap3A_595] {strides = array<i32>} : memref<16x128xf32, #tpu.memory_space<vmem>>, vector<1x16xf32>,
    %swap3A_597 = vector.shape_cast %swap3A_596 : vector<1x16xf32> to vector<16xf32>
    %swap3A_598 = vector.shape_cast %broadcast_in_dim3A_592 : vector<16xf32> to vector<1x16xf32>
    tpu.vector_store %arg8[%swap3A_594, %swap3A_595], %swap3A_598 {strides = array<i32>} : memref<16x128xf32, #tpu.memory_space<vmem>>, vector<1x16xf32>,
    %broadcast_in_dim3A_599 = arith.constant 0.000000e+00 : f32
    %broadcast_in_dim3A_600 = vector.broadcast %broadcast_in_dim3A_599 : f32 to vector<16xf32>
    %swap3A_601 = arith.constant 9 : i32
    %swap3A_602 = arith.index_cast %swap3A_601 : i32 to index
    %swap3A_603 = arith.constant 48 : index
    %swap3A_604 = tpu.vector_load %arg8[%swap3A_602, %swap3A_603] {strides = array<i32>} : memref<16x128xf32, #tpu.memory_space<vmem>>, vector<1x16xf32>,
    %swap3A_605 = vector.shape_cast %swap3A_604 : vector<1x16xf32> to vector<16xf32>
    %swap3A_606 = vector.shape_cast %broadcast_in_dim3A_600 : vector<16xf32> to vector<1x16xf32>
    tpu.vector_store %arg8[%swap3A_602, %swap3A_603], %swap3A_606 {strides = array<i32>} : memref<16x128xf32, #tpu.memory_space<vmem>>, vector<1x16xf32>,
    %broadcast_in_dim3A_607 = arith.constant 0.000000e+00 : f32
    %broadcast_in_dim3A_608 = vector.broadcast %broadcast_in_dim3A_607 : f32 to vector<16xf32>
    %swap3A_609 = arith.constant 9 : i32
    %swap3A_610 = arith.index_cast %swap3A_609 : i32 to index
    %swap3A_611 = arith.constant 64 : index
    %swap3A_612 = tpu.vector_load %arg8[%swap3A_610, %swap3A_611] {strides = array<i32>} : memref<16x128xf32, #tpu.memory_space<vmem>>, vector<1x16xf32>,
    %swap3A_613 = vector.shape_cast %swap3A_612 : vector<1x16xf32> to vector<16xf32>
    %swap3A_614 = vector.shape_cast %broadcast_in_dim3A_608 : vector<16xf32> to vector<1x16xf32>
    tpu.vector_store %arg8[%swap3A_610, %swap3A_611], %swap3A_614 {strides = array<i32>} : memref<16x128xf32, #tpu.memory_space<vmem>>, vector<1x16xf32>,
    %broadcast_in_dim3A_615 = arith.constant 0.000000e+00 : f32
    %broadcast_in_dim3A_616 = vector.broadcast %broadcast_in_dim3A_615 : f32 to vector<16xf32>
    %swap3A_617 = arith.constant 9 : i32
    %swap3A_618 = arith.index_cast %swap3A_617 : i32 to index
    %swap3A_619 = arith.constant 80 : index
    %swap3A_620 = tpu.vector_load %arg8[%swap3A_618, %swap3A_619] {strides = array<i32>} : memref<16x128xf32, #tpu.memory_space<vmem>>, vector<1x16xf32>,
    %swap3A_621 = vector.shape_cast %swap3A_620 : vector<1x16xf32> to vector<16xf32>
    %swap3A_622 = vector.shape_cast %broadcast_in_dim3A_616 : vector<16xf32> to vector<1x16xf32>
    tpu.vector_store %arg8[%swap3A_618, %swap3A_619], %swap3A_622 {strides = array<i32>} : memref<16x128xf32, #tpu.memory_space<vmem>>, vector<1x16xf32>,
    %broadcast_in_dim3A_623 = arith.constant 0.000000e+00 : f32
    %broadcast_in_dim3A_624 = vector.broadcast %broadcast_in_dim3A_623 : f32 to vector<16xf32>
    %swap3A_625 = arith.constant 9 : i32
    %swap3A_626 = arith.index_cast %swap3A_625 : i32 to index
    %swap3A_627 = arith.constant 96 : index
    %swap3A_628 = tpu.vector_load %arg8[%swap3A_626, %swap3A_627] {strides = array<i32>} : memref<16x128xf32, #tpu.memory_space<vmem>>, vector<1x16xf32>,
    %swap3A_629 = vector.shape_cast %swap3A_628 : vector<1x16xf32> to vector<16xf32>
    %swap3A_630 = vector.shape_cast %broadcast_in_dim3A_624 : vector<16xf32> to vector<1x16xf32>
    tpu.vector_store %arg8[%swap3A_626, %swap3A_627], %swap3A_630 {strides = array<i32>} : memref<16x128xf32, #tpu.memory_space<vmem>>, vector<1x16xf32>,
    %broadcast_in_dim3A_631 = arith.constant 0.000000e+00 : f32
    %broadcast_in_dim3A_632 = vector.broadcast %broadcast_in_dim3A_631 : f32 to vector<16xf32>
    %swap3A_633 = arith.constant 9 : i32
    %swap3A_634 = arith.index_cast %swap3A_633 : i32 to index
    %swap3A_635 = arith.constant 112 : index
    %swap3A_636 = tpu.vector_load %arg8[%swap3A_634, %swap3A_635] {strides = array<i32>} : memref<16x128xf32, #tpu.memory_space<vmem>>, vector<1x16xf32>,
    %swap3A_637 = vector.shape_cast %swap3A_636 : vector<1x16xf32> to vector<16xf32>
    %swap3A_638 = vector.shape_cast %broadcast_in_dim3A_632 : vector<16xf32> to vector<1x16xf32>
    tpu.vector_store %arg8[%swap3A_634, %swap3A_635], %swap3A_638 {strides = array<i32>} : memref<16x128xf32, #tpu.memory_space<vmem>>, vector<1x16xf32>,
    %broadcast_in_dim3A_639 = arith.constant 0.000000e+00 : f32
    %broadcast_in_dim3A_640 = vector.broadcast %broadcast_in_dim3A_639 : f32 to vector<16xf32>
    %swap3A_641 = arith.constant 10 : i32
    %swap3A_642 = arith.index_cast %swap3A_641 : i32 to index
    %swap3A_643 = arith.constant 0 : index
    %swap3A_644 = tpu.vector_load %arg8[%swap3A_642, %swap3A_643] {strides = array<i32>} : memref<16x128xf32, #tpu.memory_space<vmem>>, vector<1x16xf32>,
    %swap3A_645 = vector.shape_cast %swap3A_644 : vector<1x16xf32> to vector<16xf32>
    %swap3A_646 = vector.shape_cast %broadcast_in_dim3A_640 : vector<16xf32> to vector<1x16xf32>
    tpu.vector_store %arg8[%swap3A_642, %swap3A_643], %swap3A_646 {strides = array<i32>} : memref<16x128xf32, #tpu.memory_space<vmem>>, vector<1x16xf32>,
    %broadcast_in_dim3A_647 = arith.constant 0.000000e+00 : f32
    %broadcast_in_dim3A_648 = vector.broadcast %broadcast_in_dim3A_647 : f32 to vector<16xf32>
    %swap3A_649 = arith.constant 10 : i32
    %swap3A_650 = arith.index_cast %swap3A_649 : i32 to index
    %swap3A_651 = arith.constant 16 : index
    %swap3A_652 = tpu.vector_load %arg8[%swap3A_650, %swap3A_651] {strides = array<i32>} : memref<16x128xf32, #tpu.memory_space<vmem>>, vector<1x16xf32>,
    %swap3A_653 = vector.shape_cast %swap3A_652 : vector<1x16xf32> to vector<16xf32>
    %swap3A_654 = vector.shape_cast %broadcast_in_dim3A_648 : vector<16xf32> to vector<1x16xf32>
    tpu.vector_store %arg8[%swap3A_650, %swap3A_651], %swap3A_654 {strides = array<i32>} : memref<16x128xf32, #tpu.memory_space<vmem>>, vector<1x16xf32>,
    %broadcast_in_dim3A_655 = arith.constant 0.000000e+00 : f32
    %broadcast_in_dim3A_656 = vector.broadcast %broadcast_in_dim3A_655 : f32 to vector<16xf32>
    %swap3A_657 = arith.constant 10 : i32
    %swap3A_658 = arith.index_cast %swap3A_657 : i32 to index
    %swap3A_659 = arith.constant 32 : index
    %swap3A_660 = tpu.vector_load %arg8[%swap3A_658, %swap3A_659] {strides = array<i32>} : memref<16x128xf32, #tpu.memory_space<vmem>>, vector<1x16xf32>,
    %swap3A_661 = vector.shape_cast %swap3A_660 : vector<1x16xf32> to vector<16xf32>
    %swap3A_662 = vector.shape_cast %broadcast_in_dim3A_656 : vector<16xf32> to vector<1x16xf32>
    tpu.vector_store %arg8[%swap3A_658, %swap3A_659], %swap3A_662 {strides = array<i32>} : memref<16x128xf32, #tpu.memory_space<vmem>>, vector<1x16xf32>,
    %broadcast_in_dim3A_663 = arith.constant 0.000000e+00 : f32
    %broadcast_in_dim3A_664 = vector.broadcast %broadcast_in_dim3A_663 : f32 to vector<16xf32>
    %swap3A_665 = arith.constant 10 : i32
    %swap3A_666 = arith.index_cast %swap3A_665 : i32 to index
    %swap3A_667 = arith.constant 48 : index
    %swap3A_668 = tpu.vector_load %arg8[%swap3A_666, %swap3A_667] {strides = array<i32>} : memref<16x128xf32, #tpu.memory_space<vmem>>, vector<1x16xf32>,
    %swap3A_669 = vector.shape_cast %swap3A_668 : vector<1x16xf32> to vector<16xf32>
    %swap3A_670 = vector.shape_cast %broadcast_in_dim3A_664 : vector<16xf32> to vector<1x16xf32>
    tpu.vector_store %arg8[%swap3A_666, %swap3A_667], %swap3A_670 {strides = array<i32>} : memref<16x128xf32, #tpu.memory_space<vmem>>, vector<1x16xf32>,
    %broadcast_in_dim3A_671 = arith.constant 0.000000e+00 : f32
    %broadcast_in_dim3A_672 = vector.broadcast %broadcast_in_dim3A_671 : f32 to vector<16xf32>
    %swap3A_673 = arith.constant 10 : i32
    %swap3A_674 = arith.index_cast %swap3A_673 : i32 to index
    %swap3A_675 = arith.constant 64 : index
    %swap3A_676 = tpu.vector_load %arg8[%swap3A_674, %swap3A_675] {strides = array<i32>} : memref<16x128xf32, #tpu.memory_space<vmem>>, vector<1x16xf32>,
    %swap3A_677 = vector.shape_cast %swap3A_676 : vector<1x16xf32> to vector<16xf32>
    %swap3A_678 = vector.shape_cast %broadcast_in_dim3A_672 : vector<16xf32> to vector<1x16xf32>
    tpu.vector_store %arg8[%swap3A_674, %swap3A_675], %swap3A_678 {strides = array<i32>} : memref<16x128xf32, #tpu.memory_space<vmem>>, vector<1x16xf32>,
    %broadcast_in_dim3A_679 = arith.constant 0.000000e+00 : f32
    %broadcast_in_dim3A_680 = vector.broadcast %broadcast_in_dim3A_679 : f32 to vector<16xf32>
    %swap3A_681 = arith.constant 10 : i32
    %swap3A_682 = arith.index_cast %swap3A_681 : i32 to index
    %swap3A_683 = arith.constant 80 : index
    %swap3A_684 = tpu.vector_load %arg8[%swap3A_682, %swap3A_683] {strides = array<i32>} : memref<16x128xf32, #tpu.memory_space<vmem>>, vector<1x16xf32>,
    %swap3A_685 = vector.shape_cast %swap3A_684 : vector<1x16xf32> to vector<16xf32>
    %swap3A_686 = vector.shape_cast %broadcast_in_dim3A_680 : vector<16xf32> to vector<1x16xf32>
    tpu.vector_store %arg8[%swap3A_682, %swap3A_683], %swap3A_686 {strides = array<i32>} : memref<16x128xf32, #tpu.memory_space<vmem>>, vector<1x16xf32>,
    %broadcast_in_dim3A_687 = arith.constant 0.000000e+00 : f32
    %broadcast_in_dim3A_688 = vector.broadcast %broadcast_in_dim3A_687 : f32 to vector<16xf32>
    %swap3A_689 = arith.constant 10 : i32
    %swap3A_690 = arith.index_cast %swap3A_689 : i32 to index
    %swap3A_691 = arith.constant 96 : index
    %swap3A_692 = tpu.vector_load %arg8[%swap3A_690, %swap3A_691] {strides = array<i32>} : memref<16x128xf32, #tpu.memory_space<vmem>>, vector<1x16xf32>,
    %swap3A_693 = vector.shape_cast %swap3A_692 : vector<1x16xf32> to vector<16xf32>
    %swap3A_694 = vector.shape_cast %broadcast_in_dim3A_688 : vector<16xf32> to vector<1x16xf32>
    tpu.vector_store %arg8[%swap3A_690, %swap3A_691], %swap3A_694 {strides = array<i32>} : memref<16x128xf32, #tpu.memory_space<vmem>>, vector<1x16xf32>,
    %broadcast_in_dim3A_695 = arith.constant 0.000000e+00 : f32
    %broadcast_in_dim3A_696 = vector.broadcast %broadcast_in_dim3A_695 : f32 to vector<16xf32>
    %swap3A_697 = arith.constant 10 : i32
    %swap3A_698 = arith.index_cast %swap3A_697 : i32 to index
    %swap3A_699 = arith.constant 112 : index
    %swap3A_700 = tpu.vector_load %arg8[%swap3A_698, %swap3A_699] {strides = array<i32>} : memref<16x128xf32, #tpu.memory_space<vmem>>, vector<1x16xf32>,
    %swap3A_701 = vector.shape_cast %swap3A_700 : vector<1x16xf32> to vector<16xf32>
    %swap3A_702 = vector.shape_cast %broadcast_in_dim3A_696 : vector<16xf32> to vector<1x16xf32>
    tpu.vector_store %arg8[%swap3A_698, %swap3A_699], %swap3A_702 {strides = array<i32>} : memref<16x128xf32, #tpu.memory_space<vmem>>, vector<1x16xf32>,
    %broadcast_in_dim3A_703 = arith.constant 0.000000e+00 : f32
    %broadcast_in_dim3A_704 = vector.broadcast %broadcast_in_dim3A_703 : f32 to vector<16xf32>
    %swap3A_705 = arith.constant 11 : i32
    %swap3A_706 = arith.index_cast %swap3A_705 : i32 to index
    %swap3A_707 = arith.constant 0 : index
    %swap3A_708 = tpu.vector_load %arg8[%swap3A_706, %swap3A_707] {strides = array<i32>} : memref<16x128xf32, #tpu.memory_space<vmem>>, vector<1x16xf32>,
    %swap3A_709 = vector.shape_cast %swap3A_708 : vector<1x16xf32> to vector<16xf32>
    %swap3A_710 = vector.shape_cast %broadcast_in_dim3A_704 : vector<16xf32> to vector<1x16xf32>
    tpu.vector_store %arg8[%swap3A_706, %swap3A_707], %swap3A_710 {strides = array<i32>} : memref<16x128xf32, #tpu.memory_space<vmem>>, vector<1x16xf32>,
    %broadcast_in_dim3A_711 = arith.constant 0.000000e+00 : f32
    %broadcast_in_dim3A_712 = vector.broadcast %broadcast_in_dim3A_711 : f32 to vector<16xf32>
    %swap3A_713 = arith.constant 11 : i32
    %swap3A_714 = arith.index_cast %swap3A_713 : i32 to index
    %swap3A_715 = arith.constant 16 : index
    %swap3A_716 = tpu.vector_load %arg8[%swap3A_714, %swap3A_715] {strides = array<i32>} : memref<16x128xf32, #tpu.memory_space<vmem>>, vector<1x16xf32>,
    %swap3A_717 = vector.shape_cast %swap3A_716 : vector<1x16xf32> to vector<16xf32>
    %swap3A_718 = vector.shape_cast %broadcast_in_dim3A_712 : vector<16xf32> to vector<1x16xf32>
    tpu.vector_store %arg8[%swap3A_714, %swap3A_715], %swap3A_718 {strides = array<i32>} : memref<16x128xf32, #tpu.memory_space<vmem>>, vector<1x16xf32>,
    %broadcast_in_dim3A_719 = arith.constant 0.000000e+00 : f32
    %broadcast_in_dim3A_720 = vector.broadcast %broadcast_in_dim3A_719 : f32 to vector<16xf32>
    %swap3A_721 = arith.constant 11 : i32
    %swap3A_722 = arith.index_cast %swap3A_721 : i32 to index
    %swap3A_723 = arith.constant 32 : index
    %swap3A_724 = tpu.vector_load %arg8[%swap3A_722, %swap3A_723] {strides = array<i32>} : memref<16x128xf32, #tpu.memory_space<vmem>>, vector<1x16xf32>,
    %swap3A_725 = vector.shape_cast %swap3A_724 : vector<1x16xf32> to vector<16xf32>
    %swap3A_726 = vector.shape_cast %broadcast_in_dim3A_720 : vector<16xf32> to vector<1x16xf32>
    tpu.vector_store %arg8[%swap3A_722, %swap3A_723], %swap3A_726 {strides = array<i32>} : memref<16x128xf32, #tpu.memory_space<vmem>>, vector<1x16xf32>,
    %broadcast_in_dim3A_727 = arith.constant 0.000000e+00 : f32
    %broadcast_in_dim3A_728 = vector.broadcast %broadcast_in_dim3A_727 : f32 to vector<16xf32>
    %swap3A_729 = arith.constant 11 : i32
    %swap3A_730 = arith.index_cast %swap3A_729 : i32 to index
    %swap3A_731 = arith.constant 48 : index
    %swap3A_732 = tpu.vector_load %arg8[%swap3A_730, %swap3A_731] {strides = array<i32>} : memref<16x128xf32, #tpu.memory_space<vmem>>, vector<1x16xf32>,
    %swap3A_733 = vector.shape_cast %swap3A_732 : vector<1x16xf32> to vector<16xf32>
    %swap3A_734 = vector.shape_cast %broadcast_in_dim3A_728 : vector<16xf32> to vector<1x16xf32>
    tpu.vector_store %arg8[%swap3A_730, %swap3A_731], %swap3A_734 {strides = array<i32>} : memref<16x128xf32, #tpu.memory_space<vmem>>, vector<1x16xf32>,
    %broadcast_in_dim3A_735 = arith.constant 0.000000e+00 : f32
    %broadcast_in_dim3A_736 = vector.broadcast %broadcast_in_dim3A_735 : f32 to vector<16xf32>
    %swap3A_737 = arith.constant 11 : i32
    %swap3A_738 = arith.index_cast %swap3A_737 : i32 to index
    %swap3A_739 = arith.constant 64 : index
    %swap3A_740 = tpu.vector_load %arg8[%swap3A_738, %swap3A_739] {strides = array<i32>} : memref<16x128xf32, #tpu.memory_space<vmem>>, vector<1x16xf32>,
    %swap3A_741 = vector.shape_cast %swap3A_740 : vector<1x16xf32> to vector<16xf32>
    %swap3A_742 = vector.shape_cast %broadcast_in_dim3A_736 : vector<16xf32> to vector<1x16xf32>
    tpu.vector_store %arg8[%swap3A_738, %swap3A_739], %swap3A_742 {strides = array<i32>} : memref<16x128xf32, #tpu.memory_space<vmem>>, vector<1x16xf32>,
    %broadcast_in_dim3A_743 = arith.constant 0.000000e+00 : f32
    %broadcast_in_dim3A_744 = vector.broadcast %broadcast_in_dim3A_743 : f32 to vector<16xf32>
    %swap3A_745 = arith.constant 11 : i32
    %swap3A_746 = arith.index_cast %swap3A_745 : i32 to index
    %swap3A_747 = arith.constant 80 : index
    %swap3A_748 = tpu.vector_load %arg8[%swap3A_746, %swap3A_747] {strides = array<i32>} : memref<16x128xf32, #tpu.memory_space<vmem>>, vector<1x16xf32>,
    %swap3A_749 = vector.shape_cast %swap3A_748 : vector<1x16xf32> to vector<16xf32>
    %swap3A_750 = vector.shape_cast %broadcast_in_dim3A_744 : vector<16xf32> to vector<1x16xf32>
    tpu.vector_store %arg8[%swap3A_746, %swap3A_747], %swap3A_750 {strides = array<i32>} : memref<16x128xf32, #tpu.memory_space<vmem>>, vector<1x16xf32>,
    %broadcast_in_dim3A_751 = arith.constant 0.000000e+00 : f32
    %broadcast_in_dim3A_752 = vector.broadcast %broadcast_in_dim3A_751 : f32 to vector<16xf32>
    %swap3A_753 = arith.constant 11 : i32
    %swap3A_754 = arith.index_cast %swap3A_753 : i32 to index
    %swap3A_755 = arith.constant 96 : index
    %swap3A_756 = tpu.vector_load %arg8[%swap3A_754, %swap3A_755] {strides = array<i32>} : memref<16x128xf32, #tpu.memory_space<vmem>>, vector<1x16xf32>,
    %swap3A_757 = vector.shape_cast %swap3A_756 : vector<1x16xf32> to vector<16xf32>
    %swap3A_758 = vector.shape_cast %broadcast_in_dim3A_752 : vector<16xf32> to vector<1x16xf32>
    tpu.vector_store %arg8[%swap3A_754, %swap3A_755], %swap3A_758 {strides = array<i32>} : memref<16x128xf32, #tpu.memory_space<vmem>>, vector<1x16xf32>,
    %broadcast_in_dim3A_759 = arith.constant 0.000000e+00 : f32
    %broadcast_in_dim3A_760 = vector.broadcast %broadcast_in_dim3A_759 : f32 to vector<16xf32>
    %swap3A_761 = arith.constant 11 : i32
    %swap3A_762 = arith.index_cast %swap3A_761 : i32 to index
    %swap3A_763 = arith.constant 112 : index
    %swap3A_764 = tpu.vector_load %arg8[%swap3A_762, %swap3A_763] {strides = array<i32>} : memref<16x128xf32, #tpu.memory_space<vmem>>, vector<1x16xf32>,
    %swap3A_765 = vector.shape_cast %swap3A_764 : vector<1x16xf32> to vector<16xf32>
    %swap3A_766 = vector.shape_cast %broadcast_in_dim3A_760 : vector<16xf32> to vector<1x16xf32>
    tpu.vector_store %arg8[%swap3A_762, %swap3A_763], %swap3A_766 {strides = array<i32>} : memref<16x128xf32, #tpu.memory_space<vmem>>, vector<1x16xf32>,
    %broadcast_in_dim3A_767 = arith.constant 0.000000e+00 : f32
    %broadcast_in_dim3A_768 = vector.broadcast %broadcast_in_dim3A_767 : f32 to vector<16xf32>
    %swap3A_769 = arith.constant 12 : i32
    %swap3A_770 = arith.index_cast %swap3A_769 : i32 to index
    %swap3A_771 = arith.constant 0 : index
    %swap3A_772 = tpu.vector_load %arg8[%swap3A_770, %swap3A_771] {strides = array<i32>} : memref<16x128xf32, #tpu.memory_space<vmem>>, vector<1x16xf32>,
    %swap3A_773 = vector.shape_cast %swap3A_772 : vector<1x16xf32> to vector<16xf32>
    %swap3A_774 = vector.shape_cast %broadcast_in_dim3A_768 : vector<16xf32> to vector<1x16xf32>
    tpu.vector_store %arg8[%swap3A_770, %swap3A_771], %swap3A_774 {strides = array<i32>} : memref<16x128xf32, #tpu.memory_space<vmem>>, vector<1x16xf32>,
    %broadcast_in_dim3A_775 = arith.constant 0.000000e+00 : f32
    %broadcast_in_dim3A_776 = vector.broadcast %broadcast_in_dim3A_775 : f32 to vector<16xf32>
    %swap3A_777 = arith.constant 12 : i32
    %swap3A_778 = arith.index_cast %swap3A_777 : i32 to index
    %swap3A_779 = arith.constant 16 : index
    %swap3A_780 = tpu.vector_load %arg8[%swap3A_778, %swap3A_779] {strides = array<i32>} : memref<16x128xf32, #tpu.memory_space<vmem>>, vector<1x16xf32>,
    %swap3A_781 = vector.shape_cast %swap3A_780 : vector<1x16xf32> to vector<16xf32>
    %swap3A_782 = vector.shape_cast %broadcast_in_dim3A_776 : vector<16xf32> to vector<1x16xf32>
    tpu.vector_store %arg8[%swap3A_778, %swap3A_779], %swap3A_782 {strides = array<i32>} : memref<16x128xf32, #tpu.memory_space<vmem>>, vector<1x16xf32>,
    %broadcast_in_dim3A_783 = arith.constant 0.000000e+00 : f32
    %broadcast_in_dim3A_784 = vector.broadcast %broadcast_in_dim3A_783 : f32 to vector<16xf32>
    %swap3A_785 = arith.constant 12 : i32
    %swap3A_786 = arith.index_cast %swap3A_785 : i32 to index
    %swap3A_787 = arith.constant 32 : index
    %swap3A_788 = tpu.vector_load %arg8[%swap3A_786, %swap3A_787] {strides = array<i32>} : memref<16x128xf32, #tpu.memory_space<vmem>>, vector<1x16xf32>,
    %swap3A_789 = vector.shape_cast %swap3A_788 : vector<1x16xf32> to vector<16xf32>
    %swap3A_790 = vector.shape_cast %broadcast_in_dim3A_784 : vector<16xf32> to vector<1x16xf32>
    tpu.vector_store %arg8[%swap3A_786, %swap3A_787], %swap3A_790 {strides = array<i32>} : memref<16x128xf32, #tpu.memory_space<vmem>>, vector<1x16xf32>,
    %broadcast_in_dim3A_791 = arith.constant 0.000000e+00 : f32
    %broadcast_in_dim3A_792 = vector.broadcast %broadcast_in_dim3A_791 : f32 to vector<16xf32>
    %swap3A_793 = arith.constant 12 : i32
    %swap3A_794 = arith.index_cast %swap3A_793 : i32 to index
    %swap3A_795 = arith.constant 48 : index
    %swap3A_796 = tpu.vector_load %arg8[%swap3A_794, %swap3A_795] {strides = array<i32>} : memref<16x128xf32, #tpu.memory_space<vmem>>, vector<1x16xf32>,
    %swap3A_797 = vector.shape_cast %swap3A_796 : vector<1x16xf32> to vector<16xf32>
    %swap3A_798 = vector.shape_cast %broadcast_in_dim3A_792 : vector<16xf32> to vector<1x16xf32>
    tpu.vector_store %arg8[%swap3A_794, %swap3A_795], %swap3A_798 {strides = array<i32>} : memref<16x128xf32, #tpu.memory_space<vmem>>, vector<1x16xf32>,
    %broadcast_in_dim3A_799 = arith.constant 0.000000e+00 : f32
    %broadcast_in_dim3A_800 = vector.broadcast %broadcast_in_dim3A_799 : f32 to vector<16xf32>
    %swap3A_801 = arith.constant 12 : i32
    %swap3A_802 = arith.index_cast %swap3A_801 : i32 to index
    %swap3A_803 = arith.constant 64 : index
    %swap3A_804 = tpu.vector_load %arg8[%swap3A_802, %swap3A_803] {strides = array<i32>} : memref<16x128xf32, #tpu.memory_space<vmem>>, vector<1x16xf32>,
    %swap3A_805 = vector.shape_cast %swap3A_804 : vector<1x16xf32> to vector<16xf32>
    %swap3A_806 = vector.shape_cast %broadcast_in_dim3A_800 : vector<16xf32> to vector<1x16xf32>
    tpu.vector_store %arg8[%swap3A_802, %swap3A_803], %swap3A_806 {strides = array<i32>} : memref<16x128xf32, #tpu.memory_space<vmem>>, vector<1x16xf32>,
    %broadcast_in_dim3A_807 = arith.constant 0.000000e+00 : f32
    %broadcast_in_dim3A_808 = vector.broadcast %broadcast_in_dim3A_807 : f32 to vector<16xf32>
    %swap3A_809 = arith.constant 12 : i32
    %swap3A_810 = arith.index_cast %swap3A_809 : i32 to index
    %swap3A_811 = arith.constant 80 : index
    %swap3A_812 = tpu.vector_load %arg8[%swap3A_810, %swap3A_811] {strides = array<i32>} : memref<16x128xf32, #tpu.memory_space<vmem>>, vector<1x16xf32>,
    %swap3A_813 = vector.shape_cast %swap3A_812 : vector<1x16xf32> to vector<16xf32>
    %swap3A_814 = vector.shape_cast %broadcast_in_dim3A_808 : vector<16xf32> to vector<1x16xf32>
    tpu.vector_store %arg8[%swap3A_810, %swap3A_811], %swap3A_814 {strides = array<i32>} : memref<16x128xf32, #tpu.memory_space<vmem>>, vector<1x16xf32>,
    %broadcast_in_dim3A_815 = arith.constant 0.000000e+00 : f32
    %broadcast_in_dim3A_816 = vector.broadcast %broadcast_in_dim3A_815 : f32 to vector<16xf32>
    %swap3A_817 = arith.constant 12 : i32
    %swap3A_818 = arith.index_cast %swap3A_817 : i32 to index
    %swap3A_819 = arith.constant 96 : index
    %swap3A_820 = tpu.vector_load %arg8[%swap3A_818, %swap3A_819] {strides = array<i32>} : memref<16x128xf32, #tpu.memory_space<vmem>>, vector<1x16xf32>,
    %swap3A_821 = vector.shape_cast %swap3A_820 : vector<1x16xf32> to vector<16xf32>
    %swap3A_822 = vector.shape_cast %broadcast_in_dim3A_816 : vector<16xf32> to vector<1x16xf32>
    tpu.vector_store %arg8[%swap3A_818, %swap3A_819], %swap3A_822 {strides = array<i32>} : memref<16x128xf32, #tpu.memory_space<vmem>>, vector<1x16xf32>,
    %broadcast_in_dim3A_823 = arith.constant 0.000000e+00 : f32
    %broadcast_in_dim3A_824 = vector.broadcast %broadcast_in_dim3A_823 : f32 to vector<16xf32>
    %swap3A_825 = arith.constant 12 : i32
    %swap3A_826 = arith.index_cast %swap3A_825 : i32 to index
    %swap3A_827 = arith.constant 112 : index
    %swap3A_828 = tpu.vector_load %arg8[%swap3A_826, %swap3A_827] {strides = array<i32>} : memref<16x128xf32, #tpu.memory_space<vmem>>, vector<1x16xf32>,
    %swap3A_829 = vector.shape_cast %swap3A_828 : vector<1x16xf32> to vector<16xf32>
    %swap3A_830 = vector.shape_cast %broadcast_in_dim3A_824 : vector<16xf32> to vector<1x16xf32>
    tpu.vector_store %arg8[%swap3A_826, %swap3A_827], %swap3A_830 {strides = array<i32>} : memref<16x128xf32, #tpu.memory_space<vmem>>, vector<1x16xf32>,
    %broadcast_in_dim3A_831 = arith.constant 0.000000e+00 : f32
    %broadcast_in_dim3A_832 = vector.broadcast %broadcast_in_dim3A_831 : f32 to vector<16xf32>
    %swap3A_833 = arith.constant 13 : i32
    %swap3A_834 = arith.index_cast %swap3A_833 : i32 to index
    %swap3A_835 = arith.constant 0 : index
    %swap3A_836 = tpu.vector_load %arg8[%swap3A_834, %swap3A_835] {strides = array<i32>} : memref<16x128xf32, #tpu.memory_space<vmem>>, vector<1x16xf32>,
    %swap3A_837 = vector.shape_cast %swap3A_836 : vector<1x16xf32> to vector<16xf32>
    %swap3A_838 = vector.shape_cast %broadcast_in_dim3A_832 : vector<16xf32> to vector<1x16xf32>
    tpu.vector_store %arg8[%swap3A_834, %swap3A_835], %swap3A_838 {strides = array<i32>} : memref<16x128xf32, #tpu.memory_space<vmem>>, vector<1x16xf32>,
    %broadcast_in_dim3A_839 = arith.constant 0.000000e+00 : f32
    %broadcast_in_dim3A_840 = vector.broadcast %broadcast_in_dim3A_839 : f32 to vector<16xf32>
    %swap3A_841 = arith.constant 13 : i32
    %swap3A_842 = arith.index_cast %swap3A_841 : i32 to index
    %swap3A_843 = arith.constant 16 : index
    %swap3A_844 = tpu.vector_load %arg8[%swap3A_842, %swap3A_843] {strides = array<i32>} : memref<16x128xf32, #tpu.memory_space<vmem>>, vector<1x16xf32>,
    %swap3A_845 = vector.shape_cast %swap3A_844 : vector<1x16xf32> to vector<16xf32>
    %swap3A_846 = vector.shape_cast %broadcast_in_dim3A_840 : vector<16xf32> to vector<1x16xf32>
    tpu.vector_store %arg8[%swap3A_842, %swap3A_843], %swap3A_846 {strides = array<i32>} : memref<16x128xf32, #tpu.memory_space<vmem>>, vector<1x16xf32>,
    %broadcast_in_dim3A_847 = arith.constant 0.000000e+00 : f32
    %broadcast_in_dim3A_848 = vector.broadcast %broadcast_in_dim3A_847 : f32 to vector<16xf32>
    %swap3A_849 = arith.constant 13 : i32
    %swap3A_850 = arith.index_cast %swap3A_849 : i32 to index
    %swap3A_851 = arith.constant 32 : index
    %swap3A_852 = tpu.vector_load %arg8[%swap3A_850, %swap3A_851] {strides = array<i32>} : memref<16x128xf32, #tpu.memory_space<vmem>>, vector<1x16xf32>,
    %swap3A_853 = vector.shape_cast %swap3A_852 : vector<1x16xf32> to vector<16xf32>
    %swap3A_854 = vector.shape_cast %broadcast_in_dim3A_848 : vector<16xf32> to vector<1x16xf32>
    tpu.vector_store %arg8[%swap3A_850, %swap3A_851], %swap3A_854 {strides = array<i32>} : memref<16x128xf32, #tpu.memory_space<vmem>>, vector<1x16xf32>,
    %broadcast_in_dim3A_855 = arith.constant 0.000000e+00 : f32
    %broadcast_in_dim3A_856 = vector.broadcast %broadcast_in_dim3A_855 : f32 to vector<16xf32>
    %swap3A_857 = arith.constant 13 : i32
    %swap3A_858 = arith.index_cast %swap3A_857 : i32 to index
    %swap3A_859 = arith.constant 48 : index
    %swap3A_860 = tpu.vector_load %arg8[%swap3A_858, %swap3A_859] {strides = array<i32>} : memref<16x128xf32, #tpu.memory_space<vmem>>, vector<1x16xf32>,
    %swap3A_861 = vector.shape_cast %swap3A_860 : vector<1x16xf32> to vector<16xf32>
    %swap3A_862 = vector.shape_cast %broadcast_in_dim3A_856 : vector<16xf32> to vector<1x16xf32>
    tpu.vector_store %arg8[%swap3A_858, %swap3A_859], %swap3A_862 {strides = array<i32>} : memref<16x128xf32, #tpu.memory_space<vmem>>, vector<1x16xf32>,
    %broadcast_in_dim3A_863 = arith.constant 0.000000e+00 : f32
    %broadcast_in_dim3A_864 = vector.broadcast %broadcast_in_dim3A_863 : f32 to vector<16xf32>
    %swap3A_865 = arith.constant 13 : i32
    %swap3A_866 = arith.index_cast %swap3A_865 : i32 to index
    %swap3A_867 = arith.constant 64 : index
    %swap3A_868 = tpu.vector_load %arg8[%swap3A_866, %swap3A_867] {strides = array<i32>} : memref<16x128xf32, #tpu.memory_space<vmem>>, vector<1x16xf32>,
    %swap3A_869 = vector.shape_cast %swap3A_868 : vector<1x16xf32> to vector<16xf32>
    %swap3A_870 = vector.shape_cast %broadcast_in_dim3A_864 : vector<16xf32> to vector<1x16xf32>
    tpu.vector_store %arg8[%swap3A_866, %swap3A_867], %swap3A_870 {strides = array<i32>} : memref<16x128xf32, #tpu.memory_space<vmem>>, vector<1x16xf32>,
    %broadcast_in_dim3A_871 = arith.constant 0.000000e+00 : f32
    %broadcast_in_dim3A_872 = vector.broadcast %broadcast_in_dim3A_871 : f32 to vector<16xf32>
    %swap3A_873 = arith.constant 13 : i32
    %swap3A_874 = arith.index_cast %swap3A_873 : i32 to index
    %swap3A_875 = arith.constant 80 : index
    %swap3A_876 = tpu.vector_load %arg8[%swap3A_874, %swap3A_875] {strides = array<i32>} : memref<16x128xf32, #tpu.memory_space<vmem>>, vector<1x16xf32>,
    %swap3A_877 = vector.shape_cast %swap3A_876 : vector<1x16xf32> to vector<16xf32>
    %swap3A_878 = vector.shape_cast %broadcast_in_dim3A_872 : vector<16xf32> to vector<1x16xf32>
    tpu.vector_store %arg8[%swap3A_874, %swap3A_875], %swap3A_878 {strides = array<i32>} : memref<16x128xf32, #tpu.memory_space<vmem>>, vector<1x16xf32>,
    %broadcast_in_dim3A_879 = arith.constant 0.000000e+00 : f32
    %broadcast_in_dim3A_880 = vector.broadcast %broadcast_in_dim3A_879 : f32 to vector<16xf32>
    %swap3A_881 = arith.constant 13 : i32
    %swap3A_882 = arith.index_cast %swap3A_881 : i32 to index
    %swap3A_883 = arith.constant 96 : index
    %swap3A_884 = tpu.vector_load %arg8[%swap3A_882, %swap3A_883] {strides = array<i32>} : memref<16x128xf32, #tpu.memory_space<vmem>>, vector<1x16xf32>,
    %swap3A_885 = vector.shape_cast %swap3A_884 : vector<1x16xf32> to vector<16xf32>
    %swap3A_886 = vector.shape_cast %broadcast_in_dim3A_880 : vector<16xf32> to vector<1x16xf32>
    tpu.vector_store %arg8[%swap3A_882, %swap3A_883], %swap3A_886 {strides = array<i32>} : memref<16x128xf32, #tpu.memory_space<vmem>>, vector<1x16xf32>,
    %broadcast_in_dim3A_887 = arith.constant 0.000000e+00 : f32
    %broadcast_in_dim3A_888 = vector.broadcast %broadcast_in_dim3A_887 : f32 to vector<16xf32>
    %swap3A_889 = arith.constant 13 : i32
    %swap3A_890 = arith.index_cast %swap3A_889 : i32 to index
    %swap3A_891 = arith.constant 112 : index
    %swap3A_892 = tpu.vector_load %arg8[%swap3A_890, %swap3A_891] {strides = array<i32>} : memref<16x128xf32, #tpu.memory_space<vmem>>, vector<1x16xf32>,
    %swap3A_893 = vector.shape_cast %swap3A_892 : vector<1x16xf32> to vector<16xf32>
    %swap3A_894 = vector.shape_cast %broadcast_in_dim3A_888 : vector<16xf32> to vector<1x16xf32>
    tpu.vector_store %arg8[%swap3A_890, %swap3A_891], %swap3A_894 {strides = array<i32>} : memref<16x128xf32, #tpu.memory_space<vmem>>, vector<1x16xf32>,
    %broadcast_in_dim3A_895 = arith.constant 0.000000e+00 : f32
    %broadcast_in_dim3A_896 = vector.broadcast %broadcast_in_dim3A_895 : f32 to vector<16xf32>
    %swap3A_897 = arith.constant 14 : i32
    %swap3A_898 = arith.index_cast %swap3A_897 : i32 to index
    %swap3A_899 = arith.constant 0 : index
    %swap3A_900 = tpu.vector_load %arg8[%swap3A_898, %swap3A_899] {strides = array<i32>} : memref<16x128xf32, #tpu.memory_space<vmem>>, vector<1x16xf32>,
    %swap3A_901 = vector.shape_cast %swap3A_900 : vector<1x16xf32> to vector<16xf32>
    %swap3A_902 = vector.shape_cast %broadcast_in_dim3A_896 : vector<16xf32> to vector<1x16xf32>
    tpu.vector_store %arg8[%swap3A_898, %swap3A_899], %swap3A_902 {strides = array<i32>} : memref<16x128xf32, #tpu.memory_space<vmem>>, vector<1x16xf32>,
    %broadcast_in_dim3A_903 = arith.constant 0.000000e+00 : f32
    %broadcast_in_dim3A_904 = vector.broadcast %broadcast_in_dim3A_903 : f32 to vector<16xf32>
    %swap3A_905 = arith.constant 14 : i32
    %swap3A_906 = arith.index_cast %swap3A_905 : i32 to index
    %swap3A_907 = arith.constant 16 : index
    %swap3A_908 = tpu.vector_load %arg8[%swap3A_906, %swap3A_907] {strides = array<i32>} : memref<16x128xf32, #tpu.memory_space<vmem>>, vector<1x16xf32>,
    %swap3A_909 = vector.shape_cast %swap3A_908 : vector<1x16xf32> to vector<16xf32>
    %swap3A_910 = vector.shape_cast %broadcast_in_dim3A_904 : vector<16xf32> to vector<1x16xf32>
    tpu.vector_store %arg8[%swap3A_906, %swap3A_907], %swap3A_910 {strides = array<i32>} : memref<16x128xf32, #tpu.memory_space<vmem>>, vector<1x16xf32>,
    %broadcast_in_dim3A_911 = arith.constant 0.000000e+00 : f32
    %broadcast_in_dim3A_912 = vector.broadcast %broadcast_in_dim3A_911 : f32 to vector<16xf32>
    %swap3A_913 = arith.constant 14 : i32
    %swap3A_914 = arith.index_cast %swap3A_913 : i32 to index
    %swap3A_915 = arith.constant 32 : index
    %swap3A_916 = tpu.vector_load %arg8[%swap3A_914, %swap3A_915] {strides = array<i32>} : memref<16x128xf32, #tpu.memory_space<vmem>>, vector<1x16xf32>,
    %swap3A_917 = vector.shape_cast %swap3A_916 : vector<1x16xf32> to vector<16xf32>
    %swap3A_918 = vector.shape_cast %broadcast_in_dim3A_912 : vector<16xf32> to vector<1x16xf32>
    tpu.vector_store %arg8[%swap3A_914, %swap3A_915], %swap3A_918 {strides = array<i32>} : memref<16x128xf32, #tpu.memory_space<vmem>>, vector<1x16xf32>,
    %broadcast_in_dim3A_919 = arith.constant 0.000000e+00 : f32
    %broadcast_in_dim3A_920 = vector.broadcast %broadcast_in_dim3A_919 : f32 to vector<16xf32>
    %swap3A_921 = arith.constant 14 : i32
    %swap3A_922 = arith.index_cast %swap3A_921 : i32 to index
    %swap3A_923 = arith.constant 48 : index
    %swap3A_924 = tpu.vector_load %arg8[%swap3A_922, %swap3A_923] {strides = array<i32>} : memref<16x128xf32, #tpu.memory_space<vmem>>, vector<1x16xf32>,
    %swap3A_925 = vector.shape_cast %swap3A_924 : vector<1x16xf32> to vector<16xf32>
    %swap3A_926 = vector.shape_cast %broadcast_in_dim3A_920 : vector<16xf32> to vector<1x16xf32>
    tpu.vector_store %arg8[%swap3A_922, %swap3A_923], %swap3A_926 {strides = array<i32>} : memref<16x128xf32, #tpu.memory_space<vmem>>, vector<1x16xf32>,
    %broadcast_in_dim3A_927 = arith.constant 0.000000e+00 : f32
    %broadcast_in_dim3A_928 = vector.broadcast %broadcast_in_dim3A_927 : f32 to vector<16xf32>
    %swap3A_929 = arith.constant 14 : i32
    %swap3A_930 = arith.index_cast %swap3A_929 : i32 to index
    %swap3A_931 = arith.constant 64 : index
    %swap3A_932 = tpu.vector_load %arg8[%swap3A_930, %swap3A_931] {strides = array<i32>} : memref<16x128xf32, #tpu.memory_space<vmem>>, vector<1x16xf32>,
    %swap3A_933 = vector.shape_cast %swap3A_932 : vector<1x16xf32> to vector<16xf32>
    %swap3A_934 = vector.shape_cast %broadcast_in_dim3A_928 : vector<16xf32> to vector<1x16xf32>
    tpu.vector_store %arg8[%swap3A_930, %swap3A_931], %swap3A_934 {strides = array<i32>} : memref<16x128xf32, #tpu.memory_space<vmem>>, vector<1x16xf32>,
    %broadcast_in_dim3A_935 = arith.constant 0.000000e+00 : f32
    %broadcast_in_dim3A_936 = vector.broadcast %broadcast_in_dim3A_935 : f32 to vector<16xf32>
    %swap3A_937 = arith.constant 14 : i32
    %swap3A_938 = arith.index_cast %swap3A_937 : i32 to index
    %swap3A_939 = arith.constant 80 : index
    %swap3A_940 = tpu.vector_load %arg8[%swap3A_938, %swap3A_939] {strides = array<i32>} : memref<16x128xf32, #tpu.memory_space<vmem>>, vector<1x16xf32>,
    %swap3A_941 = vector.shape_cast %swap3A_940 : vector<1x16xf32> to vector<16xf32>
    %swap3A_942 = vector.shape_cast %broadcast_in_dim3A_936 : vector<16xf32> to vector<1x16xf32>
    tpu.vector_store %arg8[%swap3A_938, %swap3A_939], %swap3A_942 {strides = array<i32>} : memref<16x128xf32, #tpu.memory_space<vmem>>, vector<1x16xf32>,
    %broadcast_in_dim3A_943 = arith.constant 0.000000e+00 : f32
    %broadcast_in_dim3A_944 = vector.broadcast %broadcast_in_dim3A_943 : f32 to vector<16xf32>
    %swap3A_945 = arith.constant 14 : i32
    %swap3A_946 = arith.index_cast %swap3A_945 : i32 to index
    %swap3A_947 = arith.constant 96 : index
    %swap3A_948 = tpu.vector_load %arg8[%swap3A_946, %swap3A_947] {strides = array<i32>} : memref<16x128xf32, #tpu.memory_space<vmem>>, vector<1x16xf32>,
    %swap3A_949 = vector.shape_cast %swap3A_948 : vector<1x16xf32> to vector<16xf32>
    %swap3A_950 = vector.shape_cast %broadcast_in_dim3A_944 : vector<16xf32> to vector<1x16xf32>
    tpu.vector_store %arg8[%swap3A_946, %swap3A_947], %swap3A_950 {strides = array<i32>} : memref<16x128xf32, #tpu.memory_space<vmem>>, vector<1x16xf32>,
    %broadcast_in_dim3A_951 = arith.constant 0.000000e+00 : f32
    %broadcast_in_dim3A_952 = vector.broadcast %broadcast_in_dim3A_951 : f32 to vector<16xf32>
    %swap3A_953 = arith.constant 14 : i32
    %swap3A_954 = arith.index_cast %swap3A_953 : i32 to index
    %swap3A_955 = arith.constant 112 : index
    %swap3A_956 = tpu.vector_load %arg8[%swap3A_954, %swap3A_955] {strides = array<i32>} : memref<16x128xf32, #tpu.memory_space<vmem>>, vector<1x16xf32>,
    %swap3A_957 = vector.shape_cast %swap3A_956 : vector<1x16xf32> to vector<16xf32>
    %swap3A_958 = vector.shape_cast %broadcast_in_dim3A_952 : vector<16xf32> to vector<1x16xf32>
    tpu.vector_store %arg8[%swap3A_954, %swap3A_955], %swap3A_958 {strides = array<i32>} : memref<16x128xf32, #tpu.memory_space<vmem>>, vector<1x16xf32>,
    %broadcast_in_dim3A_959 = arith.constant 0.000000e+00 : f32
    %broadcast_in_dim3A_960 = vector.broadcast %broadcast_in_dim3A_959 : f32 to vector<16xf32>
    %swap3A_961 = arith.constant 15 : i32
    %swap3A_962 = arith.index_cast %swap3A_961 : i32 to index
    %swap3A_963 = arith.constant 0 : index
    %swap3A_964 = tpu.vector_load %arg8[%swap3A_962, %swap3A_963] {strides = array<i32>} : memref<16x128xf32, #tpu.memory_space<vmem>>, vector<1x16xf32>,
    %swap3A_965 = vector.shape_cast %swap3A_964 : vector<1x16xf32> to vector<16xf32>
    %swap3A_966 = vector.shape_cast %broadcast_in_dim3A_960 : vector<16xf32> to vector<1x16xf32>
    tpu.vector_store %arg8[%swap3A_962, %swap3A_963], %swap3A_966 {strides = array<i32>} : memref<16x128xf32, #tpu.memory_space<vmem>>, vector<1x16xf32>,
    %broadcast_in_dim3A_967 = arith.constant 0.000000e+00 : f32
    %broadcast_in_dim3A_968 = vector.broadcast %broadcast_in_dim3A_967 : f32 to vector<16xf32>
    %swap3A_969 = arith.constant 15 : i32
    %swap3A_970 = arith.index_cast %swap3A_969 : i32 to index
    %swap3A_971 = arith.constant 16 : index
    %swap3A_972 = tpu.vector_load %arg8[%swap3A_970, %swap3A_971] {strides = array<i32>} : memref<16x128xf32, #tpu.memory_space<vmem>>, vector<1x16xf32>,
    %swap3A_973 = vector.shape_cast %swap3A_972 : vector<1x16xf32> to vector<16xf32>
    %swap3A_974 = vector.shape_cast %broadcast_in_dim3A_968 : vector<16xf32> to vector<1x16xf32>
    tpu.vector_store %arg8[%swap3A_970, %swap3A_971], %swap3A_974 {strides = array<i32>} : memref<16x128xf32, #tpu.memory_space<vmem>>, vector<1x16xf32>,
    %broadcast_in_dim3A_975 = arith.constant 0.000000e+00 : f32
    %broadcast_in_dim3A_976 = vector.broadcast %broadcast_in_dim3A_975 : f32 to vector<16xf32>
    %swap3A_977 = arith.constant 15 : i32
    %swap3A_978 = arith.index_cast %swap3A_977 : i32 to index
    %swap3A_979 = arith.constant 32 : index
    %swap3A_980 = tpu.vector_load %arg8[%swap3A_978, %swap3A_979] {strides = array<i32>} : memref<16x128xf32, #tpu.memory_space<vmem>>, vector<1x16xf32>,
    %swap3A_981 = vector.shape_cast %swap3A_980 : vector<1x16xf32> to vector<16xf32>
    %swap3A_982 = vector.shape_cast %broadcast_in_dim3A_976 : vector<16xf32> to vector<1x16xf32>
    tpu.vector_store %arg8[%swap3A_978, %swap3A_979], %swap3A_982 {strides = array<i32>} : memref<16x128xf32, #tpu.memory_space<vmem>>, vector<1x16xf32>,
    %broadcast_in_dim3A_983 = arith.constant 0.000000e+00 : f32
    %broadcast_in_dim3A_984 = vector.broadcast %broadcast_in_dim3A_983 : f32 to vector<16xf32>
    %swap3A_985 = arith.constant 15 : i32
    %swap3A_986 = arith.index_cast %swap3A_985 : i32 to index
    %swap3A_987 = arith.constant 48 : index
    %swap3A_988 = tpu.vector_load %arg8[%swap3A_986, %swap3A_987] {strides = array<i32>} : memref<16x128xf32, #tpu.memory_space<vmem>>, vector<1x16xf32>,
    %swap3A_989 = vector.shape_cast %swap3A_988 : vector<1x16xf32> to vector<16xf32>
    %swap3A_990 = vector.shape_cast %broadcast_in_dim3A_984 : vector<16xf32> to vector<1x16xf32>
    tpu.vector_store %arg8[%swap3A_986, %swap3A_987], %swap3A_990 {strides = array<i32>} : memref<16x128xf32, #tpu.memory_space<vmem>>, vector<1x16xf32>,
    %broadcast_in_dim3A_991 = arith.constant 0.000000e+00 : f32
    %broadcast_in_dim3A_992 = vector.broadcast %broadcast_in_dim3A_991 : f32 to vector<16xf32>
    %swap3A_993 = arith.constant 15 : i32
    %swap3A_994 = arith.index_cast %swap3A_993 : i32 to index
    %swap3A_995 = arith.constant 64 : index
    %swap3A_996 = tpu.vector_load %arg8[%swap3A_994, %swap3A_995] {strides = array<i32>} : memref<16x128xf32, #tpu.memory_space<vmem>>, vector<1x16xf32>,
    %swap3A_997 = vector.shape_cast %swap3A_996 : vector<1x16xf32> to vector<16xf32>
    %swap3A_998 = vector.shape_cast %broadcast_in_dim3A_992 : vector<16xf32> to vector<1x16xf32>
    tpu.vector_store %arg8[%swap3A_994, %swap3A_995], %swap3A_998 {strides = array<i32>} : memref<16x128xf32, #tpu.memory_space<vmem>>, vector<1x16xf32>,
    %broadcast_in_dim3A_999 = arith.constant 0.000000e+00 : f32
    %broadcast_in_dim3A_1000 = vector.broadcast %broadcast_in_dim3A_999 : f32 to vector<16xf32>
    %swap3A_1001 = arith.constant 15 : i32
    %swap3A_1002 = arith.index_cast %swap3A_1001 : i32 to index
    %swap3A_1003 = arith.constant 80 : index
    %swap3A_1004 = tpu.vector_load %arg8[%swap3A_1002, %swap3A_1003] {strides = array<i32>} : memref<16x128xf32, #tpu.memory_space<vmem>>, vector<1x16xf32>,
    %swap3A_1005 = vector.shape_cast %swap3A_1004 : vector<1x16xf32> to vector<16xf32>
    %swap3A_1006 = vector.shape_cast %broadcast_in_dim3A_1000 : vector<16xf32> to vector<1x16xf32>
    tpu.vector_store %arg8[%swap3A_1002, %swap3A_1003], %swap3A_1006 {strides = array<i32>} : memref<16x128xf32, #tpu.memory_space<vmem>>, vector<1x16xf32>,
    %broadcast_in_dim3A_1007 = arith.constant 0.000000e+00 : f32
    %broadcast_in_dim3A_1008 = vector.broadcast %broadcast_in_dim3A_1007 : f32 to vector<16xf32>
    %swap3A_1009 = arith.constant 15 : i32
    %swap3A_1010 = arith.index_cast %swap3A_1009 : i32 to index
    %swap3A_1011 = arith.constant 96 : index
    %swap3A_1012 = tpu.vector_load %arg8[%swap3A_1010, %swap3A_1011] {strides = array<i32>} : memref<16x128xf32, #tpu.memory_space<vmem>>, vector<1x16xf32>,
    %swap3A_1013 = vector.shape_cast %swap3A_1012 : vector<1x16xf32> to vector<16xf32>
    %swap3A_1014 = vector.shape_cast %broadcast_in_dim3A_1008 : vector<16xf32> to vector<1x16xf32>
    tpu.vector_store %arg8[%swap3A_1010, %swap3A_1011], %swap3A_1014 {strides = array<i32>} : memref<16x128xf32, #tpu.memory_space<vmem>>, vector<1x16xf32>,
    %broadcast_in_dim3A_1015 = arith.constant 0.000000e+00 : f32
    %broadcast_in_dim3A_1016 = vector.broadcast %broadcast_in_dim3A_1015 : f32 to vector<16xf32>
    %swap3A_1017 = arith.constant 15 : i32
    %swap3A_1018 = arith.index_cast %swap3A_1017 : i32 to index
    %swap3A_1019 = arith.constant 112 : index
    %swap3A_1020 = tpu.vector_load %arg8[%swap3A_1018, %swap3A_1019] {strides = array<i32>} : memref<16x128xf32, #tpu.memory_space<vmem>>, vector<1x16xf32>,
    %swap3A_1021 = vector.shape_cast %swap3A_1020 : vector<1x16xf32> to vector<16xf32>
    %swap3A_1022 = vector.shape_cast %broadcast_in_dim3A_1016 : vector<16xf32> to vector<1x16xf32>
    tpu.vector_store %arg8[%swap3A_1018, %swap3A_1019], %swap3A_1022 {strides = array<i32>} : memref<16x128xf32, #tpu.memory_space<vmem>>, vector<1x16xf32>,
    %scan3A = arith.constant 0 : i32
    %scan3A_1023 = arith.constant 0 : i32
    %scan3A_1024 = arith.constant 40 : i32
    %scan3A_1025 = arith.addi %scan3A_1023, %scan3A_1024 : i32
    %scan3A_1026 = arith.constant 1 : i32
    scf.for %scan3A_1094 = %scan3A_1023 to %scan3A_1025 step %scan3A_1026  : i32 {
      %mul3A_1095 = arith.constant 640 : i32
      %mul3A_1096 = arith.muli %arg1, %mul3A_1095 : i32
      %mul3A_1097 = arith.constant 16 : i32
      %mul3A_1098 = arith.muli %scan3A_1094, %mul3A_1097 : i32
      %add3A_1099 = arith.addi %mul3A_1096, %mul3A_1098 : i32
      %dma_start3A_1100 = arith.constant 0 : i32
      %dma_start3A_1101 = tpu.memref_slice %arg9[%add3A_1099, %dma_start3A_1100] : memref<10240x128xf32, #tpu.memory_space<vmem_shared>> -> memref<16x128xf32, #tpu.memory_space<vmem_shared>>
      %dma_start3A_1102 = arith.constant 0 : i32
      %dma_start3A_1103 = tpu.memref_slice %arg9[%add3A_1099, %dma_start3A_1102] : memref<10240x128xf32, #tpu.memory_space<vmem_shared>> -> memref<16x128xf32, #tpu.memory_space<vmem_shared>>
      tpu.enqueue_dma source(%arg8 : memref<16x128xf32, #tpu.memory_space<vmem>>) target(%dma_start3A_1103 : memref<16x128xf32, #tpu.memory_space<vmem_shared>>) target_semaphore(%arg10 : memref<!tpu.dma_semaphore, #tpu.memory_space<semaphore_mem>>)
    }
    %scan3A_1027 = arith.constant 40 : i32
    %mul3A_1028 = arith.constant 40 : i32
    %mul3A_1029 = arith.muli %add3A, %mul3A_1028 : i32
    "tpu.region"() ({
      %run_scoped3A_1094 = tpu.sem_alloc : memref<!tpu.dma_semaphore, #tpu.memory_space<semaphore_mem>>
      %dma_start3A_1095 = arith.constant 0 : i32
      %dma_start3A_1096 = tpu.memref_slice %arg3[%mul3A_1029, %dma_start3A_1095] : memref<1280x128xi32, #tpu.memory_space<hbm>> -> memref<40x128xi32, #tpu.memory_space<hbm>>
      %dma_start3A_1097 = arith.constant 0 : i32
      %dma_start3A_1098 = tpu.memref_slice %arg3[%mul3A_1029, %dma_start3A_1097] : memref<1280x128xi32, #tpu.memory_space<hbm>> -> memref<40x128xi32, #tpu.memory_space<hbm>>
      tpu.enqueue_dma source(%dma_start3A_1098 : memref<40x128xi32, #tpu.memory_space<hbm>>) target(%arg5 : memref<40x128xi32, #tpu.memory_space<vmem>>) target_semaphore(%run_scoped3A_1094 : memref<!tpu.dma_semaphore, #tpu.memory_space<semaphore_mem>>)
      %dma_wait3A_1099 = arith.constant 0 : i32
      %dma_wait3A_1100 = tpu.memref_slice %arg3[%mul3A_1029, %dma_wait3A_1099] : memref<1280x128xi32, #tpu.memory_space<hbm>> -> memref<40x128xi32, #tpu.memory_space<hbm>>
      %dma_wait3A_1101 = arith.constant 0 : i32
      %dma_wait3A_1102 = tpu.memref_slice %arg3[%mul3A_1029, %dma_wait3A_1101] : memref<1280x128xi32, #tpu.memory_space<hbm>> -> memref<40x128xi32, #tpu.memory_space<hbm>>
      tpu.wait_dma2 semaphore(%run_scoped3A_1094 : memref<!tpu.dma_semaphore, #tpu.memory_space<semaphore_mem>>) src(%dma_wait3A_1102 : memref<40x128xi32, #tpu.memory_space<hbm>>) dst(%arg5 : memref<40x128xi32, #tpu.memory_space<vmem>>)
      tpu.yield
    }) : () -> ()
    %scan3A_1030 = arith.constant 0 : i32
    %scan3A_1031 = arith.constant 0 : i32
    %scan3A_1032 = arith.constant 40 : i32
    %scan3A_1033 = arith.addi %scan3A_1031, %scan3A_1032 : i32
    %scan3A_1034 = arith.constant 1 : i32
    scf.for %scan3A_1094 = %scan3A_1031 to %scan3A_1033 step %scan3A_1034  : i32 {
      %dma_wait3A_1095 = arith.constant 0 : i32
      %dma_wait3A_1096 = arith.constant 0 : i32
      %dma_wait3A_1097 = tpu.memref_slice %arg2[%dma_wait3A_1095, %dma_wait3A_1096] : memref<163840x128xf32, #tpu.memory_space<hbm>> -> memref<16x128xf32, #tpu.memory_space<hbm>>
      %dma_wait3A_1098 = arith.constant 0 : i32
      %dma_wait3A_1099 = arith.constant 0 : i32
      %dma_wait3A_1100 = tpu.memref_slice %arg2[%dma_wait3A_1098, %dma_wait3A_1099] : memref<163840x128xf32, #tpu.memory_space<hbm>> -> memref<16x128xf32, #tpu.memory_space<hbm>>
      tpu.wait_dma2 semaphore(%arg10 : memref<!tpu.dma_semaphore, #tpu.memory_space<semaphore_mem>>) src(%dma_wait3A_1100 : memref<16x128xf32, #tpu.memory_space<hbm>>) dst(%arg8 : memref<16x128xf32, #tpu.memory_space<vmem>>)
    }
    %scan3A_1035 = arith.constant 40 : i32
    %barrier3A = arith.constant 0 : index
    tpu.barrier barrier_id(%barrier3A)
    %mul3A_1036 = arith.constant 40 : i32
    %mul3A_1037 = arith.muli %add3A, %mul3A_1036 : i32
    %add3A_1038 = arith.constant 0 : i32
    %add3A_1039 = arith.addi %mul3A_1037, %add3A_1038 : i32
    %mul3A_1040 = arith.constant 128 : i32
    %mul3A_1041 = arith.muli %add3A_1039, %mul3A_1040 : i32
    %dma_start3A = arith.constant 0 : i32
    %dma_start3A_1042 = tpu.memref_slice %arg2[%mul3A_1041, %dma_start3A] : memref<163840x128xf32, #tpu.memory_space<hbm>> -> memref<128x128xf32, #tpu.memory_space<hbm>>
    %dma_start3A_1043 = arith.constant 0 : i32
    %dma_start3A_1044 = tpu.memref_slice %arg2[%mul3A_1041, %dma_start3A_1043] : memref<163840x128xf32, #tpu.memory_space<hbm>> -> memref<128x128xf32, #tpu.memory_space<hbm>>
    tpu.enqueue_dma source(%dma_start3A_1044 : memref<128x128xf32, #tpu.memory_space<hbm>>) target(%arg6 : memref<128x128xf32, #tpu.memory_space<vmem>>) target_semaphore(%arg10 : memref<!tpu.dma_semaphore, #tpu.memory_space<semaphore_mem>>)
    %mul3A_1045 = arith.constant 40 : i32
    %mul3A_1046 = arith.muli %add3A, %mul3A_1045 : i32
    %add3A_1047 = arith.constant 1 : i32
    %add3A_1048 = arith.addi %mul3A_1046, %add3A_1047 : i32
    %mul3A_1049 = arith.constant 128 : i32
    %mul3A_1050 = arith.muli %add3A_1048, %mul3A_1049 : i32
    %dma_start3A_1051 = arith.constant 0 : i32
    %dma_start3A_1052 = tpu.memref_slice %arg2[%mul3A_1050, %dma_start3A_1051] : memref<163840x128xf32, #tpu.memory_space<hbm>> -> memref<128x128xf32, #tpu.memory_space<hbm>>
    %dma_start3A_1053 = arith.constant 0 : i32
    %dma_start3A_1054 = tpu.memref_slice %arg2[%mul3A_1050, %dma_start3A_1053] : memref<163840x128xf32, #tpu.memory_space<hbm>> -> memref<128x128xf32, #tpu.memory_space<hbm>>
    tpu.enqueue_dma source(%dma_start3A_1054 : memref<128x128xf32, #tpu.memory_space<hbm>>) target(%arg7 : memref<128x128xf32, #tpu.memory_space<vmem>>) target_semaphore(%arg10 : memref<!tpu.dma_semaphore, #tpu.memory_space<semaphore_mem>>)
    %scan3A_1055 = arith.constant 0 : i32
    %scan3A_1056 = arith.constant 0 : i32
    %scan3A_1057 = arith.constant 19 : i32
    %scan3A_1058 = arith.addi %scan3A_1056, %scan3A_1057 : i32
    %scan3A_1059 = arith.constant 1 : i32
    scf.for %scan3A_1094 = %scan3A_1056 to %scan3A_1058 step %scan3A_1059  : i32 {
      %mul3A_1095 = arith.constant 2 : i32
      %mul3A_1096 = arith.muli %scan3A_1094, %mul3A_1095 : i32
      %add3A_1097 = arith.constant 0 : i32
      %add3A_1098 = arith.addi %mul3A_1096, %add3A_1097 : i32
      %dma_wait3A_1099 = arith.constant 0 : i32
      %dma_wait3A_1100 = arith.constant 0 : i32
      %dma_wait3A_1101 = tpu.memref_slice %arg2[%dma_wait3A_1099, %dma_wait3A_1100] : memref<163840x128xf32, #tpu.memory_space<hbm>> -> memref<128x128xf32, #tpu.memory_space<hbm>>
      %dma_wait3A_1102 = arith.constant 0 : i32
      %dma_wait3A_1103 = arith.constant 0 : i32
      %dma_wait3A_1104 = tpu.memref_slice %arg2[%dma_wait3A_1102, %dma_wait3A_1103] : memref<163840x128xf32, #tpu.memory_space<hbm>> -> memref<128x128xf32, #tpu.memory_space<hbm>>
      tpu.wait_dma2 semaphore(%arg10 : memref<!tpu.dma_semaphore, #tpu.memory_space<semaphore_mem>>) src(%dma_wait3A_1104 : memref<128x128xf32, #tpu.memory_space<hbm>>) dst(%arg6 : memref<128x128xf32, #tpu.memory_space<vmem>>)
      "tpu.region"() ({
        %run_scoped3A_1137 = tpu.sem_alloc : memref<!tpu.dma_semaphore, #tpu.memory_space<semaphore_mem>>
        %dma_start3A_1138 = arith.constant 0 : i32
        %dma_start3A_1139 = tpu.memref_slice %arg5[%add3A_1098, %dma_start3A_1138] : memref<40x128xi32, #tpu.memory_space<vmem>> -> memref<1x128xi32, #tpu.memory_space<vmem>>
        %dma_start3A_1140 = tpu.memref_squeeze %dma_start3A_1139 : memref<1x128xi32, #tpu.memory_space<vmem>> -> memref<128xi32, #tpu.memory_space<vmem>>
        %dma_start3A_1141 = arith.constant 0 : i32
        %dma_start3A_1142 = arith.constant 0 : i32
        %dma_start3A_1143 = tpu.memref_slice %arg9[%dma_start3A_1141, %dma_start3A_1142] : memref<10240x128xf32, #tpu.memory_space<vmem_shared>> -> memref<10240x128xf32, #tpu.memory_space<vmem_shared>>
        tpu.enqueue_indirect_dma source(%arg6 : memref<128x128xf32, #tpu.memory_space<vmem>>) target(%dma_start3A_1143 : memref<10240x128xf32, #tpu.memory_space<vmem_shared>>) offsets(%dma_start3A_1140 : memref<128xi32, #tpu.memory_space<vmem>>) semaphore(%run_scoped3A_1137 : memref<!tpu.dma_semaphore, #tpu.memory_space<semaphore_mem>>) {add = true}
        %dma_wait3A_1144 = arith.constant 0 : i32
        %dma_wait3A_1145 = tpu.memref_slice %arg5[%add3A_1098, %dma_wait3A_1144] : memref<40x128xi32, #tpu.memory_space<vmem>> -> memref<1x128xi32, #tpu.memory_space<vmem>>
        %dma_wait3A_1146 = tpu.memref_squeeze %dma_wait3A_1145 : memref<1x128xi32, #tpu.memory_space<vmem>> -> memref<128xi32, #tpu.memory_space<vmem>>
        %dma_wait3A_1147 = arith.constant 0 : i32
        %dma_wait3A_1148 = arith.constant 0 : i32
        %dma_wait3A_1149 = tpu.memref_slice %arg9[%dma_wait3A_1147, %dma_wait3A_1148] : memref<10240x128xf32, #tpu.memory_space<vmem_shared>> -> memref<10240x128xf32, #tpu.memory_space<vmem_shared>>
        tpu.wait_indirect_dma semaphore(%run_scoped3A_1137 : memref<!tpu.dma_semaphore, #tpu.memory_space<semaphore_mem>>) src(%arg6 : memref<128x128xf32, #tpu.memory_space<vmem>>) dst(%dma_wait3A_1149 : memref<10240x128xf32, #tpu.memory_space<vmem_shared>>)
        tpu.yield
      }) : () -> ()
      %add3A_1105 = arith.constant 2 : i32
      %add3A_1106 = arith.addi %add3A_1098, %add3A_1105 : i32
      %mul3A_1107 = arith.constant 40 : i32
      %mul3A_1108 = arith.muli %add3A, %mul3A_1107 : i32
      %add3A_1109 = arith.addi %mul3A_1108, %add3A_1106 : i32
      %mul3A_1110 = arith.constant 128 : i32
      %mul3A_1111 = arith.muli %add3A_1109, %mul3A_1110 : i32
      %dma_start3A_1112 = arith.constant 0 : i32
      %dma_start3A_1113 = tpu.memref_slice %arg2[%mul3A_1111, %dma_start3A_1112] : memref<163840x128xf32, #tpu.memory_space<hbm>> -> memref<128x128xf32, #tpu.memory_space<hbm>>
      %dma_start3A_1114 = arith.constant 0 : i32
      %dma_start3A_1115 = tpu.memref_slice %arg2[%mul3A_1111, %dma_start3A_1114] : memref<163840x128xf32, #tpu.memory_space<hbm>> -> memref<128x128xf32, #tpu.memory_space<hbm>>
      tpu.enqueue_dma source(%dma_start3A_1115 : memref<128x128xf32, #tpu.memory_space<hbm>>) target(%arg6 : memref<128x128xf32, #tpu.memory_space<vmem>>) target_semaphore(%arg10 : memref<!tpu.dma_semaphore, #tpu.memory_space<semaphore_mem>>)
      %mul3A_1116 = arith.constant 2 : i32
      %mul3A_1117 = arith.muli %scan3A_1094, %mul3A_1116 : i32
      %add3A_1118 = arith.constant 1 : i32
      %add3A_1119 = arith.addi %mul3A_1117, %add3A_1118 : i32
      %dma_wait3A_1120 = arith.constant 0 : i32
      %dma_wait3A_1121 = arith.constant 0 : i32
      %dma_wait3A_1122 = tpu.memref_slice %arg2[%dma_wait3A_1120, %dma_wait3A_1121] : memref<163840x128xf32, #tpu.memory_space<hbm>> -> memref<128x128xf32, #tpu.memory_space<hbm>>
      %dma_wait3A_1123 = arith.constant 0 : i32
      %dma_wait3A_1124 = arith.constant 0 : i32
      %dma_wait3A_1125 = tpu.memref_slice %arg2[%dma_wait3A_1123, %dma_wait3A_1124] : memref<163840x128xf32, #tpu.memory_space<hbm>> -> memref<128x128xf32, #tpu.memory_space<hbm>>
      tpu.wait_dma2 semaphore(%arg10 : memref<!tpu.dma_semaphore, #tpu.memory_space<semaphore_mem>>) src(%dma_wait3A_1125 : memref<128x128xf32, #tpu.memory_space<hbm>>) dst(%arg7 : memref<128x128xf32, #tpu.memory_space<vmem>>)
      "tpu.region"() ({
        %run_scoped3A_1137 = tpu.sem_alloc : memref<!tpu.dma_semaphore, #tpu.memory_space<semaphore_mem>>
        %dma_start3A_1138 = arith.constant 0 : i32
        %dma_start3A_1139 = tpu.memref_slice %arg5[%add3A_1119, %dma_start3A_1138] : memref<40x128xi32, #tpu.memory_space<vmem>> -> memref<1x128xi32, #tpu.memory_space<vmem>>
        %dma_start3A_1140 = tpu.memref_squeeze %dma_start3A_1139 : memref<1x128xi32, #tpu.memory_space<vmem>> -> memref<128xi32, #tpu.memory_space<vmem>>
        %dma_start3A_1141 = arith.constant 0 : i32
        %dma_start3A_1142 = arith.constant 0 : i32
        %dma_start3A_1143 = tpu.memref_slice %arg9[%dma_start3A_1141, %dma_start3A_1142] : memref<10240x128xf32, #tpu.memory_space<vmem_shared>> -> memref<10240x128xf32, #tpu.memory_space<vmem_shared>>
        tpu.enqueue_indirect_dma source(%arg7 : memref<128x128xf32, #tpu.memory_space<vmem>>) target(%dma_start3A_1143 : memref<10240x128xf32, #tpu.memory_space<vmem_shared>>) offsets(%dma_start3A_1140 : memref<128xi32, #tpu.memory_space<vmem>>) semaphore(%run_scoped3A_1137 : memref<!tpu.dma_semaphore, #tpu.memory_space<semaphore_mem>>) {add = true}
        %dma_wait3A_1144 = arith.constant 0 : i32
        %dma_wait3A_1145 = tpu.memref_slice %arg5[%add3A_1119, %dma_wait3A_1144] : memref<40x128xi32, #tpu.memory_space<vmem>> -> memref<1x128xi32, #tpu.memory_space<vmem>>
        %dma_wait3A_1146 = tpu.memref_squeeze %dma_wait3A_1145 : memref<1x128xi32, #tpu.memory_space<vmem>> -> memref<128xi32, #tpu.memory_space<vmem>>
        %dma_wait3A_1147 = arith.constant 0 : i32
        %dma_wait3A_1148 = arith.constant 0 : i32
        %dma_wait3A_1149 = tpu.memref_slice %arg9[%dma_wait3A_1147, %dma_wait3A_1148] : memref<10240x128xf32, #tpu.memory_space<vmem_shared>> -> memref<10240x128xf32, #tpu.memory_space<vmem_shared>>
        tpu.wait_indirect_dma semaphore(%run_scoped3A_1137 : memref<!tpu.dma_semaphore, #tpu.memory_space<semaphore_mem>>) src(%arg7 : memref<128x128xf32, #tpu.memory_space<vmem>>) dst(%dma_wait3A_1149 : memref<10240x128xf32, #tpu.memory_space<vmem_shared>>)
        tpu.yield
      }) : () -> ()
      %add3A_1126 = arith.constant 2 : i32
      %add3A_1127 = arith.addi %add3A_1119, %add3A_1126 : i32
      %mul3A_1128 = arith.constant 40 : i32
      %mul3A_1129 = arith.muli %add3A, %mul3A_1128 : i32
      %add3A_1130 = arith.addi %mul3A_1129, %add3A_1127 : i32
      %mul3A_1131 = arith.constant 128 : i32
      %mul3A_1132 = arith.muli %add3A_1130, %mul3A_1131 : i32
      %dma_start3A_1133 = arith.constant 0 : i32
      %dma_start3A_1134 = tpu.memref_slice %arg2[%mul3A_1132, %dma_start3A_1133] : memref<163840x128xf32, #tpu.memory_space<hbm>> -> memref<128x128xf32, #tpu.memory_space<hbm>>
      %dma_start3A_1135 = arith.constant 0 : i32
      %dma_start3A_1136 = tpu.memref_slice %arg2[%mul3A_1132, %dma_start3A_1135] : memref<163840x128xf32, #tpu.memory_space<hbm>> -> memref<128x128xf32, #tpu.memory_space<hbm>>
      tpu.enqueue_dma source(%dma_start3A_1136 : memref<128x128xf32, #tpu.memory_space<hbm>>) target(%arg7 : memref<128x128xf32, #tpu.memory_space<vmem>>) target_semaphore(%arg10 : memref<!tpu.dma_semaphore, #tpu.memory_space<semaphore_mem>>)
    }
    %scan3A_1060 = arith.constant 19 : i32
    %dma_wait3A = arith.constant 0 : i32
    %dma_wait3A_1061 = arith.constant 0 : i32
    %dma_wait3A_1062 = tpu.memref_slice %arg2[%dma_wait3A, %dma_wait3A_1061] : memref<163840x128xf32, #tpu.memory_space<hbm>> -> memref<128x128xf32, #tpu.memory_space<hbm>>
    %dma_wait3A_1063 = arith.constant 0 : i32
    %dma_wait3A_1064 = arith.constant 0 : i32
    %dma_wait3A_1065 = tpu.memref_slice %arg2[%dma_wait3A_1063, %dma_wait3A_1064] : memref<163840x128xf32, #tpu.memory_space<hbm>> -> memref<128x128xf32, #tpu.memory_space<hbm>>
    tpu.wait_dma2 semaphore(%arg10 : memref<!tpu.dma_semaphore, #tpu.memory_space<semaphore_mem>>) src(%dma_wait3A_1065 : memref<128x128xf32, #tpu.memory_space<hbm>>) dst(%arg6 : memref<128x128xf32, #tpu.memory_space<vmem>>)
    %run_scoped3A = arith.constant 38 : i32
    "tpu.region"() ({
      %run_scoped3A_1094 = tpu.sem_alloc : memref<!tpu.dma_semaphore, #tpu.memory_space<semaphore_mem>>
      %dma_start3A_1095 = arith.constant 0 : i32
      %dma_start3A_1096 = tpu.memref_slice %arg5[%run_scoped3A, %dma_start3A_1095] : memref<40x128xi32, #tpu.memory_space<vmem>> -> memref<1x128xi32, #tpu.memory_space<vmem>>
      %dma_start3A_1097 = tpu.memref_squeeze %dma_start3A_1096 : memref<1x128xi32, #tpu.memory_space<vmem>> -> memref<128xi32, #tpu.memory_space<vmem>>
      %dma_start3A_1098 = arith.constant 0 : i32
      %dma_start3A_1099 = arith.constant 0 : i32
      %dma_start3A_1100 = tpu.memref_slice %arg9[%dma_start3A_1098, %dma_start3A_1099] : memref<10240x128xf32, #tpu.memory_space<vmem_shared>> -> memref<10240x128xf32, #tpu.memory_space<vmem_shared>>
      tpu.enqueue_indirect_dma source(%arg6 : memref<128x128xf32, #tpu.memory_space<vmem>>) target(%dma_start3A_1100 : memref<10240x128xf32, #tpu.memory_space<vmem_shared>>) offsets(%dma_start3A_1097 : memref<128xi32, #tpu.memory_space<vmem>>) semaphore(%run_scoped3A_1094 : memref<!tpu.dma_semaphore, #tpu.memory_space<semaphore_mem>>) {add = true}
      %dma_wait3A_1101 = arith.constant 0 : i32
      %dma_wait3A_1102 = tpu.memref_slice %arg5[%run_scoped3A, %dma_wait3A_1101] : memref<40x128xi32, #tpu.memory_space<vmem>> -> memref<1x128xi32, #tpu.memory_space<vmem>>
      %dma_wait3A_1103 = tpu.memref_squeeze %dma_wait3A_1102 : memref<1x128xi32, #tpu.memory_space<vmem>> -> memref<128xi32, #tpu.memory_space<vmem>>
      %dma_wait3A_1104 = arith.constant 0 : i32
      %dma_wait3A_1105 = arith.constant 0 : i32
      %dma_wait3A_1106 = tpu.memref_slice %arg9[%dma_wait3A_1104, %dma_wait3A_1105] : memref<10240x128xf32, #tpu.memory_space<vmem_shared>> -> memref<10240x128xf32, #tpu.memory_space<vmem_shared>>
      tpu.wait_indirect_dma semaphore(%run_scoped3A_1094 : memref<!tpu.dma_semaphore, #tpu.memory_space<semaphore_mem>>) src(%arg6 : memref<128x128xf32, #tpu.memory_space<vmem>>) dst(%dma_wait3A_1106 : memref<10240x128xf32, #tpu.memory_space<vmem_shared>>)
      tpu.yield
    }) : () -> ()
    %dma_wait3A_1066 = arith.constant 0 : i32
    %dma_wait3A_1067 = arith.constant 0 : i32
    %dma_wait3A_1068 = tpu.memref_slice %arg2[%dma_wait3A_1066, %dma_wait3A_1067] : memref<163840x128xf32, #tpu.memory_space<hbm>> -> memref<128x128xf32, #tpu.memory_space<hbm>>
    %dma_wait3A_1069 = arith.constant 0 : i32
    %dma_wait3A_1070 = arith.constant 0 : i32
    %dma_wait3A_1071 = tpu.memref_slice %arg2[%dma_wait3A_1069, %dma_wait3A_1070] : memref<163840x128xf32, #tpu.memory_space<hbm>> -> memref<128x128xf32, #tpu.memory_space<hbm>>
    tpu.wait_dma2 semaphore(%arg10 : memref<!tpu.dma_semaphore, #tpu.memory_space<semaphore_mem>>) src(%dma_wait3A_1071 : memref<128x128xf32, #tpu.memory_space<hbm>>) dst(%arg7 : memref<128x128xf32, #tpu.memory_space<vmem>>)
    %run_scoped3A_1072 = arith.constant 39 : i32
    "tpu.region"() ({
      %run_scoped3A_1094 = tpu.sem_alloc : memref<!tpu.dma_semaphore, #tpu.memory_space<semaphore_mem>>
      %dma_start3A_1095 = arith.constant 0 : i32
      %dma_start3A_1096 = tpu.memref_slice %arg5[%run_scoped3A_1072, %dma_start3A_1095] : memref<40x128xi32, #tpu.memory_space<vmem>> -> memref<1x128xi32, #tpu.memory_space<vmem>>
      %dma_start3A_1097 = tpu.memref_squeeze %dma_start3A_1096 : memref<1x128xi32, #tpu.memory_space<vmem>> -> memref<128xi32, #tpu.memory_space<vmem>>
      %dma_start3A_1098 = arith.constant 0 : i32
      %dma_start3A_1099 = arith.constant 0 : i32
      %dma_start3A_1100 = tpu.memref_slice %arg9[%dma_start3A_1098, %dma_start3A_1099] : memref<10240x128xf32, #tpu.memory_space<vmem_shared>> -> memref<10240x128xf32, #tpu.memory_space<vmem_shared>>
      tpu.enqueue_indirect_dma source(%arg7 : memref<128x128xf32, #tpu.memory_space<vmem>>) target(%dma_start3A_1100 : memref<10240x128xf32, #tpu.memory_space<vmem_shared>>) offsets(%dma_start3A_1097 : memref<128xi32, #tpu.memory_space<vmem>>) semaphore(%run_scoped3A_1094 : memref<!tpu.dma_semaphore, #tpu.memory_space<semaphore_mem>>) {add = true}
      %dma_wait3A_1101 = arith.constant 0 : i32
      %dma_wait3A_1102 = tpu.memref_slice %arg5[%run_scoped3A_1072, %dma_wait3A_1101] : memref<40x128xi32, #tpu.memory_space<vmem>> -> memref<1x128xi32, #tpu.memory_space<vmem>>
      %dma_wait3A_1103 = tpu.memref_squeeze %dma_wait3A_1102 : memref<1x128xi32, #tpu.memory_space<vmem>> -> memref<128xi32, #tpu.memory_space<vmem>>
      %dma_wait3A_1104 = arith.constant 0 : i32
      %dma_wait3A_1105 = arith.constant 0 : i32
      %dma_wait3A_1106 = tpu.memref_slice %arg9[%dma_wait3A_1104, %dma_wait3A_1105] : memref<10240x128xf32, #tpu.memory_space<vmem_shared>> -> memref<10240x128xf32, #tpu.memory_space<vmem_shared>>
      tpu.wait_indirect_dma semaphore(%run_scoped3A_1094 : memref<!tpu.dma_semaphore, #tpu.memory_space<semaphore_mem>>) src(%arg7 : memref<128x128xf32, #tpu.memory_space<vmem>>) dst(%dma_wait3A_1106 : memref<10240x128xf32, #tpu.memory_space<vmem_shared>>)
      tpu.yield
    }) : () -> ()
    %barrier3A_1073 = arith.constant 0 : index
    tpu.barrier barrier_id(%barrier3A_1073)
    %mul3A_1074 = arith.constant 640 : i32
    %mul3A_1075 = arith.muli %arg1, %mul3A_1074 : i32
    %add3A_1076 = arith.constant 0 : i32
    %add3A_1077 = arith.addi %mul3A_1075, %add3A_1076 : i32
    "tpu.region"() ({
      %run_scoped3A_1094 = tpu.sem_alloc : memref<!tpu.dma_semaphore, #tpu.memory_space<semaphore_mem>>
      %dma_start3A_1095 = arith.constant 0 : i32
      %dma_start3A_1096 = tpu.memref_slice %arg9[%add3A_1077, %dma_start3A_1095] : memref<10240x128xf32, #tpu.memory_space<vmem_shared>> -> memref<128x128xf32, #tpu.memory_space<vmem_shared>>
      %dma_start3A_1097 = arith.constant 0 : i32
      %dma_start3A_1098 = tpu.memref_slice %arg9[%add3A_1077, %dma_start3A_1097] : memref<10240x128xf32, #tpu.memory_space<vmem_shared>> -> memref<128x128xf32, #tpu.memory_space<vmem_shared>>
      tpu.enqueue_dma source(%dma_start3A_1098 : memref<128x128xf32, #tpu.memory_space<vmem_shared>>) target(%arg6 : memref<128x128xf32, #tpu.memory_space<vmem>>) target_semaphore(%run_scoped3A_1094 : memref<!tpu.dma_semaphore, #tpu.memory_space<semaphore_mem>>)
      %dma_wait3A_1099 = arith.constant 0 : i32
      %dma_wait3A_1100 = tpu.memref_slice %arg9[%add3A_1077, %dma_wait3A_1099] : memref<10240x128xf32, #tpu.memory_space<vmem_shared>> -> memref<128x128xf32, #tpu.memory_space<vmem_shared>>
      %dma_wait3A_1101 = arith.constant 0 : i32
      %dma_wait3A_1102 = tpu.memref_slice %arg9[%add3A_1077, %dma_wait3A_1101] : memref<10240x128xf32, #tpu.memory_space<vmem_shared>> -> memref<128x128xf32, #tpu.memory_space<vmem_shared>>
      tpu.wait_dma2 semaphore(%run_scoped3A_1094 : memref<!tpu.dma_semaphore, #tpu.memory_space<semaphore_mem>>) src(%dma_wait3A_1102 : memref<128x128xf32, #tpu.memory_space<vmem_shared>>) dst(%arg6 : memref<128x128xf32, #tpu.memory_space<vmem>>)
      tpu.yield
    }) : () -> ()
    "tpu.region"() ({
      %run_scoped3A_1094 = tpu.sem_alloc : memref<!tpu.dma_semaphore, #tpu.memory_space<semaphore_mem>>
      %dma_start3A_1095 = arith.constant 0 : i32
      %dma_start3A_1096 = tpu.memref_slice %arg4[%arg0, %add3A_1077, %dma_start3A_1095] : memref<2x10240x128xf32, #tpu.memory_space<hbm>> -> memref<1x128x128xf32, #tpu.memory_space<hbm>>
      %dma_start3A_1097 = tpu.memref_squeeze %dma_start3A_1096 : memref<1x128x128xf32, #tpu.memory_space<hbm>> -> memref<128x128xf32, #tpu.memory_space<hbm>>
      %dma_start3A_1098 = arith.constant 0 : i32
      %dma_start3A_1099 = tpu.memref_slice %arg4[%arg0, %add3A_1077, %dma_start3A_1098] : memref<2x10240x128xf32, #tpu.memory_space<hbm>> -> memref<1x128x128xf32, #tpu.memory_space<hbm>>
      %dma_start3A_1100 = tpu.memref_squeeze %dma_start3A_1099 : memref<1x128x128xf32, #tpu.memory_space<hbm>> -> memref<128x128xf32, #tpu.memory_space<hbm>>
      tpu.enqueue_dma source(%arg6 : memref<128x128xf32, #tpu.memory_space<vmem>>) target(%dma_start3A_1100 : memref<128x128xf32, #tpu.memory_space<hbm>>) target_semaphore(%run_scoped3A_1094 : memref<!tpu.dma_semaphore, #tpu.memory_space<semaphore_mem>>)
      %dma_wait3A_1101 = arith.constant 0 : i32
      %dma_wait3A_1102 = tpu.memref_slice %arg4[%arg0, %add3A_1077, %dma_wait3A_1101] : memref<2x10240x128xf32, #tpu.memory_space<hbm>> -> memref<1x128x128xf32, #tpu.memory_space<hbm>>
      %dma_wait3A_1103 = tpu.memref_squeeze %dma_wait3A_1102 : memref<1x128x128xf32, #tpu.memory_space<hbm>> -> memref<128x128xf32, #tpu.memory_space<hbm>>
      %dma_wait3A_1104 = arith.constant 0 : i32
      %dma_wait3A_1105 = tpu.memref_slice %arg4[%arg0, %add3A_1077, %dma_wait3A_1104] : memref<2x10240x128xf32, #tpu.memory_space<hbm>> -> memref<1x128x128xf32, #tpu.memory_space<hbm>>
      %dma_wait3A_1106 = tpu.memref_squeeze %dma_wait3A_1105 : memref<1x128x128xf32, #tpu.memory_space<hbm>> -> memref<128x128xf32, #tpu.memory_space<hbm>>
      tpu.wait_dma2 semaphore(%run_scoped3A_1094 : memref<!tpu.dma_semaphore, #tpu.memory_space<semaphore_mem>>) src(%arg6 : memref<128x128xf32, #tpu.memory_space<vmem>>) dst(%dma_wait3A_1106 : memref<128x128xf32, #tpu.memory_space<hbm>>)
      tpu.yield
    }) : () -> ()
    %mul3A_1078 = arith.constant 640 : i32
    %mul3A_1079 = arith.muli %arg1, %mul3A_1078 : i32
    %add3A_1080 = arith.constant 128 : i32
    %add3A_1081 = arith.addi %mul3A_1079, %add3A_1080 : i32
    "tpu.region"() ({
      %run_scoped3A_1094 = tpu.sem_alloc : memref<!tpu.dma_semaphore, #tpu.memory_space<semaphore_mem>>
      %dma_start3A_1095 = arith.constant 0 : i32
      %dma_start3A_1096 = tpu.memref_slice %arg9[%add3A_1081, %dma_start3A_1095] : memref<10240x128xf32, #tpu.memory_space<vmem_shared>> -> memref<128x128xf32, #tpu.memory_space<vmem_shared>>
      %dma_start3A_1097 = arith.constant 0 : i32
      %dma_start3A_1098 = tpu.memref_slice %arg9[%add3A_1081, %dma_start3A_1097] : memref<10240x128xf32, #tpu.memory_space<vmem_shared>> -> memref<128x128xf32, #tpu.memory_space<vmem_shared>>
      tpu.enqueue_dma source(%dma_start3A_1098 : memref<128x128xf32, #tpu.memory_space<vmem_shared>>) target(%arg6 : memref<128x128xf32, #tpu.memory_space<vmem>>) target_semaphore(%run_scoped3A_1094 : memref<!tpu.dma_semaphore, #tpu.memory_space<semaphore_mem>>)
      %dma_wait3A_1099 = arith.constant 0 : i32
      %dma_wait3A_1100 = tpu.memref_slice %arg9[%add3A_1081, %dma_wait3A_1099] : memref<10240x128xf32, #tpu.memory_space<vmem_shared>> -> memref<128x128xf32, #tpu.memory_space<vmem_shared>>
      %dma_wait3A_1101 = arith.constant 0 : i32
      %dma_wait3A_1102 = tpu.memref_slice %arg9[%add3A_1081, %dma_wait3A_1101] : memref<10240x128xf32, #tpu.memory_space<vmem_shared>> -> memref<128x128xf32, #tpu.memory_space<vmem_shared>>
      tpu.wait_dma2 semaphore(%run_scoped3A_1094 : memref<!tpu.dma_semaphore, #tpu.memory_space<semaphore_mem>>) src(%dma_wait3A_1102 : memref<128x128xf32, #tpu.memory_space<vmem_shared>>) dst(%arg6 : memref<128x128xf32, #tpu.memory_space<vmem>>)
      tpu.yield
    }) : () -> ()
    "tpu.region"() ({
      %run_scoped3A_1094 = tpu.sem_alloc : memref<!tpu.dma_semaphore, #tpu.memory_space<semaphore_mem>>
      %dma_start3A_1095 = arith.constant 0 : i32
      %dma_start3A_1096 = tpu.memref_slice %arg4[%arg0, %add3A_1081, %dma_start3A_1095] : memref<2x10240x128xf32, #tpu.memory_space<hbm>> -> memref<1x128x128xf32, #tpu.memory_space<hbm>>
      %dma_start3A_1097 = tpu.memref_squeeze %dma_start3A_1096 : memref<1x128x128xf32, #tpu.memory_space<hbm>> -> memref<128x128xf32, #tpu.memory_space<hbm>>
      %dma_start3A_1098 = arith.constant 0 : i32
      %dma_start3A_1099 = tpu.memref_slice %arg4[%arg0, %add3A_1081, %dma_start3A_1098] : memref<2x10240x128xf32, #tpu.memory_space<hbm>> -> memref<1x128x128xf32, #tpu.memory_space<hbm>>
      %dma_start3A_1100 = tpu.memref_squeeze %dma_start3A_1099 : memref<1x128x128xf32, #tpu.memory_space<hbm>> -> memref<128x128xf32, #tpu.memory_space<hbm>>
      tpu.enqueue_dma source(%arg6 : memref<128x128xf32, #tpu.memory_space<vmem>>) target(%dma_start3A_1100 : memref<128x128xf32, #tpu.memory_space<hbm>>) target_semaphore(%run_scoped3A_1094 : memref<!tpu.dma_semaphore, #tpu.memory_space<semaphore_mem>>)
      %dma_wait3A_1101 = arith.constant 0 : i32
      %dma_wait3A_1102 = tpu.memref_slice %arg4[%arg0, %add3A_1081, %dma_wait3A_1101] : memref<2x10240x128xf32, #tpu.memory_space<hbm>> -> memref<1x128x128xf32, #tpu.memory_space<hbm>>
      %dma_wait3A_1103 = tpu.memref_squeeze %dma_wait3A_1102 : memref<1x128x128xf32, #tpu.memory_space<hbm>> -> memref<128x128xf32, #tpu.memory_space<hbm>>
      %dma_wait3A_1104 = arith.constant 0 : i32
      %dma_wait3A_1105 = tpu.memref_slice %arg4[%arg0, %add3A_1081, %dma_wait3A_1104] : memref<2x10240x128xf32, #tpu.memory_space<hbm>> -> memref<1x128x128xf32, #tpu.memory_space<hbm>>
      %dma_wait3A_1106 = tpu.memref_squeeze %dma_wait3A_1105 : memref<1x128x128xf32, #tpu.memory_space<hbm>> -> memref<128x128xf32, #tpu.memory_space<hbm>>
      tpu.wait_dma2 semaphore(%run_scoped3A_1094 : memref<!tpu.dma_semaphore, #tpu.memory_space<semaphore_mem>>) src(%arg6 : memref<128x128xf32, #tpu.memory_space<vmem>>) dst(%dma_wait3A_1106 : memref<128x128xf32, #tpu.memory_space<hbm>>)
      tpu.yield
    }) : () -> ()
    %mul3A_1082 = arith.constant 640 : i32
    %mul3A_1083 = arith.muli %arg1, %mul3A_1082 : i32
    %add3A_1084 = arith.constant 256 : i32
    %add3A_1085 = arith.addi %mul3A_1083, %add3A_1084 : i32
    "tpu.region"() ({
      %run_scoped3A_1094 = tpu.sem_alloc : memref<!tpu.dma_semaphore, #tpu.memory_space<semaphore_mem>>
      %dma_start3A_1095 = arith.constant 0 : i32
      %dma_start3A_1096 = tpu.memref_slice %arg9[%add3A_1085, %dma_start3A_1095] : memref<10240x128xf32, #tpu.memory_space<vmem_shared>> -> memref<128x128xf32, #tpu.memory_space<vmem_shared>>
      %dma_start3A_1097 = arith.constant 0 : i32
      %dma_start3A_1098 = tpu.memref_slice %arg9[%add3A_1085, %dma_start3A_1097] : memref<10240x128xf32, #tpu.memory_space<vmem_shared>> -> memref<128x128xf32, #tpu.memory_space<vmem_shared>>
      tpu.enqueue_dma source(%dma_start3A_1098 : memref<128x128xf32, #tpu.memory_space<vmem_shared>>) target(%arg6 : memref<128x128xf32, #tpu.memory_space<vmem>>) target_semaphore(%run_scoped3A_1094 : memref<!tpu.dma_semaphore, #tpu.memory_space<semaphore_mem>>)
      %dma_wait3A_1099 = arith.constant 0 : i32
      %dma_wait3A_1100 = tpu.memref_slice %arg9[%add3A_1085, %dma_wait3A_1099] : memref<10240x128xf32, #tpu.memory_space<vmem_shared>> -> memref<128x128xf32, #tpu.memory_space<vmem_shared>>
      %dma_wait3A_1101 = arith.constant 0 : i32
      %dma_wait3A_1102 = tpu.memref_slice %arg9[%add3A_1085, %dma_wait3A_1101] : memref<10240x128xf32, #tpu.memory_space<vmem_shared>> -> memref<128x128xf32, #tpu.memory_space<vmem_shared>>
      tpu.wait_dma2 semaphore(%run_scoped3A_1094 : memref<!tpu.dma_semaphore, #tpu.memory_space<semaphore_mem>>) src(%dma_wait3A_1102 : memref<128x128xf32, #tpu.memory_space<vmem_shared>>) dst(%arg6 : memref<128x128xf32, #tpu.memory_space<vmem>>)
      tpu.yield
    }) : () -> ()
    "tpu.region"() ({
      %run_scoped3A_1094 = tpu.sem_alloc : memref<!tpu.dma_semaphore, #tpu.memory_space<semaphore_mem>>
      %dma_start3A_1095 = arith.constant 0 : i32
      %dma_start3A_1096 = tpu.memref_slice %arg4[%arg0, %add3A_1085, %dma_start3A_1095] : memref<2x10240x128xf32, #tpu.memory_space<hbm>> -> memref<1x128x128xf32, #tpu.memory_space<hbm>>
      %dma_start3A_1097 = tpu.memref_squeeze %dma_start3A_1096 : memref<1x128x128xf32, #tpu.memory_space<hbm>> -> memref<128x128xf32, #tpu.memory_space<hbm>>
      %dma_start3A_1098 = arith.constant 0 : i32
      %dma_start3A_1099 = tpu.memref_slice %arg4[%arg0, %add3A_1085, %dma_start3A_1098] : memref<2x10240x128xf32, #tpu.memory_space<hbm>> -> memref<1x128x128xf32, #tpu.memory_space<hbm>>
      %dma_start3A_1100 = tpu.memref_squeeze %dma_start3A_1099 : memref<1x128x128xf32, #tpu.memory_space<hbm>> -> memref<128x128xf32, #tpu.memory_space<hbm>>
      tpu.enqueue_dma source(%arg6 : memref<128x128xf32, #tpu.memory_space<vmem>>) target(%dma_start3A_1100 : memref<128x128xf32, #tpu.memory_space<hbm>>) target_semaphore(%run_scoped3A_1094 : memref<!tpu.dma_semaphore, #tpu.memory_space<semaphore_mem>>)
      %dma_wait3A_1101 = arith.constant 0 : i32
      %dma_wait3A_1102 = tpu.memref_slice %arg4[%arg0, %add3A_1085, %dma_wait3A_1101] : memref<2x10240x128xf32, #tpu.memory_space<hbm>> -> memref<1x128x128xf32, #tpu.memory_space<hbm>>
      %dma_wait3A_1103 = tpu.memref_squeeze %dma_wait3A_1102 : memref<1x128x128xf32, #tpu.memory_space<hbm>> -> memref<128x128xf32, #tpu.memory_space<hbm>>
      %dma_wait3A_1104 = arith.constant 0 : i32
      %dma_wait3A_1105 = tpu.memref_slice %arg4[%arg0, %add3A_1085, %dma_wait3A_1104] : memref<2x10240x128xf32, #tpu.memory_space<hbm>> -> memref<1x128x128xf32, #tpu.memory_space<hbm>>
      %dma_wait3A_1106 = tpu.memref_squeeze %dma_wait3A_1105 : memref<1x128x128xf32, #tpu.memory_space<hbm>> -> memref<128x128xf32, #tpu.memory_space<hbm>>
      tpu.wait_dma2 semaphore(%run_scoped3A_1094 : memref<!tpu.dma_semaphore, #tpu.memory_space<semaphore_mem>>) src(%arg6 : memref<128x128xf32, #tpu.memory_space<vmem>>) dst(%dma_wait3A_1106 : memref<128x128xf32, #tpu.memory_space<hbm>>)
      tpu.yield
    }) : () -> ()
    %mul3A_1086 = arith.constant 640 : i32
    %mul3A_1087 = arith.muli %arg1, %mul3A_1086 : i32
    %add3A_1088 = arith.constant 384 : i32
    %add3A_1089 = arith.addi %mul3A_1087, %add3A_1088 : i32
    "tpu.region"() ({
      %run_scoped3A_1094 = tpu.sem_alloc : memref<!tpu.dma_semaphore, #tpu.memory_space<semaphore_mem>>
      %dma_start3A_1095 = arith.constant 0 : i32
      %dma_start3A_1096 = tpu.memref_slice %arg9[%add3A_1089, %dma_start3A_1095] : memref<10240x128xf32, #tpu.memory_space<vmem_shared>> -> memref<128x128xf32, #tpu.memory_space<vmem_shared>>
      %dma_start3A_1097 = arith.constant 0 : i32
      %dma_start3A_1098 = tpu.memref_slice %arg9[%add3A_1089, %dma_start3A_1097] : memref<10240x128xf32, #tpu.memory_space<vmem_shared>> -> memref<128x128xf32, #tpu.memory_space<vmem_shared>>
      tpu.enqueue_dma source(%dma_start3A_1098 : memref<128x128xf32, #tpu.memory_space<vmem_shared>>) target(%arg6 : memref<128x128xf32, #tpu.memory_space<vmem>>) target_semaphore(%run_scoped3A_1094 : memref<!tpu.dma_semaphore, #tpu.memory_space<semaphore_mem>>)
      %dma_wait3A_1099 = arith.constant 0 : i32
      %dma_wait3A_1100 = tpu.memref_slice %arg9[%add3A_1089, %dma_wait3A_1099] : memref<10240x128xf32, #tpu.memory_space<vmem_shared>> -> memref<128x128xf32, #tpu.memory_space<vmem_shared>>
      %dma_wait3A_1101 = arith.constant 0 : i32
      %dma_wait3A_1102 = tpu.memref_slice %arg9[%add3A_1089, %dma_wait3A_1101] : memref<10240x128xf32, #tpu.memory_space<vmem_shared>> -> memref<128x128xf32, #tpu.memory_space<vmem_shared>>
      tpu.wait_dma2 semaphore(%run_scoped3A_1094 : memref<!tpu.dma_semaphore, #tpu.memory_space<semaphore_mem>>) src(%dma_wait3A_1102 : memref<128x128xf32, #tpu.memory_space<vmem_shared>>) dst(%arg6 : memref<128x128xf32, #tpu.memory_space<vmem>>)
      tpu.yield
    }) : () -> ()
    "tpu.region"() ({
      %run_scoped3A_1094 = tpu.sem_alloc : memref<!tpu.dma_semaphore, #tpu.memory_space<semaphore_mem>>
      %dma_start3A_1095 = arith.constant 0 : i32
      %dma_start3A_1096 = tpu.memref_slice %arg4[%arg0, %add3A_1089, %dma_start3A_1095] : memref<2x10240x128xf32, #tpu.memory_space<hbm>> -> memref<1x128x128xf32, #tpu.memory_space<hbm>>
      %dma_start3A_1097 = tpu.memref_squeeze %dma_start3A_1096 : memref<1x128x128xf32, #tpu.memory_space<hbm>> -> memref<128x128xf32, #tpu.memory_space<hbm>>
      %dma_start3A_1098 = arith.constant 0 : i32
      %dma_start3A_1099 = tpu.memref_slice %arg4[%arg0, %add3A_1089, %dma_start3A_1098] : memref<2x10240x128xf32, #tpu.memory_space<hbm>> -> memref<1x128x128xf32, #tpu.memory_space<hbm>>
      %dma_start3A_1100 = tpu.memref_squeeze %dma_start3A_1099 : memref<1x128x128xf32, #tpu.memory_space<hbm>> -> memref<128x128xf32, #tpu.memory_space<hbm>>
      tpu.enqueue_dma source(%arg6 : memref<128x128xf32, #tpu.memory_space<vmem>>) target(%dma_start3A_1100 : memref<128x128xf32, #tpu.memory_space<hbm>>) target_semaphore(%run_scoped3A_1094 : memref<!tpu.dma_semaphore, #tpu.memory_space<semaphore_mem>>)
      %dma_wait3A_1101 = arith.constant 0 : i32
      %dma_wait3A_1102 = tpu.memref_slice %arg4[%arg0, %add3A_1089, %dma_wait3A_1101] : memref<2x10240x128xf32, #tpu.memory_space<hbm>> -> memref<1x128x128xf32, #tpu.memory_space<hbm>>
      %dma_wait3A_1103 = tpu.memref_squeeze %dma_wait3A_1102 : memref<1x128x128xf32, #tpu.memory_space<hbm>> -> memref<128x128xf32, #tpu.memory_space<hbm>>
      %dma_wait3A_1104 = arith.constant 0 : i32
      %dma_wait3A_1105 = tpu.memref_slice %arg4[%arg0, %add3A_1089, %dma_wait3A_1104] : memref<2x10240x128xf32, #tpu.memory_space<hbm>> -> memref<1x128x128xf32, #tpu.memory_space<hbm>>
      %dma_wait3A_1106 = tpu.memref_squeeze %dma_wait3A_1105 : memref<1x128x128xf32, #tpu.memory_space<hbm>> -> memref<128x128xf32, #tpu.memory_space<hbm>>
      tpu.wait_dma2 semaphore(%run_scoped3A_1094 : memref<!tpu.dma_semaphore, #tpu.memory_space<semaphore_mem>>) src(%arg6 : memref<128x128xf32, #tpu.memory_space<vmem>>) dst(%dma_wait3A_1106 : memref<128x128xf32, #tpu.memory_space<hbm>>)
      tpu.yield
    }) : () -> ()
    %mul3A_1090 = arith.constant 640 : i32
    %mul3A_1091 = arith.muli %arg1, %mul3A_1090 : i32
    %add3A_1092 = arith.constant 512 : i32
    %add3A_1093 = arith.addi %mul3A_1091, %add3A_1092 : i32
    "tpu.region"() ({
      %run_scoped3A_1094 = tpu.sem_alloc : memref<!tpu.dma_semaphore, #tpu.memory_space<semaphore_mem>>
      %dma_start3A_1095 = arith.constant 0 : i32
      %dma_start3A_1096 = tpu.memref_slice %arg9[%add3A_1093, %dma_start3A_1095] : memref<10240x128xf32, #tpu.memory_space<vmem_shared>> -> memref<128x128xf32, #tpu.memory_space<vmem_shared>>
      %dma_start3A_1097 = arith.constant 0 : i32
      %dma_start3A_1098 = tpu.memref_slice %arg9[%add3A_1093, %dma_start3A_1097] : memref<10240x128xf32, #tpu.memory_space<vmem_shared>> -> memref<128x128xf32, #tpu.memory_space<vmem_shared>>
      tpu.enqueue_dma source(%dma_start3A_1098 : memref<128x128xf32, #tpu.memory_space<vmem_shared>>) target(%arg6 : memref<128x128xf32, #tpu.memory_space<vmem>>) target_semaphore(%run_scoped3A_1094 : memref<!tpu.dma_semaphore, #tpu.memory_space<semaphore_mem>>)
      %dma_wait3A_1099 = arith.constant 0 : i32
      %dma_wait3A_1100 = tpu.memref_slice %arg9[%add3A_1093, %dma_wait3A_1099] : memref<10240x128xf32, #tpu.memory_space<vmem_shared>> -> memref<128x128xf32, #tpu.memory_space<vmem_shared>>
      %dma_wait3A_1101 = arith.constant 0 : i32
      %dma_wait3A_1102 = tpu.memref_slice %arg9[%add3A_1093, %dma_wait3A_1101] : memref<10240x128xf32, #tpu.memory_space<vmem_shared>> -> memref<128x128xf32, #tpu.memory_space<vmem_shared>>
      tpu.wait_dma2 semaphore(%run_scoped3A_1094 : memref<!tpu.dma_semaphore, #tpu.memory_space<semaphore_mem>>) src(%dma_wait3A_1102 : memref<128x128xf32, #tpu.memory_space<vmem_shared>>) dst(%arg6 : memref<128x128xf32, #tpu.memory_space<vmem>>)
      tpu.yield
    }) : () -> ()
    "tpu.region"() ({
      %run_scoped3A_1094 = tpu.sem_alloc : memref<!tpu.dma_semaphore, #tpu.memory_space<semaphore_mem>>
      %dma_start3A_1095 = arith.constant 0 : i32
      %dma_start3A_1096 = tpu.memref_slice %arg4[%arg0, %add3A_1093, %dma_start3A_1095] : memref<2x10240x128xf32, #tpu.memory_space<hbm>> -> memref<1x128x128xf32, #tpu.memory_space<hbm>>
      %dma_start3A_1097 = tpu.memref_squeeze %dma_start3A_1096 : memref<1x128x128xf32, #tpu.memory_space<hbm>> -> memref<128x128xf32, #tpu.memory_space<hbm>>
      %dma_start3A_1098 = arith.constant 0 : i32
      %dma_start3A_1099 = tpu.memref_slice %arg4[%arg0, %add3A_1093, %dma_start3A_1098] : memref<2x10240x128xf32, #tpu.memory_space<hbm>> -> memref<1x128x128xf32, #tpu.memory_space<hbm>>
      %dma_start3A_1100 = tpu.memref_squeeze %dma_start3A_1099 : memref<1x128x128xf32, #tpu.memory_space<hbm>> -> memref<128x128xf32, #tpu.memory_space<hbm>>
      tpu.enqueue_dma source(%arg6 : memref<128x128xf32, #tpu.memory_space<vmem>>) target(%dma_start3A_1100 : memref<128x128xf32, #tpu.memory_space<hbm>>) target_semaphore(%run_scoped3A_1094 : memref<!tpu.dma_semaphore, #tpu.memory_space<semaphore_mem>>)
      %dma_wait3A_1101 = arith.constant 0 : i32
      %dma_wait3A_1102 = tpu.memref_slice %arg4[%arg0, %add3A_1093, %dma_wait3A_1101] : memref<2x10240x128xf32, #tpu.memory_space<hbm>> -> memref<1x128x128xf32, #tpu.memory_space<hbm>>
      %dma_wait3A_1103 = tpu.memref_squeeze %dma_wait3A_1102 : memref<1x128x128xf32, #tpu.memory_space<hbm>> -> memref<128x128xf32, #tpu.memory_space<hbm>>
      %dma_wait3A_1104 = arith.constant 0 : i32
      %dma_wait3A_1105 = tpu.memref_slice %arg4[%arg0, %add3A_1093, %dma_wait3A_1104] : memref<2x10240x128xf32, #tpu.memory_space<hbm>> -> memref<1x128x128xf32, #tpu.memory_space<hbm>>
      %dma_wait3A_1106 = tpu.memref_squeeze %dma_wait3A_1105 : memref<1x128x128xf32, #tpu.memory_space<hbm>> -> memref<128x128xf32, #tpu.memory_space<hbm>>
      tpu.wait_dma2 semaphore(%run_scoped3A_1094 : memref<!tpu.dma_semaphore, #tpu.memory_space<semaphore_mem>>) src(%arg6 : memref<128x128xf32, #tpu.memory_space<vmem>>) dst(%dma_wait3A_1106 : memref<128x128xf32, #tpu.memory_space<hbm>>)
      tpu.yield
    }) : () -> ()
    return
  }
}

#map = affine_map<(d0, d1) -> (0, 0)>
module attributes {stable_mosaic.version = 14 : i64} {
  func.func @body(%arg0: i32, %arg1: i32, %arg2: memref<10000x128xf32, #tpu.memory_space<hbm>>, %arg3: memref<2560x128xi32, #tpu.memory_space<hbm>>, %arg4: memref<327680x128xf32, #tpu.memory_space<hbm>>, %arg5: memref<80x128xi32, #tpu.memory_space<vmem>>, %arg6: memref<128x128xf32, #tpu.memory_space<vmem>>, %arg7: memref<128x128xf32, #tpu.memory_space<vmem>>, %arg8: memref<128x128xf32, #tpu.memory_space<vmem>>, %arg9: memref<128x128xf32, #tpu.memory_space<vmem>>, %arg10: memref<128x128xf32, #tpu.memory_space<vmem>>, %arg11: memref<!tpu.dma_semaphore, #tpu.memory_space<semaphore_mem>>, %arg12: memref<!tpu.dma_semaphore, #tpu.memory_space<semaphore_mem>>) attributes {dimension_semantics = [#tpu.dimension_semantics<core_parallel>, #tpu.dimension_semantics<subcore_parallel>], iteration_bounds = array<i64: 2, 16>, scalar_prefetch = 0 : i64, scratch_operands = 8 : i64, tpu.core_type = #tpu.core_type<sc_vector_subcore>, window_params = [{transform_indices = #map}, {transform_indices = #map}, {transform_indices = #map}]} {
    %mul3A = arith.constant 2 : i32
    %mul3A_0 = arith.muli %arg1, %mul3A : i32
    %add3A = arith.addi %mul3A_0, %arg0 : i32
    %mul3A_1 = arith.constant 80 : i32
    %mul3A_2 = arith.muli %add3A, %mul3A_1 : i32
    "tpu.region"() ({
      %run_scoped3A = tpu.sem_alloc : memref<!tpu.dma_semaphore, #tpu.memory_space<semaphore_mem>>
      %dma_start3A_151 = arith.constant 0 : i32
      %dma_start3A_152 = tpu.memref_slice %arg3[%mul3A_2, %dma_start3A_151] : memref<2560x128xi32, #tpu.memory_space<hbm>> -> memref<80x128xi32, #tpu.memory_space<hbm>>
      %dma_start3A_153 = arith.constant 0 : i32
      %dma_start3A_154 = tpu.memref_slice %arg3[%mul3A_2, %dma_start3A_153] : memref<2560x128xi32, #tpu.memory_space<hbm>> -> memref<80x128xi32, #tpu.memory_space<hbm>>
      tpu.enqueue_dma source(%dma_start3A_154 : memref<80x128xi32, #tpu.memory_space<hbm>>) target(%arg5 : memref<80x128xi32, #tpu.memory_space<vmem>>) target_semaphore(%run_scoped3A : memref<!tpu.dma_semaphore, #tpu.memory_space<semaphore_mem>>)
      %dma_wait3A_155 = arith.constant 0 : i32
      %dma_wait3A_156 = tpu.memref_slice %arg3[%mul3A_2, %dma_wait3A_155] : memref<2560x128xi32, #tpu.memory_space<hbm>> -> memref<80x128xi32, #tpu.memory_space<hbm>>
      %dma_wait3A_157 = arith.constant 0 : i32
      %dma_wait3A_158 = tpu.memref_slice %arg3[%mul3A_2, %dma_wait3A_157] : memref<2560x128xi32, #tpu.memory_space<hbm>> -> memref<80x128xi32, #tpu.memory_space<hbm>>
      tpu.wait_dma2 semaphore(%run_scoped3A : memref<!tpu.dma_semaphore, #tpu.memory_space<semaphore_mem>>) src(%dma_wait3A_158 : memref<80x128xi32, #tpu.memory_space<hbm>>) dst(%arg5 : memref<80x128xi32, #tpu.memory_space<vmem>>)
      tpu.yield
    }) : () -> ()
    %dma_start3A = arith.constant 0 : i32
    %dma_start3A_3 = arith.constant 0 : i32
    %dma_start3A_4 = tpu.memref_slice %arg5[%dma_start3A, %dma_start3A_3] : memref<80x128xi32, #tpu.memory_space<vmem>> -> memref<1x128xi32, #tpu.memory_space<vmem>>
    %dma_start3A_5 = tpu.memref_squeeze %dma_start3A_4 : memref<1x128xi32, #tpu.memory_space<vmem>> -> memref<128xi32, #tpu.memory_space<vmem>>
    %dma_start3A_6 = arith.constant 0 : i32
    %dma_start3A_7 = arith.constant 0 : i32
    %dma_start3A_8 = tpu.memref_slice %arg2[%dma_start3A_6, %dma_start3A_7] : memref<10000x128xf32, #tpu.memory_space<hbm>> -> memref<10000x128xf32, #tpu.memory_space<hbm>>
    tpu.enqueue_indirect_dma source(%dma_start3A_8 : memref<10000x128xf32, #tpu.memory_space<hbm>>) target(%arg6 : memref<128x128xf32, #tpu.memory_space<vmem>>) offsets(%dma_start3A_5 : memref<128xi32, #tpu.memory_space<vmem>>) semaphore(%arg11 : memref<!tpu.dma_semaphore, #tpu.memory_space<semaphore_mem>>)
    %dma_start3A_9 = arith.constant 1 : i32
    %dma_start3A_10 = arith.constant 0 : i32
    %dma_start3A_11 = tpu.memref_slice %arg5[%dma_start3A_9, %dma_start3A_10] : memref<80x128xi32, #tpu.memory_space<vmem>> -> memref<1x128xi32, #tpu.memory_space<vmem>>
    %dma_start3A_12 = tpu.memref_squeeze %dma_start3A_11 : memref<1x128xi32, #tpu.memory_space<vmem>> -> memref<128xi32, #tpu.memory_space<vmem>>
    %dma_start3A_13 = arith.constant 0 : i32
    %dma_start3A_14 = arith.constant 0 : i32
    %dma_start3A_15 = tpu.memref_slice %arg2[%dma_start3A_13, %dma_start3A_14] : memref<10000x128xf32, #tpu.memory_space<hbm>> -> memref<10000x128xf32, #tpu.memory_space<hbm>>
    tpu.enqueue_indirect_dma source(%dma_start3A_15 : memref<10000x128xf32, #tpu.memory_space<hbm>>) target(%arg7 : memref<128x128xf32, #tpu.memory_space<vmem>>) offsets(%dma_start3A_12 : memref<128xi32, #tpu.memory_space<vmem>>) semaphore(%arg11 : memref<!tpu.dma_semaphore, #tpu.memory_space<semaphore_mem>>)
    %dma_start3A_16 = arith.constant 2 : i32
    %dma_start3A_17 = arith.constant 0 : i32
    %dma_start3A_18 = tpu.memref_slice %arg5[%dma_start3A_16, %dma_start3A_17] : memref<80x128xi32, #tpu.memory_space<vmem>> -> memref<1x128xi32, #tpu.memory_space<vmem>>
    %dma_start3A_19 = tpu.memref_squeeze %dma_start3A_18 : memref<1x128xi32, #tpu.memory_space<vmem>> -> memref<128xi32, #tpu.memory_space<vmem>>
    %dma_start3A_20 = arith.constant 0 : i32
    %dma_start3A_21 = arith.constant 0 : i32
    %dma_start3A_22 = tpu.memref_slice %arg2[%dma_start3A_20, %dma_start3A_21] : memref<10000x128xf32, #tpu.memory_space<hbm>> -> memref<10000x128xf32, #tpu.memory_space<hbm>>
    tpu.enqueue_indirect_dma source(%dma_start3A_22 : memref<10000x128xf32, #tpu.memory_space<hbm>>) target(%arg8 : memref<128x128xf32, #tpu.memory_space<vmem>>) offsets(%dma_start3A_19 : memref<128xi32, #tpu.memory_space<vmem>>) semaphore(%arg11 : memref<!tpu.dma_semaphore, #tpu.memory_space<semaphore_mem>>)
    %dma_wait3A = arith.constant 0 : i32
    %dma_wait3A_23 = arith.constant 0 : i32
    %dma_wait3A_24 = tpu.memref_slice %arg2[%dma_wait3A, %dma_wait3A_23] : memref<10000x128xf32, #tpu.memory_space<hbm>> -> memref<128x128xf32, #tpu.memory_space<hbm>>
    %dma_wait3A_25 = arith.constant 0 : i32
    %dma_wait3A_26 = arith.constant 0 : i32
    %dma_wait3A_27 = tpu.memref_slice %arg2[%dma_wait3A_25, %dma_wait3A_26] : memref<10000x128xf32, #tpu.memory_space<hbm>> -> memref<128x128xf32, #tpu.memory_space<hbm>>
    tpu.wait_dma2 semaphore(%arg11 : memref<!tpu.dma_semaphore, #tpu.memory_space<semaphore_mem>>) src(%dma_wait3A_27 : memref<128x128xf32, #tpu.memory_space<hbm>>) dst(%arg6 : memref<128x128xf32, #tpu.memory_space<vmem>>)
    %mul3A_28 = arith.constant 80 : i32
    %mul3A_29 = arith.muli %add3A, %mul3A_28 : i32
    %add3A_30 = arith.constant 0 : i32
    %add3A_31 = arith.addi %mul3A_29, %add3A_30 : i32
    %mul3A_32 = arith.constant 128 : i32
    %mul3A_33 = arith.muli %add3A_31, %mul3A_32 : i32
    %dma_start3A_34 = arith.constant 0 : i32
    %dma_start3A_35 = tpu.memref_slice %arg4[%mul3A_33, %dma_start3A_34] : memref<327680x128xf32, #tpu.memory_space<hbm>> -> memref<128x128xf32, #tpu.memory_space<hbm>>
    %dma_start3A_36 = arith.constant 0 : i32
    %dma_start3A_37 = tpu.memref_slice %arg4[%mul3A_33, %dma_start3A_36] : memref<327680x128xf32, #tpu.memory_space<hbm>> -> memref<128x128xf32, #tpu.memory_space<hbm>>
    tpu.enqueue_dma source(%arg6 : memref<128x128xf32, #tpu.memory_space<vmem>>) target(%dma_start3A_37 : memref<128x128xf32, #tpu.memory_space<hbm>>) target_semaphore(%arg12 : memref<!tpu.dma_semaphore, #tpu.memory_space<semaphore_mem>>)
    %dma_start3A_38 = arith.constant 3 : i32
    %dma_start3A_39 = arith.constant 0 : i32
    %dma_start3A_40 = tpu.memref_slice %arg5[%dma_start3A_38, %dma_start3A_39] : memref<80x128xi32, #tpu.memory_space<vmem>> -> memref<1x128xi32, #tpu.memory_space<vmem>>
    %dma_start3A_41 = tpu.memref_squeeze %dma_start3A_40 : memref<1x128xi32, #tpu.memory_space<vmem>> -> memref<128xi32, #tpu.memory_space<vmem>>
    %dma_start3A_42 = arith.constant 0 : i32
    %dma_start3A_43 = arith.constant 0 : i32
    %dma_start3A_44 = tpu.memref_slice %arg2[%dma_start3A_42, %dma_start3A_43] : memref<10000x128xf32, #tpu.memory_space<hbm>> -> memref<10000x128xf32, #tpu.memory_space<hbm>>
    tpu.enqueue_indirect_dma source(%dma_start3A_44 : memref<10000x128xf32, #tpu.memory_space<hbm>>) target(%arg9 : memref<128x128xf32, #tpu.memory_space<vmem>>) offsets(%dma_start3A_41 : memref<128xi32, #tpu.memory_space<vmem>>) semaphore(%arg11 : memref<!tpu.dma_semaphore, #tpu.memory_space<semaphore_mem>>)
    %dma_wait3A_45 = arith.constant 0 : i32
    %dma_wait3A_46 = arith.constant 0 : i32
    %dma_wait3A_47 = tpu.memref_slice %arg2[%dma_wait3A_45, %dma_wait3A_46] : memref<10000x128xf32, #tpu.memory_space<hbm>> -> memref<128x128xf32, #tpu.memory_space<hbm>>
    %dma_wait3A_48 = arith.constant 0 : i32
    %dma_wait3A_49 = arith.constant 0 : i32
    %dma_wait3A_50 = tpu.memref_slice %arg2[%dma_wait3A_48, %dma_wait3A_49] : memref<10000x128xf32, #tpu.memory_space<hbm>> -> memref<128x128xf32, #tpu.memory_space<hbm>>
    tpu.wait_dma2 semaphore(%arg11 : memref<!tpu.dma_semaphore, #tpu.memory_space<semaphore_mem>>) src(%dma_wait3A_50 : memref<128x128xf32, #tpu.memory_space<hbm>>) dst(%arg7 : memref<128x128xf32, #tpu.memory_space<vmem>>)
    %mul3A_51 = arith.constant 80 : i32
    %mul3A_52 = arith.muli %add3A, %mul3A_51 : i32
    %add3A_53 = arith.constant 1 : i32
    %add3A_54 = arith.addi %mul3A_52, %add3A_53 : i32
    %mul3A_55 = arith.constant 128 : i32
    %mul3A_56 = arith.muli %add3A_54, %mul3A_55 : i32
    %dma_start3A_57 = arith.constant 0 : i32
    %dma_start3A_58 = tpu.memref_slice %arg4[%mul3A_56, %dma_start3A_57] : memref<327680x128xf32, #tpu.memory_space<hbm>> -> memref<128x128xf32, #tpu.memory_space<hbm>>
    %dma_start3A_59 = arith.constant 0 : i32
    %dma_start3A_60 = tpu.memref_slice %arg4[%mul3A_56, %dma_start3A_59] : memref<327680x128xf32, #tpu.memory_space<hbm>> -> memref<128x128xf32, #tpu.memory_space<hbm>>
    tpu.enqueue_dma source(%arg7 : memref<128x128xf32, #tpu.memory_space<vmem>>) target(%dma_start3A_60 : memref<128x128xf32, #tpu.memory_space<hbm>>) target_semaphore(%arg12 : memref<!tpu.dma_semaphore, #tpu.memory_space<semaphore_mem>>)
    %dma_start3A_61 = arith.constant 4 : i32
    %dma_start3A_62 = arith.constant 0 : i32
    %dma_start3A_63 = tpu.memref_slice %arg5[%dma_start3A_61, %dma_start3A_62] : memref<80x128xi32, #tpu.memory_space<vmem>> -> memref<1x128xi32, #tpu.memory_space<vmem>>
    %dma_start3A_64 = tpu.memref_squeeze %dma_start3A_63 : memref<1x128xi32, #tpu.memory_space<vmem>> -> memref<128xi32, #tpu.memory_space<vmem>>
    %dma_start3A_65 = arith.constant 0 : i32
    %dma_start3A_66 = arith.constant 0 : i32
    %dma_start3A_67 = tpu.memref_slice %arg2[%dma_start3A_65, %dma_start3A_66] : memref<10000x128xf32, #tpu.memory_space<hbm>> -> memref<10000x128xf32, #tpu.memory_space<hbm>>
    tpu.enqueue_indirect_dma source(%dma_start3A_67 : memref<10000x128xf32, #tpu.memory_space<hbm>>) target(%arg10 : memref<128x128xf32, #tpu.memory_space<vmem>>) offsets(%dma_start3A_64 : memref<128xi32, #tpu.memory_space<vmem>>) semaphore(%arg11 : memref<!tpu.dma_semaphore, #tpu.memory_space<semaphore_mem>>)
    %scan3A = arith.constant 0 : i32
    %scan3A_68 = arith.constant 0 : i32
    %scan3A_69 = arith.constant 15 : i32
    %scan3A_70 = arith.addi %scan3A_68, %scan3A_69 : i32
    %scan3A_71 = arith.constant 1 : i32
    scf.for %scan3A_151 = %scan3A_68 to %scan3A_70 step %scan3A_71  : i32 {
      %mul3A_152 = arith.constant 5 : i32
      %mul3A_153 = arith.muli %scan3A_151, %mul3A_152 : i32
      %add3A_154 = arith.constant 2 : i32
      %add3A_155 = arith.addi %add3A_154, %mul3A_153 : i32
      %dma_wait3A_156 = arith.constant 0 : i32
      %dma_wait3A_157 = arith.constant 0 : i32
      %dma_wait3A_158 = tpu.memref_slice %arg2[%dma_wait3A_156, %dma_wait3A_157] : memref<10000x128xf32, #tpu.memory_space<hbm>> -> memref<128x128xf32, #tpu.memory_space<hbm>>
      %dma_wait3A_159 = arith.constant 0 : i32
      %dma_wait3A_160 = arith.constant 0 : i32
      %dma_wait3A_161 = tpu.memref_slice %arg2[%dma_wait3A_159, %dma_wait3A_160] : memref<10000x128xf32, #tpu.memory_space<hbm>> -> memref<128x128xf32, #tpu.memory_space<hbm>>
      tpu.wait_dma2 semaphore(%arg11 : memref<!tpu.dma_semaphore, #tpu.memory_space<semaphore_mem>>) src(%dma_wait3A_161 : memref<128x128xf32, #tpu.memory_space<hbm>>) dst(%arg8 : memref<128x128xf32, #tpu.memory_space<vmem>>)
      %mul3A_162 = arith.constant 80 : i32
      %mul3A_163 = arith.muli %add3A, %mul3A_162 : i32
      %add3A_164 = arith.addi %mul3A_163, %add3A_155 : i32
      %add3A_165 = arith.constant 0 : i32
      %add3A_166 = arith.addi %add3A_164, %add3A_165 : i32
      %mul3A_167 = arith.constant 128 : i32
      %mul3A_168 = arith.muli %add3A_166, %mul3A_167 : i32
      %dma_start3A_169 = arith.constant 0 : i32
      %dma_start3A_170 = tpu.memref_slice %arg4[%mul3A_168, %dma_start3A_169] : memref<327680x128xf32, #tpu.memory_space<hbm>> -> memref<128x128xf32, #tpu.memory_space<hbm>>
      %dma_start3A_171 = arith.constant 0 : i32
      %dma_start3A_172 = tpu.memref_slice %arg4[%mul3A_168, %dma_start3A_171] : memref<327680x128xf32, #tpu.memory_space<hbm>> -> memref<128x128xf32, #tpu.memory_space<hbm>>
      tpu.enqueue_dma source(%arg8 : memref<128x128xf32, #tpu.memory_space<vmem>>) target(%dma_start3A_172 : memref<128x128xf32, #tpu.memory_space<hbm>>) target_semaphore(%arg12 : memref<!tpu.dma_semaphore, #tpu.memory_space<semaphore_mem>>)
      %dma_wait3A_173 = arith.constant 0 : i32
      %dma_wait3A_174 = arith.constant 0 : i32
      %dma_wait3A_175 = tpu.memref_slice %arg2[%dma_wait3A_173, %dma_wait3A_174] : memref<10000x128xf32, #tpu.memory_space<hbm>> -> memref<128x128xf32, #tpu.memory_space<hbm>>
      %dma_wait3A_176 = arith.constant 0 : i32
      %dma_wait3A_177 = arith.constant 0 : i32
      %dma_wait3A_178 = tpu.memref_slice %arg2[%dma_wait3A_176, %dma_wait3A_177] : memref<10000x128xf32, #tpu.memory_space<hbm>> -> memref<128x128xf32, #tpu.memory_space<hbm>>
      tpu.wait_dma2 semaphore(%arg12 : memref<!tpu.dma_semaphore, #tpu.memory_space<semaphore_mem>>) src(%dma_wait3A_178 : memref<128x128xf32, #tpu.memory_space<hbm>>) dst(%arg6 : memref<128x128xf32, #tpu.memory_space<vmem>>)
      %add3A_179 = arith.constant 0 : i32
      %add3A_180 = arith.addi %add3A_155, %add3A_179 : i32
      %add3A_181 = arith.constant 3 : i32
      %add3A_182 = arith.addi %add3A_180, %add3A_181 : i32
      %dma_start3A_183 = arith.constant 0 : i32
      %dma_start3A_184 = tpu.memref_slice %arg5[%add3A_182, %dma_start3A_183] : memref<80x128xi32, #tpu.memory_space<vmem>> -> memref<1x128xi32, #tpu.memory_space<vmem>>
      %dma_start3A_185 = tpu.memref_squeeze %dma_start3A_184 : memref<1x128xi32, #tpu.memory_space<vmem>> -> memref<128xi32, #tpu.memory_space<vmem>>
      %dma_start3A_186 = arith.constant 0 : i32
      %dma_start3A_187 = arith.constant 0 : i32
      %dma_start3A_188 = tpu.memref_slice %arg2[%dma_start3A_186, %dma_start3A_187] : memref<10000x128xf32, #tpu.memory_space<hbm>> -> memref<10000x128xf32, #tpu.memory_space<hbm>>
      tpu.enqueue_indirect_dma source(%dma_start3A_188 : memref<10000x128xf32, #tpu.memory_space<hbm>>) target(%arg6 : memref<128x128xf32, #tpu.memory_space<vmem>>) offsets(%dma_start3A_185 : memref<128xi32, #tpu.memory_space<vmem>>) semaphore(%arg11 : memref<!tpu.dma_semaphore, #tpu.memory_space<semaphore_mem>>)
      %dma_wait3A_189 = arith.constant 0 : i32
      %dma_wait3A_190 = arith.constant 0 : i32
      %dma_wait3A_191 = tpu.memref_slice %arg2[%dma_wait3A_189, %dma_wait3A_190] : memref<10000x128xf32, #tpu.memory_space<hbm>> -> memref<128x128xf32, #tpu.memory_space<hbm>>
      %dma_wait3A_192 = arith.constant 0 : i32
      %dma_wait3A_193 = arith.constant 0 : i32
      %dma_wait3A_194 = tpu.memref_slice %arg2[%dma_wait3A_192, %dma_wait3A_193] : memref<10000x128xf32, #tpu.memory_space<hbm>> -> memref<128x128xf32, #tpu.memory_space<hbm>>
      tpu.wait_dma2 semaphore(%arg11 : memref<!tpu.dma_semaphore, #tpu.memory_space<semaphore_mem>>) src(%dma_wait3A_194 : memref<128x128xf32, #tpu.memory_space<hbm>>) dst(%arg9 : memref<128x128xf32, #tpu.memory_space<vmem>>)
      %mul3A_195 = arith.constant 80 : i32
      %mul3A_196 = arith.muli %add3A, %mul3A_195 : i32
      %add3A_197 = arith.addi %mul3A_196, %add3A_155 : i32
      %add3A_198 = arith.constant 1 : i32
      %add3A_199 = arith.addi %add3A_197, %add3A_198 : i32
      %mul3A_200 = arith.constant 128 : i32
      %mul3A_201 = arith.muli %add3A_199, %mul3A_200 : i32
      %dma_start3A_202 = arith.constant 0 : i32
      %dma_start3A_203 = tpu.memref_slice %arg4[%mul3A_201, %dma_start3A_202] : memref<327680x128xf32, #tpu.memory_space<hbm>> -> memref<128x128xf32, #tpu.memory_space<hbm>>
      %dma_start3A_204 = arith.constant 0 : i32
      %dma_start3A_205 = tpu.memref_slice %arg4[%mul3A_201, %dma_start3A_204] : memref<327680x128xf32, #tpu.memory_space<hbm>> -> memref<128x128xf32, #tpu.memory_space<hbm>>
      tpu.enqueue_dma source(%arg9 : memref<128x128xf32, #tpu.memory_space<vmem>>) target(%dma_start3A_205 : memref<128x128xf32, #tpu.memory_space<hbm>>) target_semaphore(%arg12 : memref<!tpu.dma_semaphore, #tpu.memory_space<semaphore_mem>>)
      %dma_wait3A_206 = arith.constant 0 : i32
      %dma_wait3A_207 = arith.constant 0 : i32
      %dma_wait3A_208 = tpu.memref_slice %arg2[%dma_wait3A_206, %dma_wait3A_207] : memref<10000x128xf32, #tpu.memory_space<hbm>> -> memref<128x128xf32, #tpu.memory_space<hbm>>
      %dma_wait3A_209 = arith.constant 0 : i32
      %dma_wait3A_210 = arith.constant 0 : i32
      %dma_wait3A_211 = tpu.memref_slice %arg2[%dma_wait3A_209, %dma_wait3A_210] : memref<10000x128xf32, #tpu.memory_space<hbm>> -> memref<128x128xf32, #tpu.memory_space<hbm>>
      tpu.wait_dma2 semaphore(%arg12 : memref<!tpu.dma_semaphore, #tpu.memory_space<semaphore_mem>>) src(%dma_wait3A_211 : memref<128x128xf32, #tpu.memory_space<hbm>>) dst(%arg7 : memref<128x128xf32, #tpu.memory_space<vmem>>)
      %add3A_212 = arith.constant 1 : i32
      %add3A_213 = arith.addi %add3A_155, %add3A_212 : i32
      %add3A_214 = arith.constant 3 : i32
      %add3A_215 = arith.addi %add3A_213, %add3A_214 : i32
      %dma_start3A_216 = arith.constant 0 : i32
      %dma_start3A_217 = tpu.memref_slice %arg5[%add3A_215, %dma_start3A_216] : memref<80x128xi32, #tpu.memory_space<vmem>> -> memref<1x128xi32, #tpu.memory_space<vmem>>
      %dma_start3A_218 = tpu.memref_squeeze %dma_start3A_217 : memref<1x128xi32, #tpu.memory_space<vmem>> -> memref<128xi32, #tpu.memory_space<vmem>>
      %dma_start3A_219 = arith.constant 0 : i32
      %dma_start3A_220 = arith.constant 0 : i32
      %dma_start3A_221 = tpu.memref_slice %arg2[%dma_start3A_219, %dma_start3A_220] : memref<10000x128xf32, #tpu.memory_space<hbm>> -> memref<10000x128xf32, #tpu.memory_space<hbm>>
      tpu.enqueue_indirect_dma source(%dma_start3A_221 : memref<10000x128xf32, #tpu.memory_space<hbm>>) target(%arg7 : memref<128x128xf32, #tpu.memory_space<vmem>>) offsets(%dma_start3A_218 : memref<128xi32, #tpu.memory_space<vmem>>) semaphore(%arg11 : memref<!tpu.dma_semaphore, #tpu.memory_space<semaphore_mem>>)
      %dma_wait3A_222 = arith.constant 0 : i32
      %dma_wait3A_223 = arith.constant 0 : i32
      %dma_wait3A_224 = tpu.memref_slice %arg2[%dma_wait3A_222, %dma_wait3A_223] : memref<10000x128xf32, #tpu.memory_space<hbm>> -> memref<128x128xf32, #tpu.memory_space<hbm>>
      %dma_wait3A_225 = arith.constant 0 : i32
      %dma_wait3A_226 = arith.constant 0 : i32
      %dma_wait3A_227 = tpu.memref_slice %arg2[%dma_wait3A_225, %dma_wait3A_226] : memref<10000x128xf32, #tpu.memory_space<hbm>> -> memref<128x128xf32, #tpu.memory_space<hbm>>
      tpu.wait_dma2 semaphore(%arg11 : memref<!tpu.dma_semaphore, #tpu.memory_space<semaphore_mem>>) src(%dma_wait3A_227 : memref<128x128xf32, #tpu.memory_space<hbm>>) dst(%arg10 : memref<128x128xf32, #tpu.memory_space<vmem>>)
      %mul3A_228 = arith.constant 80 : i32
      %mul3A_229 = arith.muli %add3A, %mul3A_228 : i32
      %add3A_230 = arith.addi %mul3A_229, %add3A_155 : i32
      %add3A_231 = arith.constant 2 : i32
      %add3A_232 = arith.addi %add3A_230, %add3A_231 : i32
      %mul3A_233 = arith.constant 128 : i32
      %mul3A_234 = arith.muli %add3A_232, %mul3A_233 : i32
      %dma_start3A_235 = arith.constant 0 : i32
      %dma_start3A_236 = tpu.memref_slice %arg4[%mul3A_234, %dma_start3A_235] : memref<327680x128xf32, #tpu.memory_space<hbm>> -> memref<128x128xf32, #tpu.memory_space<hbm>>
      %dma_start3A_237 = arith.constant 0 : i32
      %dma_start3A_238 = tpu.memref_slice %arg4[%mul3A_234, %dma_start3A_237] : memref<327680x128xf32, #tpu.memory_space<hbm>> -> memref<128x128xf32, #tpu.memory_space<hbm>>
      tpu.enqueue_dma source(%arg10 : memref<128x128xf32, #tpu.memory_space<vmem>>) target(%dma_start3A_238 : memref<128x128xf32, #tpu.memory_space<hbm>>) target_semaphore(%arg12 : memref<!tpu.dma_semaphore, #tpu.memory_space<semaphore_mem>>)
      %dma_wait3A_239 = arith.constant 0 : i32
      %dma_wait3A_240 = arith.constant 0 : i32
      %dma_wait3A_241 = tpu.memref_slice %arg2[%dma_wait3A_239, %dma_wait3A_240] : memref<10000x128xf32, #tpu.memory_space<hbm>> -> memref<128x128xf32, #tpu.memory_space<hbm>>
      %dma_wait3A_242 = arith.constant 0 : i32
      %dma_wait3A_243 = arith.constant 0 : i32
      %dma_wait3A_244 = tpu.memref_slice %arg2[%dma_wait3A_242, %dma_wait3A_243] : memref<10000x128xf32, #tpu.memory_space<hbm>> -> memref<128x128xf32, #tpu.memory_space<hbm>>
      tpu.wait_dma2 semaphore(%arg12 : memref<!tpu.dma_semaphore, #tpu.memory_space<semaphore_mem>>) src(%dma_wait3A_244 : memref<128x128xf32, #tpu.memory_space<hbm>>) dst(%arg8 : memref<128x128xf32, #tpu.memory_space<vmem>>)
      %add3A_245 = arith.constant 2 : i32
      %add3A_246 = arith.addi %add3A_155, %add3A_245 : i32
      %add3A_247 = arith.constant 3 : i32
      %add3A_248 = arith.addi %add3A_246, %add3A_247 : i32
      %dma_start3A_249 = arith.constant 0 : i32
      %dma_start3A_250 = tpu.memref_slice %arg5[%add3A_248, %dma_start3A_249] : memref<80x128xi32, #tpu.memory_space<vmem>> -> memref<1x128xi32, #tpu.memory_space<vmem>>
      %dma_start3A_251 = tpu.memref_squeeze %dma_start3A_250 : memref<1x128xi32, #tpu.memory_space<vmem>> -> memref<128xi32, #tpu.memory_space<vmem>>
      %dma_start3A_252 = arith.constant 0 : i32
      %dma_start3A_253 = arith.constant 0 : i32
      %dma_start3A_254 = tpu.memref_slice %arg2[%dma_start3A_252, %dma_start3A_253] : memref<10000x128xf32, #tpu.memory_space<hbm>> -> memref<10000x128xf32, #tpu.memory_space<hbm>>
      tpu.enqueue_indirect_dma source(%dma_start3A_254 : memref<10000x128xf32, #tpu.memory_space<hbm>>) target(%arg8 : memref<128x128xf32, #tpu.memory_space<vmem>>) offsets(%dma_start3A_251 : memref<128xi32, #tpu.memory_space<vmem>>) semaphore(%arg11 : memref<!tpu.dma_semaphore, #tpu.memory_space<semaphore_mem>>)
      %dma_wait3A_255 = arith.constant 0 : i32
      %dma_wait3A_256 = arith.constant 0 : i32
      %dma_wait3A_257 = tpu.memref_slice %arg2[%dma_wait3A_255, %dma_wait3A_256] : memref<10000x128xf32, #tpu.memory_space<hbm>> -> memref<128x128xf32, #tpu.memory_space<hbm>>
      %dma_wait3A_258 = arith.constant 0 : i32
      %dma_wait3A_259 = arith.constant 0 : i32
      %dma_wait3A_260 = tpu.memref_slice %arg2[%dma_wait3A_258, %dma_wait3A_259] : memref<10000x128xf32, #tpu.memory_space<hbm>> -> memref<128x128xf32, #tpu.memory_space<hbm>>
      tpu.wait_dma2 semaphore(%arg11 : memref<!tpu.dma_semaphore, #tpu.memory_space<semaphore_mem>>) src(%dma_wait3A_260 : memref<128x128xf32, #tpu.memory_space<hbm>>) dst(%arg6 : memref<128x128xf32, #tpu.memory_space<vmem>>)
      %mul3A_261 = arith.constant 80 : i32
      %mul3A_262 = arith.muli %add3A, %mul3A_261 : i32
      %add3A_263 = arith.addi %mul3A_262, %add3A_155 : i32
      %add3A_264 = arith.constant 3 : i32
      %add3A_265 = arith.addi %add3A_263, %add3A_264 : i32
      %mul3A_266 = arith.constant 128 : i32
      %mul3A_267 = arith.muli %add3A_265, %mul3A_266 : i32
      %dma_start3A_268 = arith.constant 0 : i32
      %dma_start3A_269 = tpu.memref_slice %arg4[%mul3A_267, %dma_start3A_268] : memref<327680x128xf32, #tpu.memory_space<hbm>> -> memref<128x128xf32, #tpu.memory_space<hbm>>
      %dma_start3A_270 = arith.constant 0 : i32
      %dma_start3A_271 = tpu.memref_slice %arg4[%mul3A_267, %dma_start3A_270] : memref<327680x128xf32, #tpu.memory_space<hbm>> -> memref<128x128xf32, #tpu.memory_space<hbm>>
      tpu.enqueue_dma source(%arg6 : memref<128x128xf32, #tpu.memory_space<vmem>>) target(%dma_start3A_271 : memref<128x128xf32, #tpu.memory_space<hbm>>) target_semaphore(%arg12 : memref<!tpu.dma_semaphore, #tpu.memory_space<semaphore_mem>>)
      %dma_wait3A_272 = arith.constant 0 : i32
      %dma_wait3A_273 = arith.constant 0 : i32
      %dma_wait3A_274 = tpu.memref_slice %arg2[%dma_wait3A_272, %dma_wait3A_273] : memref<10000x128xf32, #tpu.memory_space<hbm>> -> memref<128x128xf32, #tpu.memory_space<hbm>>
      %dma_wait3A_275 = arith.constant 0 : i32
      %dma_wait3A_276 = arith.constant 0 : i32
      %dma_wait3A_277 = tpu.memref_slice %arg2[%dma_wait3A_275, %dma_wait3A_276] : memref<10000x128xf32, #tpu.memory_space<hbm>> -> memref<128x128xf32, #tpu.memory_space<hbm>>
      tpu.wait_dma2 semaphore(%arg12 : memref<!tpu.dma_semaphore, #tpu.memory_space<semaphore_mem>>) src(%dma_wait3A_277 : memref<128x128xf32, #tpu.memory_space<hbm>>) dst(%arg9 : memref<128x128xf32, #tpu.memory_space<vmem>>)
      %add3A_278 = arith.constant 3 : i32
      %add3A_279 = arith.addi %add3A_155, %add3A_278 : i32
      %add3A_280 = arith.constant 3 : i32
      %add3A_281 = arith.addi %add3A_279, %add3A_280 : i32
      %dma_start3A_282 = arith.constant 0 : i32
      %dma_start3A_283 = tpu.memref_slice %arg5[%add3A_281, %dma_start3A_282] : memref<80x128xi32, #tpu.memory_space<vmem>> -> memref<1x128xi32, #tpu.memory_space<vmem>>
      %dma_start3A_284 = tpu.memref_squeeze %dma_start3A_283 : memref<1x128xi32, #tpu.memory_space<vmem>> -> memref<128xi32, #tpu.memory_space<vmem>>
      %dma_start3A_285 = arith.constant 0 : i32
      %dma_start3A_286 = arith.constant 0 : i32
      %dma_start3A_287 = tpu.memref_slice %arg2[%dma_start3A_285, %dma_start3A_286] : memref<10000x128xf32, #tpu.memory_space<hbm>> -> memref<10000x128xf32, #tpu.memory_space<hbm>>
      tpu.enqueue_indirect_dma source(%dma_start3A_287 : memref<10000x128xf32, #tpu.memory_space<hbm>>) target(%arg9 : memref<128x128xf32, #tpu.memory_space<vmem>>) offsets(%dma_start3A_284 : memref<128xi32, #tpu.memory_space<vmem>>) semaphore(%arg11 : memref<!tpu.dma_semaphore, #tpu.memory_space<semaphore_mem>>)
      %dma_wait3A_288 = arith.constant 0 : i32
      %dma_wait3A_289 = arith.constant 0 : i32
      %dma_wait3A_290 = tpu.memref_slice %arg2[%dma_wait3A_288, %dma_wait3A_289] : memref<10000x128xf32, #tpu.memory_space<hbm>> -> memref<128x128xf32, #tpu.memory_space<hbm>>
      %dma_wait3A_291 = arith.constant 0 : i32
      %dma_wait3A_292 = arith.constant 0 : i32
      %dma_wait3A_293 = tpu.memref_slice %arg2[%dma_wait3A_291, %dma_wait3A_292] : memref<10000x128xf32, #tpu.memory_space<hbm>> -> memref<128x128xf32, #tpu.memory_space<hbm>>
      tpu.wait_dma2 semaphore(%arg11 : memref<!tpu.dma_semaphore, #tpu.memory_space<semaphore_mem>>) src(%dma_wait3A_293 : memref<128x128xf32, #tpu.memory_space<hbm>>) dst(%arg7 : memref<128x128xf32, #tpu.memory_space<vmem>>)
      %mul3A_294 = arith.constant 80 : i32
      %mul3A_295 = arith.muli %add3A, %mul3A_294 : i32
      %add3A_296 = arith.addi %mul3A_295, %add3A_155 : i32
      %add3A_297 = arith.constant 4 : i32
      %add3A_298 = arith.addi %add3A_296, %add3A_297 : i32
      %mul3A_299 = arith.constant 128 : i32
      %mul3A_300 = arith.muli %add3A_298, %mul3A_299 : i32
      %dma_start3A_301 = arith.constant 0 : i32
      %dma_start3A_302 = tpu.memref_slice %arg4[%mul3A_300, %dma_start3A_301] : memref<327680x128xf32, #tpu.memory_space<hbm>> -> memref<128x128xf32, #tpu.memory_space<hbm>>
      %dma_start3A_303 = arith.constant 0 : i32
      %dma_start3A_304 = tpu.memref_slice %arg4[%mul3A_300, %dma_start3A_303] : memref<327680x128xf32, #tpu.memory_space<hbm>> -> memref<128x128xf32, #tpu.memory_space<hbm>>
      tpu.enqueue_dma source(%arg7 : memref<128x128xf32, #tpu.memory_space<vmem>>) target(%dma_start3A_304 : memref<128x128xf32, #tpu.memory_space<hbm>>) target_semaphore(%arg12 : memref<!tpu.dma_semaphore, #tpu.memory_space<semaphore_mem>>)
      %dma_wait3A_305 = arith.constant 0 : i32
      %dma_wait3A_306 = arith.constant 0 : i32
      %dma_wait3A_307 = tpu.memref_slice %arg2[%dma_wait3A_305, %dma_wait3A_306] : memref<10000x128xf32, #tpu.memory_space<hbm>> -> memref<128x128xf32, #tpu.memory_space<hbm>>
      %dma_wait3A_308 = arith.constant 0 : i32
      %dma_wait3A_309 = arith.constant 0 : i32
      %dma_wait3A_310 = tpu.memref_slice %arg2[%dma_wait3A_308, %dma_wait3A_309] : memref<10000x128xf32, #tpu.memory_space<hbm>> -> memref<128x128xf32, #tpu.memory_space<hbm>>
      tpu.wait_dma2 semaphore(%arg12 : memref<!tpu.dma_semaphore, #tpu.memory_space<semaphore_mem>>) src(%dma_wait3A_310 : memref<128x128xf32, #tpu.memory_space<hbm>>) dst(%arg10 : memref<128x128xf32, #tpu.memory_space<vmem>>)
      %add3A_311 = arith.constant 4 : i32
      %add3A_312 = arith.addi %add3A_155, %add3A_311 : i32
      %add3A_313 = arith.constant 3 : i32
      %add3A_314 = arith.addi %add3A_312, %add3A_313 : i32
      %dma_start3A_315 = arith.constant 0 : i32
      %dma_start3A_316 = tpu.memref_slice %arg5[%add3A_314, %dma_start3A_315] : memref<80x128xi32, #tpu.memory_space<vmem>> -> memref<1x128xi32, #tpu.memory_space<vmem>>
      %dma_start3A_317 = tpu.memref_squeeze %dma_start3A_316 : memref<1x128xi32, #tpu.memory_space<vmem>> -> memref<128xi32, #tpu.memory_space<vmem>>
      %dma_start3A_318 = arith.constant 0 : i32
      %dma_start3A_319 = arith.constant 0 : i32
      %dma_start3A_320 = tpu.memref_slice %arg2[%dma_start3A_318, %dma_start3A_319] : memref<10000x128xf32, #tpu.memory_space<hbm>> -> memref<10000x128xf32, #tpu.memory_space<hbm>>
      tpu.enqueue_indirect_dma source(%dma_start3A_320 : memref<10000x128xf32, #tpu.memory_space<hbm>>) target(%arg10 : memref<128x128xf32, #tpu.memory_space<vmem>>) offsets(%dma_start3A_317 : memref<128xi32, #tpu.memory_space<vmem>>) semaphore(%arg11 : memref<!tpu.dma_semaphore, #tpu.memory_space<semaphore_mem>>)
    }
    %scan3A_72 = arith.constant 15 : i32
    %dma_wait3A_73 = arith.constant 0 : i32
    %dma_wait3A_74 = arith.constant 0 : i32
    %dma_wait3A_75 = tpu.memref_slice %arg2[%dma_wait3A_73, %dma_wait3A_74] : memref<10000x128xf32, #tpu.memory_space<hbm>> -> memref<128x128xf32, #tpu.memory_space<hbm>>
    %dma_wait3A_76 = arith.constant 0 : i32
    %dma_wait3A_77 = arith.constant 0 : i32
    %dma_wait3A_78 = tpu.memref_slice %arg2[%dma_wait3A_76, %dma_wait3A_77] : memref<10000x128xf32, #tpu.memory_space<hbm>> -> memref<128x128xf32, #tpu.memory_space<hbm>>
    tpu.wait_dma2 semaphore(%arg11 : memref<!tpu.dma_semaphore, #tpu.memory_space<semaphore_mem>>) src(%dma_wait3A_78 : memref<128x128xf32, #tpu.memory_space<hbm>>) dst(%arg8 : memref<128x128xf32, #tpu.memory_space<vmem>>)
    %mul3A_79 = arith.constant 80 : i32
    %mul3A_80 = arith.muli %add3A, %mul3A_79 : i32
    %add3A_81 = arith.constant 77 : i32
    %add3A_82 = arith.addi %mul3A_80, %add3A_81 : i32
    %mul3A_83 = arith.constant 128 : i32
    %mul3A_84 = arith.muli %add3A_82, %mul3A_83 : i32
    %dma_start3A_85 = arith.constant 0 : i32
    %dma_start3A_86 = tpu.memref_slice %arg4[%mul3A_84, %dma_start3A_85] : memref<327680x128xf32, #tpu.memory_space<hbm>> -> memref<128x128xf32, #tpu.memory_space<hbm>>
    %dma_start3A_87 = arith.constant 0 : i32
    %dma_start3A_88 = tpu.memref_slice %arg4[%mul3A_84, %dma_start3A_87] : memref<327680x128xf32, #tpu.memory_space<hbm>> -> memref<128x128xf32, #tpu.memory_space<hbm>>
    tpu.enqueue_dma source(%arg8 : memref<128x128xf32, #tpu.memory_space<vmem>>) target(%dma_start3A_88 : memref<128x128xf32, #tpu.memory_space<hbm>>) target_semaphore(%arg12 : memref<!tpu.dma_semaphore, #tpu.memory_space<semaphore_mem>>)
    %dma_wait3A_89 = arith.constant 0 : i32
    %dma_wait3A_90 = arith.constant 0 : i32
    %dma_wait3A_91 = tpu.memref_slice %arg2[%dma_wait3A_89, %dma_wait3A_90] : memref<10000x128xf32, #tpu.memory_space<hbm>> -> memref<128x128xf32, #tpu.memory_space<hbm>>
    %dma_wait3A_92 = arith.constant 0 : i32
    %dma_wait3A_93 = arith.constant 0 : i32
    %dma_wait3A_94 = tpu.memref_slice %arg2[%dma_wait3A_92, %dma_wait3A_93] : memref<10000x128xf32, #tpu.memory_space<hbm>> -> memref<128x128xf32, #tpu.memory_space<hbm>>
    tpu.wait_dma2 semaphore(%arg12 : memref<!tpu.dma_semaphore, #tpu.memory_space<semaphore_mem>>) src(%dma_wait3A_94 : memref<128x128xf32, #tpu.memory_space<hbm>>) dst(%arg6 : memref<128x128xf32, #tpu.memory_space<vmem>>)
    %dma_wait3A_95 = arith.constant 0 : i32
    %dma_wait3A_96 = arith.constant 0 : i32
    %dma_wait3A_97 = tpu.memref_slice %arg2[%dma_wait3A_95, %dma_wait3A_96] : memref<10000x128xf32, #tpu.memory_space<hbm>> -> memref<128x128xf32, #tpu.memory_space<hbm>>
    %dma_wait3A_98 = arith.constant 0 : i32
    %dma_wait3A_99 = arith.constant 0 : i32
    %dma_wait3A_100 = tpu.memref_slice %arg2[%dma_wait3A_98, %dma_wait3A_99] : memref<10000x128xf32, #tpu.memory_space<hbm>> -> memref<128x128xf32, #tpu.memory_space<hbm>>
    tpu.wait_dma2 semaphore(%arg11 : memref<!tpu.dma_semaphore, #tpu.memory_space<semaphore_mem>>) src(%dma_wait3A_100 : memref<128x128xf32, #tpu.memory_space<hbm>>) dst(%arg9 : memref<128x128xf32, #tpu.memory_space<vmem>>)
    %mul3A_101 = arith.constant 80 : i32
    %mul3A_102 = arith.muli %add3A, %mul3A_101 : i32
    %add3A_103 = arith.constant 78 : i32
    %add3A_104 = arith.addi %mul3A_102, %add3A_103 : i32
    %mul3A_105 = arith.constant 128 : i32
    %mul3A_106 = arith.muli %add3A_104, %mul3A_105 : i32
    %dma_start3A_107 = arith.constant 0 : i32
    %dma_start3A_108 = tpu.memref_slice %arg4[%mul3A_106, %dma_start3A_107] : memref<327680x128xf32, #tpu.memory_space<hbm>> -> memref<128x128xf32, #tpu.memory_space<hbm>>
    %dma_start3A_109 = arith.constant 0 : i32
    %dma_start3A_110 = tpu.memref_slice %arg4[%mul3A_106, %dma_start3A_109] : memref<327680x128xf32, #tpu.memory_space<hbm>> -> memref<128x128xf32, #tpu.memory_space<hbm>>
    tpu.enqueue_dma source(%arg9 : memref<128x128xf32, #tpu.memory_space<vmem>>) target(%dma_start3A_110 : memref<128x128xf32, #tpu.memory_space<hbm>>) target_semaphore(%arg12 : memref<!tpu.dma_semaphore, #tpu.memory_space<semaphore_mem>>)
    %dma_wait3A_111 = arith.constant 0 : i32
    %dma_wait3A_112 = arith.constant 0 : i32
    %dma_wait3A_113 = tpu.memref_slice %arg2[%dma_wait3A_111, %dma_wait3A_112] : memref<10000x128xf32, #tpu.memory_space<hbm>> -> memref<128x128xf32, #tpu.memory_space<hbm>>
    %dma_wait3A_114 = arith.constant 0 : i32
    %dma_wait3A_115 = arith.constant 0 : i32
    %dma_wait3A_116 = tpu.memref_slice %arg2[%dma_wait3A_114, %dma_wait3A_115] : memref<10000x128xf32, #tpu.memory_space<hbm>> -> memref<128x128xf32, #tpu.memory_space<hbm>>
    tpu.wait_dma2 semaphore(%arg12 : memref<!tpu.dma_semaphore, #tpu.memory_space<semaphore_mem>>) src(%dma_wait3A_116 : memref<128x128xf32, #tpu.memory_space<hbm>>) dst(%arg7 : memref<128x128xf32, #tpu.memory_space<vmem>>)
    %dma_wait3A_117 = arith.constant 0 : i32
    %dma_wait3A_118 = arith.constant 0 : i32
    %dma_wait3A_119 = tpu.memref_slice %arg2[%dma_wait3A_117, %dma_wait3A_118] : memref<10000x128xf32, #tpu.memory_space<hbm>> -> memref<128x128xf32, #tpu.memory_space<hbm>>
    %dma_wait3A_120 = arith.constant 0 : i32
    %dma_wait3A_121 = arith.constant 0 : i32
    %dma_wait3A_122 = tpu.memref_slice %arg2[%dma_wait3A_120, %dma_wait3A_121] : memref<10000x128xf32, #tpu.memory_space<hbm>> -> memref<128x128xf32, #tpu.memory_space<hbm>>
    tpu.wait_dma2 semaphore(%arg11 : memref<!tpu.dma_semaphore, #tpu.memory_space<semaphore_mem>>) src(%dma_wait3A_122 : memref<128x128xf32, #tpu.memory_space<hbm>>) dst(%arg10 : memref<128x128xf32, #tpu.memory_space<vmem>>)
    %mul3A_123 = arith.constant 80 : i32
    %mul3A_124 = arith.muli %add3A, %mul3A_123 : i32
    %add3A_125 = arith.constant 79 : i32
    %add3A_126 = arith.addi %mul3A_124, %add3A_125 : i32
    %mul3A_127 = arith.constant 128 : i32
    %mul3A_128 = arith.muli %add3A_126, %mul3A_127 : i32
    %dma_start3A_129 = arith.constant 0 : i32
    %dma_start3A_130 = tpu.memref_slice %arg4[%mul3A_128, %dma_start3A_129] : memref<327680x128xf32, #tpu.memory_space<hbm>> -> memref<128x128xf32, #tpu.memory_space<hbm>>
    %dma_start3A_131 = arith.constant 0 : i32
    %dma_start3A_132 = tpu.memref_slice %arg4[%mul3A_128, %dma_start3A_131] : memref<327680x128xf32, #tpu.memory_space<hbm>> -> memref<128x128xf32, #tpu.memory_space<hbm>>
    tpu.enqueue_dma source(%arg10 : memref<128x128xf32, #tpu.memory_space<vmem>>) target(%dma_start3A_132 : memref<128x128xf32, #tpu.memory_space<hbm>>) target_semaphore(%arg12 : memref<!tpu.dma_semaphore, #tpu.memory_space<semaphore_mem>>)
    %dma_wait3A_133 = arith.constant 0 : i32
    %dma_wait3A_134 = arith.constant 0 : i32
    %dma_wait3A_135 = tpu.memref_slice %arg2[%dma_wait3A_133, %dma_wait3A_134] : memref<10000x128xf32, #tpu.memory_space<hbm>> -> memref<128x128xf32, #tpu.memory_space<hbm>>
    %dma_wait3A_136 = arith.constant 0 : i32
    %dma_wait3A_137 = arith.constant 0 : i32
    %dma_wait3A_138 = tpu.memref_slice %arg2[%dma_wait3A_136, %dma_wait3A_137] : memref<10000x128xf32, #tpu.memory_space<hbm>> -> memref<128x128xf32, #tpu.memory_space<hbm>>
    tpu.wait_dma2 semaphore(%arg12 : memref<!tpu.dma_semaphore, #tpu.memory_space<semaphore_mem>>) src(%dma_wait3A_138 : memref<128x128xf32, #tpu.memory_space<hbm>>) dst(%arg8 : memref<128x128xf32, #tpu.memory_space<vmem>>)
    %dma_wait3A_139 = arith.constant 0 : i32
    %dma_wait3A_140 = arith.constant 0 : i32
    %dma_wait3A_141 = tpu.memref_slice %arg2[%dma_wait3A_139, %dma_wait3A_140] : memref<10000x128xf32, #tpu.memory_space<hbm>> -> memref<128x128xf32, #tpu.memory_space<hbm>>
    %dma_wait3A_142 = arith.constant 0 : i32
    %dma_wait3A_143 = arith.constant 0 : i32
    %dma_wait3A_144 = tpu.memref_slice %arg2[%dma_wait3A_142, %dma_wait3A_143] : memref<10000x128xf32, #tpu.memory_space<hbm>> -> memref<128x128xf32, #tpu.memory_space<hbm>>
    tpu.wait_dma2 semaphore(%arg12 : memref<!tpu.dma_semaphore, #tpu.memory_space<semaphore_mem>>) src(%dma_wait3A_144 : memref<128x128xf32, #tpu.memory_space<hbm>>) dst(%arg9 : memref<128x128xf32, #tpu.memory_space<vmem>>)
    %dma_wait3A_145 = arith.constant 0 : i32
    %dma_wait3A_146 = arith.constant 0 : i32
    %dma_wait3A_147 = tpu.memref_slice %arg2[%dma_wait3A_145, %dma_wait3A_146] : memref<10000x128xf32, #tpu.memory_space<hbm>> -> memref<128x128xf32, #tpu.memory_space<hbm>>
    %dma_wait3A_148 = arith.constant 0 : i32
    %dma_wait3A_149 = arith.constant 0 : i32
    %dma_wait3A_150 = tpu.memref_slice %arg2[%dma_wait3A_148, %dma_wait3A_149] : memref<10000x128xf32, #tpu.memory_space<hbm>> -> memref<128x128xf32, #tpu.memory_space<hbm>>
    tpu.wait_dma2 semaphore(%arg12 : memref<!tpu.dma_semaphore, #tpu.memory_space<semaphore_mem>>) src(%dma_wait3A_150 : memref<128x128xf32, #tpu.memory_space<hbm>>) dst(%arg10 : memref<128x128xf32, #tpu.memory_space<vmem>>)
    return
  }
}

module attributes {stable_mosaic.version = 14 : i64} {
  func.func @body(%arg0: i32, %arg1: memref<2000x128xf32, #tpu.memory_space<vmem>>, %arg2: memref<2000x256xf32, #tpu.memory_space<vmem>>, %arg3: memref<1x384xf32, #tpu.memory_space<vmem>>, %arg4: memref<1x384xf32, #tpu.memory_space<vmem>>, %arg5: memref<384x128xf32, #tpu.memory_space<vmem>>, %arg6: memref<1x128xf32, #tpu.memory_space<vmem>>, %arg7: memref<128x128xf32, #tpu.memory_space<vmem>>, %arg8: memref<1x128xf32, #tpu.memory_space<vmem>>, %arg9: memref<2000x128xf32, #tpu.memory_space<vmem>>, %arg10: memref<2000x128xf32, #tpu.memory_space<vmem>>) attributes {dimension_semantics = [#tpu.dimension_semantics<arbitrary>], iteration_bounds = array<i64: 80>, scalar_prefetch = 0 : i64, scratch_operands = 0 : i64, tpu.core_type = #tpu.core_type<tc>, window_params = [{transform_indices = @transform_0, window_bounds = array<i64: 2000, 128>}, {transform_indices = @transform_1, window_bounds = array<i64: 2000, 256>}, {pipeline_mode = #tpu.pipeline_mode<synchronous>, transform_indices = @transform_2, window_bounds = array<i64: 1, 384>}, {pipeline_mode = #tpu.pipeline_mode<synchronous>, transform_indices = @transform_3, window_bounds = array<i64: 1, 384>}, {pipeline_mode = #tpu.pipeline_mode<synchronous>, transform_indices = @transform_4, window_bounds = array<i64: 384, 128>}, {pipeline_mode = #tpu.pipeline_mode<synchronous>, transform_indices = @transform_5, window_bounds = array<i64: 1, 128>}, {pipeline_mode = #tpu.pipeline_mode<synchronous>, transform_indices = @transform_6, window_bounds = array<i64: 128, 128>}, {pipeline_mode = #tpu.pipeline_mode<synchronous>, transform_indices = @transform_7, window_bounds = array<i64: 1, 128>}, {transform_indices = @transform_8, window_bounds = array<i64: 2000, 128>}, {transform_indices = @transform_9, window_bounds = array<i64: 2000, 128>}]} {
    %get3A = arith.constant 0 : index
    %get3A_0 = arith.constant 0 : index
    %get3A_1 = vector.load %arg1[%get3A, %get3A_0] : memref<2000x128xf32, #tpu.memory_space<vmem>>, vector<2000x128xf32>
    %get3A_2 = arith.constant 0 : index
    %get3A_3 = arith.constant 0 : index
    %get3A_4 = vector.load %arg2[%get3A_2, %get3A_3] : memref<2000x256xf32, #tpu.memory_space<vmem>>, vector<2000x256xf32>
    %reduce_sum3A = arith.constant dense<0.000000e+00> : vector<2000xf32>
    %reduce_sum3A_5 = vector.multi_reduction <add>, %get3A_1, %reduce_sum3A [1] : vector<2000x128xf32> to vector<2000xf32>
    %broadcast_in_dim3A = vector.shape_cast %reduce_sum3A_5 : vector<2000xf32> to vector<2000x1xf32>
    %reduce_sum3A_6 = arith.constant dense<0.000000e+00> : vector<2000xf32>
    %reduce_sum3A_7 = vector.multi_reduction <add>, %get3A_4, %reduce_sum3A_6 [1] : vector<2000x256xf32> to vector<2000xf32>
    %broadcast_in_dim3A_8 = vector.shape_cast %reduce_sum3A_7 : vector<2000xf32> to vector<2000x1xf32>
    %add3A = arith.addf %broadcast_in_dim3A, %broadcast_in_dim3A_8 : vector<2000x1xf32>
    %mul3A = arith.constant 0.00260416674 : f32
    %mul3A_9 = vector.broadcast %mul3A : f32 to vector<2000x1xf32>
    %mul3A_10 = arith.mulf %add3A, %mul3A_9 : vector<2000x1xf32>
    %sub3A = vector.broadcast %mul3A_10 : vector<2000x1xf32> to vector<2000x128xf32>
    %sub3A_11 = arith.subf %get3A_1, %sub3A : vector<2000x128xf32>
    %sub3A_12 = vector.broadcast %mul3A_10 : vector<2000x1xf32> to vector<2000x256xf32>
    %sub3A_13 = arith.subf %get3A_4, %sub3A_12 : vector<2000x256xf32>
    %mul3A_14 = arith.mulf %sub3A_11, %sub3A_11 : vector<2000x128xf32>
    %reduce_sum3A_15 = arith.constant dense<0.000000e+00> : vector<2000xf32>
    %reduce_sum3A_16 = vector.multi_reduction <add>, %mul3A_14, %reduce_sum3A_15 [1] : vector<2000x128xf32> to vector<2000xf32>
    %broadcast_in_dim3A_17 = vector.shape_cast %reduce_sum3A_16 : vector<2000xf32> to vector<2000x1xf32>
    %mul3A_18 = arith.mulf %sub3A_13, %sub3A_13 : vector<2000x256xf32>
    %reduce_sum3A_19 = arith.constant dense<0.000000e+00> : vector<2000xf32>
    %reduce_sum3A_20 = vector.multi_reduction <add>, %mul3A_18, %reduce_sum3A_19 [1] : vector<2000x256xf32> to vector<2000xf32>
    %broadcast_in_dim3A_21 = vector.shape_cast %reduce_sum3A_20 : vector<2000xf32> to vector<2000x1xf32>
    %add3A_22 = arith.addf %broadcast_in_dim3A_17, %broadcast_in_dim3A_21 : vector<2000x1xf32>
    %mul3A_23 = arith.constant 0.00260416674 : f32
    %mul3A_24 = vector.broadcast %mul3A_23 : f32 to vector<2000x1xf32>
    %mul3A_25 = arith.mulf %add3A_22, %mul3A_24 : vector<2000x1xf32>
    %add3A_26 = arith.constant 9.99999974E-6 : f32
    %add3A_27 = vector.broadcast %add3A_26 : f32 to vector<2000x1xf32>
    %add3A_28 = arith.addf %mul3A_25, %add3A_27 : vector<2000x1xf32>
    %sqrt3A = math.sqrt %add3A_28 : vector<2000x1xf32>
    %div3A = arith.constant 1.000000e+00 : f32
    %div3A_29 = vector.broadcast %div3A : f32 to vector<2000x1xf32>
    %div3A_30 = arith.divf %div3A_29, %sqrt3A : vector<2000x1xf32>
    %concatenate3A = tpu.concatenate %sub3A_11, %sub3A_13 in 1 : vector<2000x128xf32>, vector<2000x256xf32> -> vector<2000x384xf32>
    %mul3A_31 = vector.broadcast %div3A_30 : vector<2000x1xf32> to vector<2000x384xf32>
    %mul3A_32 = arith.mulf %concatenate3A, %mul3A_31 : vector<2000x384xf32>
    %get3A_33 = arith.constant 0 : index
    %get3A_34 = arith.constant 0 : index
    %get3A_35 = vector.load %arg3[%get3A_33, %get3A_34] : memref<1x384xf32, #tpu.memory_space<vmem>>, vector<1x384xf32>
    %mul3A_36 = vector.broadcast %get3A_35 : vector<1x384xf32> to vector<2000x384xf32>
    %mul3A_37 = arith.mulf %mul3A_32, %mul3A_36 : vector<2000x384xf32>
    %get3A_38 = arith.constant 0 : index
    %get3A_39 = arith.constant 0 : index
    %get3A_40 = vector.load %arg4[%get3A_38, %get3A_39] : memref<1x384xf32, #tpu.memory_space<vmem>>, vector<1x384xf32>
    %add3A_41 = vector.broadcast %get3A_40 : vector<1x384xf32> to vector<2000x384xf32>
    %add3A_42 = arith.addf %mul3A_37, %add3A_41 : vector<2000x384xf32>
    %get3A_43 = arith.constant 0 : index
    %get3A_44 = arith.constant 0 : index
    %get3A_45 = vector.load %arg5[%get3A_43, %get3A_44] : memref<384x128xf32, #tpu.memory_space<vmem>>, vector<384x128xf32>
    %dot_general3A = arith.constant dense<0.000000e+00> : vector<2000x128xf32>
    %dot_general3A_46 = tpu.matmul %add3A_42, %get3A_45, %dot_general3A {dimension_numbers = #tpu.dot_dimension_numbers<[1], [0], [0], [1], [0, 0, 1, 1], [], []>, transpose_lhs_hint = false} : vector<2000x384xf32>, vector<384x128xf32>, vector<2000x128xf32> -> vector<2000x128xf32>
    %get3A_47 = arith.constant 0 : index
    %get3A_48 = arith.constant 0 : index
    %get3A_49 = vector.load %arg6[%get3A_47, %get3A_48] : memref<1x128xf32, #tpu.memory_space<vmem>>, vector<1x128xf32>
    %add3A_50 = vector.broadcast %get3A_49 : vector<1x128xf32> to vector<2000x128xf32>
    %add3A_51 = arith.addf %dot_general3A_46, %add3A_50 : vector<2000x128xf32>
    %mul3A_52 = arith.constant 5.000000e-01 : f32
    %mul3A_53 = vector.broadcast %mul3A_52 : f32 to vector<2000x128xf32>
    %mul3A_54 = arith.mulf %mul3A_53, %add3A_51 : vector<2000x128xf32>
    %mul3A_55 = arith.constant 0.707106769 : f32
    %mul3A_56 = vector.broadcast %mul3A_55 : f32 to vector<2000x128xf32>
    %mul3A_57 = arith.mulf %add3A_51, %mul3A_56 : vector<2000x128xf32>
    %erf3A = math.erf %mul3A_57 : vector<2000x128xf32>
    %add3A_58 = arith.constant 1.000000e+00 : f32
    %add3A_59 = vector.broadcast %add3A_58 : f32 to vector<2000x128xf32>
    %add3A_60 = arith.addf %add3A_59, %erf3A : vector<2000x128xf32>
    %mul3A_61 = arith.mulf %mul3A_54, %add3A_60 : vector<2000x128xf32>
    %get3A_62 = arith.constant 0 : index
    %get3A_63 = arith.constant 0 : index
    %get3A_64 = vector.load %arg7[%get3A_62, %get3A_63] : memref<128x128xf32, #tpu.memory_space<vmem>>, vector<128x128xf32>
    %dot_general3A_65 = arith.constant dense<0.000000e+00> : vector<2000x128xf32>
    %dot_general3A_66 = tpu.matmul %mul3A_61, %get3A_64, %dot_general3A_65 {dimension_numbers = #tpu.dot_dimension_numbers<[1], [0], [0], [1], [0, 0, 1, 1], [], []>, transpose_lhs_hint = false} : vector<2000x128xf32>, vector<128x128xf32>, vector<2000x128xf32> -> vector<2000x128xf32>
    %get3A_67 = arith.constant 0 : index
    %get3A_68 = arith.constant 0 : index
    %get3A_69 = vector.load %arg8[%get3A_67, %get3A_68] : memref<1x128xf32, #tpu.memory_space<vmem>>, vector<1x128xf32>
    %add3A_70 = vector.broadcast %get3A_69 : vector<1x128xf32> to vector<2000x128xf32>
    %add3A_71 = arith.addf %dot_general3A_66, %add3A_70 : vector<2000x128xf32>
    %bitcast_convert_type3A = tpu.bitcast %add3A_71 : vector<2000x128xf32> -> vector<2000x128xi32>
    %shift_right_logical3A = arith.constant 13 : i32
    %shift_right_logical3A_72 = vector.broadcast %shift_right_logical3A : i32 to vector<2000x128xi32>
    %shift_right_logical3A_73 = arith.shrui %bitcast_convert_type3A, %shift_right_logical3A_72 : vector<2000x128xi32>
    %and3A = arith.constant 1 : i32
    %and3A_74 = vector.broadcast %and3A : i32 to vector<2000x128xi32>
    %and3A_75 = arith.andi %shift_right_logical3A_73, %and3A_74 : vector<2000x128xi32>
    %add3A_76 = arith.constant 4095 : i32
    %add3A_77 = vector.broadcast %add3A_76 : i32 to vector<2000x128xi32>
    %add3A_78 = arith.addi %bitcast_convert_type3A, %add3A_77 : vector<2000x128xi32>
    %add3A_79 = arith.addi %add3A_78, %and3A_75 : vector<2000x128xi32>
    %and3A_80 = arith.constant -8192 : i32
    %and3A_81 = vector.broadcast %and3A_80 : i32 to vector<2000x128xi32>
    %and3A_82 = arith.andi %add3A_79, %and3A_81 : vector<2000x128xi32>
    %bitcast_convert_type3A_83 = tpu.bitcast %and3A_82 : vector<2000x128xi32> -> vector<2000x128xf32>
    %swap3A = arith.constant 0 : index
    %swap3A_84 = arith.constant 0 : index
    %swap3A_85 = vector.load %arg9[%swap3A, %swap3A_84] : memref<2000x128xf32, #tpu.memory_space<vmem>>, vector<2000x128xf32>
    tpu.vector_store %arg9[%swap3A, %swap3A_84], %bitcast_convert_type3A_83 {strides = array<i32>} : memref<2000x128xf32, #tpu.memory_space<vmem>>, vector<2000x128xf32>,
    %add3A_86 = arith.addf %get3A_1, %bitcast_convert_type3A_83 : vector<2000x128xf32>
    %swap3A_87 = arith.constant 0 : index
    %swap3A_88 = arith.constant 0 : index
    %swap3A_89 = vector.load %arg10[%swap3A_87, %swap3A_88] : memref<2000x128xf32, #tpu.memory_space<vmem>>, vector<2000x128xf32>
    tpu.vector_store %arg10[%swap3A_87, %swap3A_88], %add3A_86 {strides = array<i32>} : memref<2000x128xf32, #tpu.memory_space<vmem>>, vector<2000x128xf32>,
    return
  }
  func.func @transform_0(%arg0: i32) -> (i32, i32) {
    %c0_i32 = arith.constant 0 : i32
    %c0_i32_0 = arith.constant 0 : i32
    return %arg0, %c0_i32 : i32, i32
  }
  func.func @transform_1(%arg0: i32) -> (i32, i32) {
    %c0_i32 = arith.constant 0 : i32
    %c0_i32_0 = arith.constant 0 : i32
    return %arg0, %c0_i32 : i32, i32
  }
  func.func @transform_2(%arg0: i32) -> (i32, i32) {
    %c0_i32 = arith.constant 0 : i32
    %c0_i32_0 = arith.constant 0 : i32
    %c0_i32_1 = arith.constant 0 : i32
    return %c0_i32, %c0_i32_0 : i32, i32
  }
  func.func @transform_3(%arg0: i32) -> (i32, i32) {
    %c0_i32 = arith.constant 0 : i32
    %c0_i32_0 = arith.constant 0 : i32
    %c0_i32_1 = arith.constant 0 : i32
    return %c0_i32, %c0_i32_0 : i32, i32
  }
  func.func @transform_4(%arg0: i32) -> (i32, i32) {
    %c0_i32 = arith.constant 0 : i32
    %c0_i32_0 = arith.constant 0 : i32
    %c0_i32_1 = arith.constant 0 : i32
    return %c0_i32, %c0_i32_0 : i32, i32
  }
  func.func @transform_5(%arg0: i32) -> (i32, i32) {
    %c0_i32 = arith.constant 0 : i32
    %c0_i32_0 = arith.constant 0 : i32
    %c0_i32_1 = arith.constant 0 : i32
    return %c0_i32, %c0_i32_0 : i32, i32
  }
  func.func @transform_6(%arg0: i32) -> (i32, i32) {
    %c0_i32 = arith.constant 0 : i32
    %c0_i32_0 = arith.constant 0 : i32
    %c0_i32_1 = arith.constant 0 : i32
    return %c0_i32, %c0_i32_0 : i32, i32
  }
  func.func @transform_7(%arg0: i32) -> (i32, i32) {
    %c0_i32 = arith.constant 0 : i32
    %c0_i32_0 = arith.constant 0 : i32
    %c0_i32_1 = arith.constant 0 : i32
    return %c0_i32, %c0_i32_0 : i32, i32
  }
  func.func @transform_8(%arg0: i32) -> (i32, i32) {
    %c0_i32 = arith.constant 0 : i32
    %c0_i32_0 = arith.constant 0 : i32
    return %arg0, %c0_i32 : i32, i32
  }
  func.func @transform_9(%arg0: i32) -> (i32, i32) {
    %c0_i32 = arith.constant 0 : i32
    %c0_i32_0 = arith.constant 0 : i32
    return %arg0, %c0_i32 : i32, i32
  }
}

module attributes {stable_mosaic.version = 14 : i64} {
  func.func @body(%arg0: i32, %arg1: memref<1000x128xf32, #tpu.memory_space<vmem>>, %arg2: memref<1x1000x128xf32, #tpu.memory_space<vmem>>, %arg3: memref<1x1000x128xf32, #tpu.memory_space<vmem>>, %arg4: memref<1x256xf32, #tpu.memory_space<vmem>>, %arg5: memref<1x256xf32, #tpu.memory_space<vmem>>, %arg6: memref<256x128xf32, #tpu.memory_space<vmem>>, %arg7: memref<1x128xf32, #tpu.memory_space<vmem>>, %arg8: memref<128x128xf32, #tpu.memory_space<vmem>>, %arg9: memref<1x128xf32, #tpu.memory_space<vmem>>, %arg10: memref<1000x128xf32, #tpu.memory_space<vmem>>) attributes {dimension_semantics = [#tpu.dimension_semantics<arbitrary>], iteration_bounds = array<i64: 10>, scalar_prefetch = 0 : i64, scratch_operands = 0 : i64, tpu.core_type = #tpu.core_type<tc>, window_params = [{transform_indices = @transform_0, window_bounds = array<i64: 1000, 128>}, {transform_indices = @transform_1, window_bounds = array<i64: 1, 1000, 128>}, {transform_indices = @transform_2, window_bounds = array<i64: 1, 1000, 128>}, {pipeline_mode = #tpu.pipeline_mode<synchronous>, transform_indices = @transform_3, window_bounds = array<i64: 1, 256>}, {pipeline_mode = #tpu.pipeline_mode<synchronous>, transform_indices = @transform_4, window_bounds = array<i64: 1, 256>}, {pipeline_mode = #tpu.pipeline_mode<synchronous>, transform_indices = @transform_5, window_bounds = array<i64: 256, 128>}, {pipeline_mode = #tpu.pipeline_mode<synchronous>, transform_indices = @transform_6, window_bounds = array<i64: 1, 128>}, {pipeline_mode = #tpu.pipeline_mode<synchronous>, transform_indices = @transform_7, window_bounds = array<i64: 128, 128>}, {pipeline_mode = #tpu.pipeline_mode<synchronous>, transform_indices = @transform_8, window_bounds = array<i64: 1, 128>}, {transform_indices = @transform_9, window_bounds = array<i64: 1000, 128>}]} {
    %get3A = arith.constant 0 : index
    %get3A_0 = arith.constant 0 : index
    %get3A_1 = vector.load %arg1[%get3A, %get3A_0] : memref<1000x128xf32, #tpu.memory_space<vmem>>, vector<1000x128xf32>
    %get3A_2 = arith.constant 0 : index
    %get3A_3 = arith.constant 0 : index
    %get3A_4 = arith.constant 0 : index
    %get3A_5 = vector.load %arg2[%get3A_2, %get3A_3, %get3A_4] : memref<1x1000x128xf32, #tpu.memory_space<vmem>>, vector<1x1000x128xf32>
    %get3A_6 = vector.shape_cast %get3A_5 : vector<1x1000x128xf32> to vector<1000x128xf32>
    %get3A_7 = arith.constant 0 : index
    %get3A_8 = arith.constant 0 : index
    %get3A_9 = arith.constant 0 : index
    %get3A_10 = vector.load %arg3[%get3A_7, %get3A_8, %get3A_9] : memref<1x1000x128xf32, #tpu.memory_space<vmem>>, vector<1x1000x128xf32>
    %get3A_11 = vector.shape_cast %get3A_10 : vector<1x1000x128xf32> to vector<1000x128xf32>
    %add3A = arith.addf %get3A_6, %get3A_11 : vector<1000x128xf32>
    %reduce_sum3A = arith.constant dense<0.000000e+00> : vector<1000xf32>
    %reduce_sum3A_12 = vector.multi_reduction <add>, %get3A_1, %reduce_sum3A [1] : vector<1000x128xf32> to vector<1000xf32>
    %broadcast_in_dim3A = vector.shape_cast %reduce_sum3A_12 : vector<1000xf32> to vector<1000x1xf32>
    %reduce_sum3A_13 = arith.constant dense<0.000000e+00> : vector<1000xf32>
    %reduce_sum3A_14 = vector.multi_reduction <add>, %add3A, %reduce_sum3A_13 [1] : vector<1000x128xf32> to vector<1000xf32>
    %broadcast_in_dim3A_15 = vector.shape_cast %reduce_sum3A_14 : vector<1000xf32> to vector<1000x1xf32>
    %add3A_16 = arith.addf %broadcast_in_dim3A, %broadcast_in_dim3A_15 : vector<1000x1xf32>
    %mul3A = arith.constant 3.906250e-03 : f32
    %mul3A_17 = vector.broadcast %mul3A : f32 to vector<1000x1xf32>
    %mul3A_18 = arith.mulf %add3A_16, %mul3A_17 : vector<1000x1xf32>
    %sub3A = vector.broadcast %mul3A_18 : vector<1000x1xf32> to vector<1000x128xf32>
    %sub3A_19 = arith.subf %get3A_1, %sub3A : vector<1000x128xf32>
    %sub3A_20 = vector.broadcast %mul3A_18 : vector<1000x1xf32> to vector<1000x128xf32>
    %sub3A_21 = arith.subf %add3A, %sub3A_20 : vector<1000x128xf32>
    %mul3A_22 = arith.mulf %sub3A_19, %sub3A_19 : vector<1000x128xf32>
    %reduce_sum3A_23 = arith.constant dense<0.000000e+00> : vector<1000xf32>
    %reduce_sum3A_24 = vector.multi_reduction <add>, %mul3A_22, %reduce_sum3A_23 [1] : vector<1000x128xf32> to vector<1000xf32>
    %broadcast_in_dim3A_25 = vector.shape_cast %reduce_sum3A_24 : vector<1000xf32> to vector<1000x1xf32>
    %mul3A_26 = arith.mulf %sub3A_21, %sub3A_21 : vector<1000x128xf32>
    %reduce_sum3A_27 = arith.constant dense<0.000000e+00> : vector<1000xf32>
    %reduce_sum3A_28 = vector.multi_reduction <add>, %mul3A_26, %reduce_sum3A_27 [1] : vector<1000x128xf32> to vector<1000xf32>
    %broadcast_in_dim3A_29 = vector.shape_cast %reduce_sum3A_28 : vector<1000xf32> to vector<1000x1xf32>
    %add3A_30 = arith.addf %broadcast_in_dim3A_25, %broadcast_in_dim3A_29 : vector<1000x1xf32>
    %mul3A_31 = arith.constant 3.906250e-03 : f32
    %mul3A_32 = vector.broadcast %mul3A_31 : f32 to vector<1000x1xf32>
    %mul3A_33 = arith.mulf %add3A_30, %mul3A_32 : vector<1000x1xf32>
    %add3A_34 = arith.constant 9.99999974E-6 : f32
    %add3A_35 = vector.broadcast %add3A_34 : f32 to vector<1000x1xf32>
    %add3A_36 = arith.addf %mul3A_33, %add3A_35 : vector<1000x1xf32>
    %sqrt3A = math.sqrt %add3A_36 : vector<1000x1xf32>
    %div3A = arith.constant 1.000000e+00 : f32
    %div3A_37 = vector.broadcast %div3A : f32 to vector<1000x1xf32>
    %div3A_38 = arith.divf %div3A_37, %sqrt3A : vector<1000x1xf32>
    %concatenate3A = tpu.concatenate %sub3A_19, %sub3A_21 in 1 : vector<1000x128xf32>, vector<1000x128xf32> -> vector<1000x256xf32>
    %mul3A_39 = vector.broadcast %div3A_38 : vector<1000x1xf32> to vector<1000x256xf32>
    %mul3A_40 = arith.mulf %concatenate3A, %mul3A_39 : vector<1000x256xf32>
    %get3A_41 = arith.constant 0 : index
    %get3A_42 = arith.constant 0 : index
    %get3A_43 = vector.load %arg4[%get3A_41, %get3A_42] : memref<1x256xf32, #tpu.memory_space<vmem>>, vector<1x256xf32>
    %mul3A_44 = vector.broadcast %get3A_43 : vector<1x256xf32> to vector<1000x256xf32>
    %mul3A_45 = arith.mulf %mul3A_40, %mul3A_44 : vector<1000x256xf32>
    %get3A_46 = arith.constant 0 : index
    %get3A_47 = arith.constant 0 : index
    %get3A_48 = vector.load %arg5[%get3A_46, %get3A_47] : memref<1x256xf32, #tpu.memory_space<vmem>>, vector<1x256xf32>
    %add3A_49 = vector.broadcast %get3A_48 : vector<1x256xf32> to vector<1000x256xf32>
    %add3A_50 = arith.addf %mul3A_45, %add3A_49 : vector<1000x256xf32>
    %get3A_51 = arith.constant 0 : index
    %get3A_52 = arith.constant 0 : index
    %get3A_53 = vector.load %arg6[%get3A_51, %get3A_52] : memref<256x128xf32, #tpu.memory_space<vmem>>, vector<256x128xf32>
    %dot_general3A = arith.constant dense<0.000000e+00> : vector<1000x128xf32>
    %dot_general3A_54 = tpu.matmul %add3A_50, %get3A_53, %dot_general3A {dimension_numbers = #tpu.dot_dimension_numbers<[1], [0], [0], [1], [0, 0, 1, 1], [], []>, transpose_lhs_hint = false} : vector<1000x256xf32>, vector<256x128xf32>, vector<1000x128xf32> -> vector<1000x128xf32>
    %get3A_55 = arith.constant 0 : index
    %get3A_56 = arith.constant 0 : index
    %get3A_57 = vector.load %arg7[%get3A_55, %get3A_56] : memref<1x128xf32, #tpu.memory_space<vmem>>, vector<1x128xf32>
    %add3A_58 = vector.broadcast %get3A_57 : vector<1x128xf32> to vector<1000x128xf32>
    %add3A_59 = arith.addf %dot_general3A_54, %add3A_58 : vector<1000x128xf32>
    %mul3A_60 = arith.constant 5.000000e-01 : f32
    %mul3A_61 = vector.broadcast %mul3A_60 : f32 to vector<1000x128xf32>
    %mul3A_62 = arith.mulf %mul3A_61, %add3A_59 : vector<1000x128xf32>
    %mul3A_63 = arith.constant 0.707106769 : f32
    %mul3A_64 = vector.broadcast %mul3A_63 : f32 to vector<1000x128xf32>
    %mul3A_65 = arith.mulf %add3A_59, %mul3A_64 : vector<1000x128xf32>
    %erf3A = math.erf %mul3A_65 : vector<1000x128xf32>
    %add3A_66 = arith.constant 1.000000e+00 : f32
    %add3A_67 = vector.broadcast %add3A_66 : f32 to vector<1000x128xf32>
    %add3A_68 = arith.addf %add3A_67, %erf3A : vector<1000x128xf32>
    %mul3A_69 = arith.mulf %mul3A_62, %add3A_68 : vector<1000x128xf32>
    %get3A_70 = arith.constant 0 : index
    %get3A_71 = arith.constant 0 : index
    %get3A_72 = vector.load %arg8[%get3A_70, %get3A_71] : memref<128x128xf32, #tpu.memory_space<vmem>>, vector<128x128xf32>
    %dot_general3A_73 = arith.constant dense<0.000000e+00> : vector<1000x128xf32>
    %dot_general3A_74 = tpu.matmul %mul3A_69, %get3A_72, %dot_general3A_73 {dimension_numbers = #tpu.dot_dimension_numbers<[1], [0], [0], [1], [0, 0, 1, 1], [], []>, transpose_lhs_hint = false} : vector<1000x128xf32>, vector<128x128xf32>, vector<1000x128xf32> -> vector<1000x128xf32>
    %get3A_75 = arith.constant 0 : index
    %get3A_76 = arith.constant 0 : index
    %get3A_77 = vector.load %arg9[%get3A_75, %get3A_76] : memref<1x128xf32, #tpu.memory_space<vmem>>, vector<1x128xf32>
    %add3A_78 = vector.broadcast %get3A_77 : vector<1x128xf32> to vector<1000x128xf32>
    %add3A_79 = arith.addf %dot_general3A_74, %add3A_78 : vector<1000x128xf32>
    %add3A_80 = arith.addf %get3A_1, %add3A_79 : vector<1000x128xf32>
    %swap3A = arith.constant 0 : index
    %swap3A_81 = arith.constant 0 : index
    %swap3A_82 = vector.load %arg10[%swap3A, %swap3A_81] : memref<1000x128xf32, #tpu.memory_space<vmem>>, vector<1000x128xf32>
    tpu.vector_store %arg10[%swap3A, %swap3A_81], %add3A_80 {strides = array<i32>} : memref<1000x128xf32, #tpu.memory_space<vmem>>, vector<1000x128xf32>,
    return
  }
  func.func @transform_0(%arg0: i32) -> (i32, i32) {
    %c0_i32 = arith.constant 0 : i32
    %c0_i32_0 = arith.constant 0 : i32
    return %arg0, %c0_i32 : i32, i32
  }
  func.func @transform_1(%arg0: i32) -> (i32, i32, i32) {
    %c0_i32 = arith.constant 0 : i32
    %c0_i32_0 = arith.constant 0 : i32
    %c0_i32_1 = arith.constant 0 : i32
    return %c0_i32, %arg0, %c0_i32_0 : i32, i32, i32
  }
  func.func @transform_2(%arg0: i32) -> (i32, i32, i32) {
    %c1_i32 = arith.constant 1 : i32
    %c0_i32 = arith.constant 0 : i32
    %c0_i32_0 = arith.constant 0 : i32
    return %c1_i32, %arg0, %c0_i32 : i32, i32, i32
  }
  func.func @transform_3(%arg0: i32) -> (i32, i32) {
    %c0_i32 = arith.constant 0 : i32
    %c0_i32_0 = arith.constant 0 : i32
    %c0_i32_1 = arith.constant 0 : i32
    return %c0_i32, %c0_i32_0 : i32, i32
  }
  func.func @transform_4(%arg0: i32) -> (i32, i32) {
    %c0_i32 = arith.constant 0 : i32
    %c0_i32_0 = arith.constant 0 : i32
    %c0_i32_1 = arith.constant 0 : i32
    return %c0_i32, %c0_i32_0 : i32, i32
  }
  func.func @transform_5(%arg0: i32) -> (i32, i32) {
    %c0_i32 = arith.constant 0 : i32
    %c0_i32_0 = arith.constant 0 : i32
    %c0_i32_1 = arith.constant 0 : i32
    return %c0_i32, %c0_i32_0 : i32, i32
  }
  func.func @transform_6(%arg0: i32) -> (i32, i32) {
    %c0_i32 = arith.constant 0 : i32
    %c0_i32_0 = arith.constant 0 : i32
    %c0_i32_1 = arith.constant 0 : i32
    return %c0_i32, %c0_i32_0 : i32, i32
  }
  func.func @transform_7(%arg0: i32) -> (i32, i32) {
    %c0_i32 = arith.constant 0 : i32
    %c0_i32_0 = arith.constant 0 : i32
    %c0_i32_1 = arith.constant 0 : i32
    return %c0_i32, %c0_i32_0 : i32, i32
  }
  func.func @transform_8(%arg0: i32) -> (i32, i32) {
    %c0_i32 = arith.constant 0 : i32
    %c0_i32_0 = arith.constant 0 : i32
    %c0_i32_1 = arith.constant 0 : i32
    return %c0_i32, %c0_i32_0 : i32, i32
  }
  func.func @transform_9(%arg0: i32) -> (i32, i32) {
    %c0_i32 = arith.constant 0 : i32
    %c0_i32_0 = arith.constant 0 : i32
    return %arg0, %c0_i32 : i32, i32
  }
}

</mosaic_0001>

<sc_bundles>
// kernel: kernel.6.cloned.1.call-start
scs
__scs_entry_jumppad:
0x0: {  	(pc) =	sbr.rel $0x88, $3  }
0x1: {  	(tag) =	ssettag $0x0;
	lr =	simm.s32 $0x1  }
0x2: {  	[smem:$0x3F91] =	sst lr;
	_ =	strace $0xD0000000  }
0x3: {  	_ = 	snop  }
0x4: {  	_ = 	snop  }
0x5: {  	_ = 	snop  }
0x6: {  	_ = 	snop  }
0x7: {  	_ = 	snop  }
__scs_overlays_trampoline_lowered:
0x8: {  	[smem:$0x3FA0] =	sst s0  }
0x9: {  	[smem:$0x3FA1] =	sst s1  }
0xa: {  	[smem:$0x3FA2] =	sst s2  }
0xb: {  	[smem:$0x3FA3] =	sst s3  }
0xc: {  	[smem:$0x3FA4] =	sst s4  }
0xd: {  	[smem:$0x3FA5] =	sst s5  }
0xe: {  	[smem:$0x3FA6] =	sst s6  }
0xf: {  	[smem:$0x3FA7] =	sst s7  }
0x10: {  	[smem:$0x3FA8] =	sst s8  }
0x11: {  	[smem:$0x3FA9] =	sst s9;
	s0 =	simm.s32 @!p0 $0x0  }
0x12: {  	s1 =	sld [smem:$0x3F8F];
	s0 =	simm.s32 @p0 $0x1  }
0x13: {  	[smem:$0x3FAA] =	sst s0;
	s0 =	simm.s32 @!p1 $0x0  }
0x14: {  	s2 =	sld [smem:$0x3F8E];
	s0 =	simm.s32 @p1 $0x1  }
0x15: {  	[smem:$0x3FAB] =	sst s0;
	s0 =	simm.s32 @!p2 $0x0  }
0x16: {  	s3 =	sld [smem:$0x3FDB];
	s0 =	simm.s32 @p2 $0x1  }
0x17: {  	s4 =	simm.s32 $0x1BF5;
	[smem:$0x3FAD] =	sst s0  }
0x18: {  	s0 =	sld [smem:$0x3F90];
	_ =	swait.ge [sflag:s4], $0x0  }
0x19: {  	s7 =	sld [smem:$0x3F91]  }
0x1a: {  	s8 =	sadd.s32 $0xFFFFE003, lr  }
0x1b: {  	s9 =	sadd.s32 $0xFFFFFEF7, lr;
	s5 =	simm.s32 $0xFFFFFFFF;
	p2 =	slt.u32 s8, $0xFFFFF086  }
0x1c: {  	p1 =	slt.u32 s9, $0xF7A;
	s5 =	simm.s32 @!p2 $0x0  }
0x1d: {  	s5 =	simm.s32 @p1 $0x1;
	p0 =	seq.s32 s7, s2  }
0x1e: {  	s7 =	smul.u32 @!p0 $0xF7A, s2;
	p2 =	seq.s32 @!p0 s5, $0x0  }
0x1f: {  	s9 =	smul.u32 $0xF7A, s1;
	s8 =	simm.s32 @!p0 $0x1BF5;
	p2 =	por !p2, p0  }
0x20: {  	[sflag:s8] =	ssyncset.s32 @!p0 $0xFFFFF086;
	s6 =	sadd.s32 @!p0 s3, s7;
	s7 =	simm.s32 @!p0 $0x108  }
0x21: {  	s3 =	sadd.s32 s3, s9;
	s6 =	sadd.s32 @!p0 $0x88, s6;
	s7 =	simm.s32 @p2 $0x1082  }
0x22: {  	[simem:s7], [sflag:s8] =	dma.local @!p0 [hbm:s6], $0xF7A  }
0x23: {  	s9 =	sor.u32 $0xD0000000, s2;
	s6 =	simm.s32 $0x108;
	_ =	swait.ge @!p0 [sflag:s8], $0x0  }
0x24: {  	s3 =	sadd.s32 $0x88, s3;
	s6 =	simm.s32 @!p1 $0x1082;
	[sflag:s4] =	ssyncset.s32 $0xFFFFF086  }
0x25: {  	[simem:s6], [sflag:s4] =	dma.local [hbm:s3], $0xF7A  }
0x26: {  	[smem:$0x3F91] =	sst s1;
	(tag) =	ssettag s2;
	_ =	strace s9  }
0x27: {  	s1 =	sld [smem:$0x3FA1]  }
0x28: {  	s2 =	sld [smem:$0x3FA2]  }
0x29: {  	s4 =	sld [smem:$0x3FA4]  }
0x2a: {  	p0 =	seq.s32 s5, $0x0;
	s5 =	sld [smem:$0x3FA5]  }
0x2b: {  	s6 =	sld [smem:$0x3FA6]  }
0x2c: {  	s7 =	sld [smem:$0x3FA7]  }
0x2d: {  	s3 =	simm.s32 $0x108;
	s8 =	sld [smem:$0x3FA8]  }
0x2e: {  	s3 =	simm.s32 @!p0 $0x1082;
	s9 =	sld [smem:$0x3FA9]  }
0x2f: {  	lr =	sadd.s32 s0, s3;
	s0 =	sld [smem:$0x3FA0]  }
0x30: {  	s3 =	sld [smem:$0x3FA3]  }
0x31: {  	[smem:$0x3FAC] =	sst s10  }
0x32: {  	s10 =	sld [smem:$0x3FAA];
	_ =	sdelay $0x3  }
0x33: {  	p0 =	seq.s32 s10, $0x1;
	s10 =	sld [smem:$0x3FAC];
	_ =	sdelay $0x3  }
0x34: {  	[smem:$0x3FAC] =	sst s10  }
0x35: {  	s10 =	sld [smem:$0x3FAB];
	_ =	sdelay $0x3  }
0x36: {  	p1 =	seq.s32 s10, $0x1;
	s10 =	sld [smem:$0x3FAC];
	_ =	sdelay $0x3  }
0x37: {  	[smem:$0x3FAC] =	sst s10  }
0x38: {  	s10 =	sld [smem:$0x3FAD]  }
0x39: {  	_ = 	snop;
	(pc) =	sbr.ind lr, $3  }
0x3a: {  	_ = 	snop  }
0x3b: {  	_ = 	snop  }
0x3c: {  	p2 =	seq.s32 s10, $0x1;
	s10 =	sld [smem:$0x3FAC]  }
0x3d: {  	_ =	shalt  }
0x3e: {  	_ =	shalt  }
0x3f: {  	_ =	shalt  }
0x40: {  	_ =	shalt  }
0x41: {  	_ =	shalt  }
0x42: {  	_ =	shalt  }
0x43: {  	_ =	shalt  }
0x44: {  	_ =	shalt  }
0x45: {  	_ =	shalt  }
0x46: {  	_ =	shalt  }
0x47: {  	_ =	shalt  }
0x48: {  	_ =	shalt  }
0x49: {  	_ =	shalt  }
0x4a: {  	_ =	shalt  }
0x4b: {  	_ =	shalt  }
0x4c: {  	_ =	shalt  }
0x4d: {  	_ =	shalt  }
0x4e: {  	_ =	shalt  }
0x4f: {  	_ =	shalt  }
0x50: {  	_ =	shalt  }
0x51: {  	_ =	shalt  }
0x52: {  	_ =	shalt  }
0x53: {  	_ =	shalt  }
0x54: {  	_ =	shalt  }
0x55: {  	_ =	shalt  }
0x56: {  	_ =	shalt  }
0x57: {  	_ =	shalt  }
0x58: {  	_ =	shalt  }
0x59: {  	_ =	shalt  }
0x5a: {  	_ =	shalt  }
0x5b: {  	_ =	shalt  }
0x5c: {  	_ =	shalt  }
0x5d: {  	_ =	shalt  }
0x5e: {  	_ =	shalt  }
0x5f: {  	_ =	shalt  }
0x60: {  	_ =	shalt  }
0x61: {  	_ =	shalt  }
0x62: {  	_ =	shalt  }
0x63: {  	_ =	shalt  }
0x64: {  	_ =	shalt  }
0x65: {  	_ =	shalt  }
0x66: {  	_ =	shalt  }
0x67: {  	_ =	shalt  }
0x68: {  	_ =	shalt  }
0x69: {  	_ =	shalt  }
0x6a: {  	_ =	shalt  }
0x6b: {  	_ =	shalt  }
0x6c: {  	_ =	shalt  }
0x6d: {  	_ =	shalt  }
0x6e: {  	_ =	shalt  }
0x6f: {  	_ =	shalt  }
0x70: {  	_ =	shalt  }
0x71: {  	_ =	shalt  }
0x72: {  	_ =	shalt  }
0x73: {  	_ =	shalt  }
0x74: {  	_ =	shalt  }
0x75: {  	_ =	shalt  }
0x76: {  	_ =	shalt  }
0x77: {  	_ =	shalt  }
0x78: {  	_ =	shalt  }
0x79: {  	_ =	shalt  }
0x7a: {  	_ =	shalt  }
0x7b: {  	_ =	shalt  }
0x7c: {  	_ =	shalt  }
0x7d: {  	_ =	shalt  }
0x7e: {  	_ =	shalt  }
0x7f: {  	_ =	shalt  }
0x80: {  	_ =	shalt  }
0x81: {  	_ =	shalt  }
0x82: {  	_ =	shalt  }
0x83: {  	_ =	shalt  }
0x84: {  	_ =	shalt  }
0x85: {  	_ =	shalt  }
0x86: {  	_ =	shalt  }
0x87: {  	_ =	shalt  }
.Lfunc_end0:
.L_simem_size_0:
called_computation_lowered:
.L_overlay_start_0:
0x88: {  	s2 =	sld [smem:$0x3FD9]  }
0x89: {  	s3 =	sld [smem:$0x3FFE];
	_ =	sdelay $0x1  }
0x8a: {  	s1 =	srdreg.scid  }
0x8b: {  	s0 =	sand.u32 $0x1, s1  }
0x8c: {  	s14 =	sshll.u32 s0, $0xA;
	s2 =	sadd.s32 s3, s2  }
0x8d: {  	s2 =	sadd.s32 s2, s14  }
0x8e: {  	[smem:$0x3FB8] =	sst s2  }
0x8f: {  	_ = 	snop  }
0x90: {  	s2 =	sld [smem:$0x3FD0];
	_ =	sdelay $0x2  }
0x91: {  	s4 =	simm.s32 $0xA;
	s5 =	simm.s32 $0x10;
	s15 =	sld [smem:$0x3FC9]  }
0x92: {  	[smem:s5], [sflag:s4] =	dma.local [hbm:s2], $0x1  }
0x93: {  	_ =	swait.eq [sflag:s4], $0x1  }
0x94: {  	[sflag:s4] =	ssyncset.done $0x0  }
0x95: {  	[sflag:s4] =	ssyncadd.s32 $0xFFFFFFFF  }
0x96: {  	s16 =	sld [smem:$0x10];
	(tm) =	ssettm $0x1  }
0x97: {  	s17 =	sld [smem:$0x3FFB];
	_ =	sdelay $0x3  }
0x98: {  	_ =	strace s17  }
0x99: {  	s4 =	sld [smem:$0x3FFC];
	_ =	sdelay $0x3  }
0x9a: {  	_ =	strace s4  }
0x9b: {  	s4 =	sld [smem:$0x3FFD];
	_ =	sdelay $0x3  }
0x9c: {  	_ =	strace s4  }
0x9d: {  	_ =	strace $0x8FFFFFFF  }
0x9e: {  	s18 =	sld [smem:$0x3FDB];
	_ =	sdelay $0x1  }
0x9f: {  	s19 =	simm.s32 $_scs_section_size  }
0xa0: {  	s6 =	simm.s32 $_size__tile_overlayer_lowered;
	s7 =	simm.s32 $_tile_overlayer_lowered  }
0xa1: {  	s22 =	simm.s32 $0x1BFF;
	s21 =	sshll.u32 s7, $0x1;
	s4 =	sadd.s32 s19, s18  }
0xa2: {  	s8 =	simm.s32 $0x0;
	s20 =	sshll.u32 s6, $0x1;
	s6 =	sadd.s32 s21, s4  }
0xa3: {  	[timem:s8], [sflag:s22] =	dma.local [hbm:s6], s20  }
0xa4: {  	_ =	swait.ge [sflag:s22], s20  }
0xa5: {  	s5 =	ssub.s32 $0x0, s20;
	[sflag:s22] =	ssyncset.done $0x0  }
0xa6: {  	[sflag:s22] =	ssyncadd.s32 s5;
	_ =	sdelay $0x1  }
0xa7: {  	s23 =	simm.s32 $0x1B8B  }
0xa8: {  	_ =	swait.ge [sflag:s23], $0x1  }
0xa9: {  	[sflag:s23] =	ssyncset.done $0x0  }
0xaa: {  	s25 =	simm.s32 $0x1B8E;
	s24 =	sld [smem:$0x3FFE];
	[sflag:s23] =	ssyncadd.s32 $0xFFFFFFFF  }
0xab: {  	s26 =	simm.s32 $execute0_lowered;
	[smem:$0x3FD2] =	sst s25  }
0xac: {  	s6 =	sshll.u32 s26, $0x1;
	_ =	strace $0x80000046;
	[dreg:$0x1] =	wrdreg $0xFFFFFFFF  }
0xad: {  	s28 =	simm.s32 $_size_execute0_lowered;
	s4 =	sadd.s32 s4, s6;
	[dreg:$0x0] =	wrdreg $0x0  }
0xae: {  	s6 =	sshll.u32 s28, $0x1;
	[dreg:$0x2] =	wrdreg s4  }
0xaf: {  	[dreg:$0x3] =	wrdreg s6  }
0xb0: {  	[dreg:$0x4] =	wrdreg $0xC0  }
0xb1: {  	_ =	task [dreg:s8], $0x5FFFF  }
0xb2: {  	[dreg:$0x1] =	wrdreg $0xFFFFFFFF  }
0xb3: {  	[dreg:$0x0] =	wrdreg $0x60  }
0xb4: {  	[dreg:$0x2] =	wrdreg s15  }
0xb5: {  	[dreg:$0x3] =	wrdreg s16  }
0xb6: {  	[dreg:$0x4] =	wrdreg s24  }
0xb7: {  	[dreg:$0x5] =	wrdreg $0x9  }
0xb8: {  	_ =	task.clear_ibuf [dreg:s8], $0x6FFFF;
	_ =	strace $0x90000046  }
0xb9: {  	s29 =	simm.s32 $0x9;
	_ =	strace $0x80000048  }
0xba: {  	_ =	swait.ge [sflag:s29], $0x1  }
0xbb: {  	[sflag:s29] =	ssyncadd.s32 $0xFFFFFFFF  }
0xbc: {  	_ =	strace $0x90000048  }
0xbd: {  	_ =	sfence  }
0xbe: {  	s30 =	sld [smem:$0x0];
	_ =	sdelay $0x2  }
0xbf: {  	s31 =	sshll.u32 s1, $0xD;
	s1 =	sshrl.u32 s1, $0x2  }
0xc0: {  	s3 =	sand.u32 $0x4000, s31;
	s1 =	sadd.s32 s1, s30  }
0xc1: {  	s0 =	sor.u32 s3, s0;
	s1 =	sshll.u32 s1, $0x11  }
0xc2: {  	s0 =	sor.u32 s1, s0  }
0xc3: {  	s0 =	sadd.s32 $0x8F2B, s0  }
0xc4: {  	[sflag:s0] =	ssyncadd.remote.s32 $0x1  }
0xc5: {  	_ =	sfence.sel $0xFFFF  }
0xc6: {  	[dreg:$0x0] =	wrdreg $0xFFFFFFFF;
	(pc) =	sbr.abs _section_cstart, $3  }
0xc7: {  	[dreg:$0x1] =	wrdreg $0xFFFFFFFF  }
0xc8: {  	_ =	task.clear_ibuf [dreg:s8], $0x2FFFF;
	_ =	strace $0x9FFFFFFF  }
0xc9: {  	(tm) =	ssettm $0x7FFFFFFF  }
tec
execute0_lowered:
.L_overlay_start_1:
0x0: {  	(tag) =	ssettag $0x1  }
0x1: {  	s1 =	rddreg [dreg:$0x0]  }
0x2: {  	s5 =	rddreg [dreg:$0x1];
	s2 =	srdreg.scid  }
0x3: {  	s0 =	stileid.u32;
	s4 =	rddreg [dreg:$0x2];
	s3 =	simm.s32 $0x0  }
0x4: {  	s17 =	simm.s32 $0x6800;
	s18 =	simm.s32 $0x100;
	s19 =	simm.s32 $0xA800  }
0x5: {  	s20 =	simm.s32 $0x1;
	s21 =	simm.s32 $0x180;
	s22 =	simm.s32 $0xE800  }
0x6: {  	s23 =	simm.s32 $0x200;
	s24 =	simm.s32 $0x12800;
	s30 =	smul.u32 $0xA0, s0  }
0x7: {  	s10 =	sand.u32 $0x1, s2;
	s6 =	sshll.u32 s0, $0x1;
	s15 =	smul.u32 $0x50000, s0  }
0x8: {  	s25 =	simm.s32 $0x2;
	s6 =	sor.u32 s10, s6;
	s14 =	smul.u32 $0x50, s10  }
0x9: {  	s26 =	simm.s32 $0x0;
	[smem:$0x7FF] =	sst s3;
	s8 =	smul.u32 $0x500, s6  }
0xa: {  	s4 =	sadd.s32 $0x2800, s4;
	s7 =	ssub.s32 $0x2, s10;
	s11 =	smul.u32 $0x140000, s6  }
0xb: {  	_ =	strace $0x80000047;
	s9 =	sshrl.u32 s7, $0x1;
	s6 =	smul.u32 $0x28000, s6  }
0xc: {  	s16 =	smul.u32 $0x28000, s10;
	s12 =	ssub.s32 s7, s9;
	s14 =	sadd.s32 s14, s30  }
0xd: {  	s5 =	sadd.s32 s5, s8;
	s29 =	sshrl.u32 s11, $0x3;
	s6 =	sadd.s32 s4, s6  }
0xe: {  	s11 =	smax.u32 s12, $0x1;
	s31 =	sshll.u32 s14, $0xB;
	s12 =	sadd.s32 s16, s15  }
0xf: {  	s14 =	simm.s32 $0x3;
	s15 =	simm.s32 $0x80;
	s13 =	sadd.s32 s4, s29  }
0x10: {  	s16 =	simm.s32 $0x2800;
	s7 =	sadd.s32 $0x800, s6;
	s8 =	sadd.s32 $0x26800, s13  }
0x11: {  	s9 =	sadd.s32 $0x27000, s13;
	s10 =	sadd.s32 $0x27800, s13;
	s13 =	sor.u32 $0x1000, s31  }
.LBB2_1:
0x12: {  	[tilespmem:s3], [sflag:$0x3] =	stream.linear.gather [hbm4b:s5+s3], $0x2800, $0x38;
	[tilespmem:$0x16800] =	vst v63  }
0x13: {  	_ =	swait.ge [sflag:s14], $0x2800  }
0x14: {  	[sflag:s14] =	ssyncset.done $0x0  }
0x15: {  	[sflag:s14] =	ssyncadd.s32 $0xFFFFD800  }
0x16: {  	[tilespmem:s16], [sflag:$0x1] =	stream.indirect.gather [hbm4b:s1+s15], $0x80, s3, s15, $0xb8;
	[tilespmem:$0x16800] =	vst v63  }
0x17: {  	_ = 	snop  }
0x18: {  	[tilespmem:s17], [sflag:$0x1] =	stream.indirect.gather [hbm4b:s1+s15], $0x80, s15, s15, $0xb8;
	[tilespmem:$0x16800] =	vst v63  }
0x19: {  	_ = 	snop  }
0x1a: {  	[tilespmem:s19], [sflag:$0x1] =	stream.indirect.gather [hbm4b:s1+s15], $0x80, s18, s15, $0xb8;
	[tilespmem:$0x16800] =	vst v63  }
0x1b: {  	_ =	swait.ge [sflag:s20], $0x4000  }
0x1c: {  	[sflag:s20] =	ssyncset.done $0x0  }
0x1d: {  	[sflag:s20] =	ssyncadd.s32 $0xFFFFC000  }
0x1e: {  	[hbm4b:s6+s3] =	stream.linear.scatter [tilespmem:s16], [sflag:$0x2], $0x4000, $0x38;
	[tilespmem:$0x16800] =	vst v63  }
0x1f: {  	_ = 	snop  }
0x20: {  	[tilespmem:s22], [sflag:$0x1] =	stream.indirect.gather [hbm4b:s1+s15], $0x80, s21, s15, $0xb8;
	[tilespmem:$0x16800] =	vst v63  }
0x21: {  	_ =	swait.ge [sflag:s20], $0x4000  }
0x22: {  	[sflag:s20] =	ssyncset.done $0x0  }
0x23: {  	[sflag:s20] =	ssyncadd.s32 $0xFFFFC000  }
0x24: {  	[hbm4b:s7+s3] =	stream.linear.scatter [tilespmem:s17], [sflag:$0x2], $0x4000, $0x38;
	[tilespmem:$0x16800] =	vst v63  }
0x25: {  	_ = 	snop  }
0x26: {  	[tilespmem:s24], [sflag:$0x1] =	stream.indirect.gather [hbm4b:s1+s15], $0x80, s23, s15, $0xb8;
	[tilespmem:$0x16800] =	vst v63  }
0x27: {  	_ =	swait.ge [sflag:s20], $0x4000  }
0x28: {  	[sflag:s20] =	ssyncset.done $0x0  }
0x29: {  	s28 =	sadd.s32 s4, s13;
	[sflag:s20] =	ssyncadd.s32 $0xFFFFC000  }
0x2a: {  	[hbm4b:s28+s3] =	stream.linear.scatter [tilespmem:s19], [sflag:$0x2], $0x4000, $0x38;
	[tilespmem:$0x16800] =	vst v63  }
0x2b: {  	_ =	swait.ge [sflag:s25], $0x4000  }
0x2c: {  	[sflag:s25] =	ssyncset.done $0x0  }
0x2d: {  	s28 =	simm.s32 $0x280;
	[sflag:s25] =	ssyncadd.s32 $0xFFFFC000  }
0x2e: {  	[tilespmem:s16], [sflag:$0x1] =	stream.indirect.gather [hbm4b:s1+s15], $0x80, s28, s15, $0xb8;
	[tilespmem:$0x16800] =	vst v63  }
0x2f: {  	_ =	swait.ge [sflag:s20], $0x4000  }
0x30: {  	s28 =	sadd.s32 s4, s12;
	[sflag:s20] =	ssyncset.done $0x0  }
0x31: {  	s29 =	sadd.s32 $0x1800, s28;
	[sflag:s20] =	ssyncadd.s32 $0xFFFFC000  }
0x32: {  	[hbm4b:s29+s3] =	stream.linear.scatter [tilespmem:s22], [sflag:$0x2], $0x4000, $0x38;
	[tilespmem:$0x16800] =	vst v63  }
0x33: {  	_ =	swait.ge [sflag:s25], $0x4000  }
0x34: {  	[sflag:s25] =	ssyncset.done $0x0  }
0x35: {  	s29 =	simm.s32 $0x300;
	[sflag:s25] =	ssyncadd.s32 $0xFFFFC000  }
0x36: {  	[tilespmem:s17], [sflag:$0x1] =	stream.indirect.gather [hbm4b:s1+s15], $0x80, s29, s15, $0xb8;
	[tilespmem:$0x16800] =	vst v63  }
0x37: {  	_ =	swait.ge [sflag:s20], $0x4000  }
0x38: {  	[sflag:s20] =	ssyncset.done $0x0  }
0x39: {  	s29 =	sadd.s32 $0x2000, s28;
	[sflag:s20] =	ssyncadd.s32 $0xFFFFC000  }
0x3a: {  	[hbm4b:s29+s3] =	stream.linear.scatter [tilespmem:s24], [sflag:$0x2], $0x4000, $0x38;
	[tilespmem:$0x16800] =	vst v63  }
0x3b: {  	_ =	swait.ge [sflag:s25], $0x4000  }
0x3c: {  	[sflag:s25] =	ssyncset.done $0x0  }
0x3d: {  	s29 =	simm.s32 $0x380;
	[sflag:s25] =	ssyncadd.s32 $0xFFFFC000  }
0x3e: {  	[tilespmem:s19], [sflag:$0x1] =	stream.indirect.gather [hbm4b:s1+s15], $0x80, s29, s15, $0xb8;
	[tilespmem:$0x16800] =	vst v63  }
0x3f: {  	_ =	swait.ge [sflag:s20], $0x4000  }
0x40: {  	[sflag:s20] =	ssyncset.done $0x0  }
0x41: {  	s29 =	sadd.s32 $0x2800, s28;
	[sflag:s20] =	ssyncadd.s32 $0xFFFFC000  }
0x42: {  	[hbm4b:s29+s3] =	stream.linear.scatter [tilespmem:s16], [sflag:$0x2], $0x4000, $0x38;
	[tilespmem:$0x16800] =	vst v63  }
0x43: {  	_ =	swait.ge [sflag:s25], $0x4000  }
0x44: {  	[sflag:s25] =	ssyncset.done $0x0  }
0x45: {  	s29 =	simm.s32 $0x400;
	[sflag:s25] =	ssyncadd.s32 $0xFFFFC000  }
0x46: {  	[tilespmem:s22], [sflag:$0x1] =	stream.indirect.gather [hbm4b:s1+s15], $0x80, s29, s15, $0xb8;
	[tilespmem:$0x16800] =	vst v63  }
0x47: {  	_ =	swait.ge [sflag:s20], $0x4000  }
0x48: {  	[sflag:s20] =	ssyncset.done $0x0  }
0x49: {  	s28 =	sadd.s32 $0x3000, s28;
	[sflag:s20] =	ssyncadd.s32 $0xFFFFC000  }
0x4a: {  	[hbm4b:s28+s3] =	stream.linear.scatter [tilespmem:s17], [sflag:$0x2], $0x4000, $0x38;
	[tilespmem:$0x16800] =	vst v63  }
0x4b: {  	_ =	swait.ge [sflag:s25], $0x4000  }
0x4c: {  	s30 =	simm.s32 $0x480;
	[sflag:s25] =	ssyncset.done $0x0  }
0x4d: {  	s29 =	sadd.s32 $0x2800, s4;
	s28 =	simm.s32 $0xA00;
	[sflag:s25] =	ssyncadd.s32 $0xFFFFC000  }
.LBB2_2:
0x4e: {  	[tilespmem:s24], [sflag:$0x1] =	stream.indirect.gather [hbm4b:s1+s15], $0x80, s30, s15, $0xb8;
	[tilespmem:$0x16800] =	vst v63  }
0x4f: {  	s30 =	smov.u32 s28  }
0x50: {  	p0 =	sne.s32 s28, $0x8C00;
	s28 =	sadd.s32 $0xA00, s28;
	_ =	swait.ge [sflag:s20], $0x4000  }
0x51: {  	[sflag:s20] =	ssyncset.done $0x0  }
0x52: {  	s31 =	sadd.s32 s29, s13;
	[sflag:s20] =	ssyncadd.s32 $0xFFFFC000  }
0x53: {  	[hbm4b:s31+s3] =	stream.linear.scatter [tilespmem:s19], [sflag:$0x2], $0x4000, $0x38;
	[tilespmem:$0x16800] =	vst v63  }
0x54: {  	_ =	swait.ge [sflag:s25], $0x4000  }
0x55: {  	s30 =	sshra.s32 s30, $0x2;
	[sflag:s25] =	ssyncset.done $0x0  }
0x56: {  	s31 =	sadd.s32 $0x280, s30;
	[sflag:s25] =	ssyncadd.s32 $0xFFFFC000  }
0x57: {  	[tilespmem:s16], [sflag:$0x1] =	stream.indirect.gather [hbm4b:s1+s15], $0x80, s31, s15, $0xb8;
	[tilespmem:$0x16800] =	vst v63  }
0x58: {  	_ =	swait.ge [sflag:s20], $0x4000  }
0x59: {  	s31 =	sadd.s32 s29, s12;
	[sflag:s20] =	ssyncset.done $0x0  }
0x5a: {  	s2 =	sadd.s32 $0x1800, s31;
	[sflag:s20] =	ssyncadd.s32 $0xFFFFC000  }
0x5b: {  	[hbm4b:s2+s3] =	stream.linear.scatter [tilespmem:s22], [sflag:$0x2], $0x4000, $0x38;
	[tilespmem:$0x16800] =	vst v63  }
0x5c: {  	_ =	swait.ge [sflag:s25], $0x4000  }
0x5d: {  	[sflag:s25] =	ssyncset.done $0x0  }
0x5e: {  	s2 =	sadd.s32 $0x300, s30;
	[sflag:s25] =	ssyncadd.s32 $0xFFFFC000  }
0x5f: {  	[tilespmem:s17], [sflag:$0x1] =	stream.indirect.gather [hbm4b:s1+s15], $0x80, s2, s15, $0xb8;
	[tilespmem:$0x16800] =	vst v63  }
0x60: {  	_ =	swait.ge [sflag:s20], $0x4000  }
0x61: {  	[sflag:s20] =	ssyncset.done $0x0  }
0x62: {  	s2 =	sadd.s32 $0x2000, s31;
	[sflag:s20] =	ssyncadd.s32 $0xFFFFC000  }
0x63: {  	[hbm4b:s2+s3] =	stream.linear.scatter [tilespmem:s24], [sflag:$0x2], $0x4000, $0x38;
	[tilespmem:$0x16800] =	vst v63  }
0x64: {  	_ =	swait.ge [sflag:s25], $0x4000  }
0x65: {  	[sflag:s25] =	ssyncset.done $0x0  }
0x66: {  	s2 =	sadd.s32 $0x380, s30;
	[sflag:s25] =	ssyncadd.s32 $0xFFFFC000  }
0x67: {  	[tilespmem:s19], [sflag:$0x1] =	stream.indirect.gather [hbm4b:s1+s15], $0x80, s2, s15, $0xb8;
	[tilespmem:$0x16800] =	vst v63  }
0x68: {  	_ =	swait.ge [sflag:s20], $0x4000  }
0x69: {  	[sflag:s20] =	ssyncset.done $0x0  }
0x6a: {  	s2 =	sadd.s32 $0x2800, s31;
	[sflag:s20] =	ssyncadd.s32 $0xFFFFC000  }
0x6b: {  	[hbm4b:s2+s3] =	stream.linear.scatter [tilespmem:s16], [sflag:$0x2], $0x4000, $0x38;
	[tilespmem:$0x16800] =	vst v63  }
0x6c: {  	_ =	swait.ge [sflag:s25], $0x4000  }
0x6d: {  	[sflag:s25] =	ssyncset.done $0x0  }
0x6e: {  	s2 =	sadd.s32 $0x400, s30;
	[sflag:s25] =	ssyncadd.s32 $0xFFFFC000  }
0x6f: {  	[tilespmem:s22], [sflag:$0x1] =	stream.indirect.gather [hbm4b:s1+s15], $0x80, s2, s15, $0xb8;
	[tilespmem:$0x16800] =	vst v63  }
0x70: {  	_ =	swait.ge [sflag:s20], $0x4000  }
0x71: {  	[sflag:s20] =	ssyncset.done $0x0  }
.Ltmp0:
0x72: {  	s2 =	sadd.s32 $0x3000, s31;
	[sflag:s20] =	ssyncadd.s32 $0xFFFFC000;
	(pc) =	sbr.rel @p0 .LBB2_2-.Ltmp0, $4  }
0x73: {  	[hbm4b:s2+s3] =	stream.linear.scatter [tilespmem:s17], [sflag:$0x2], $0x4000, $0x38;
	[tilespmem:$0x16800] =	vst v63  }
0x74: {  	_ =	swait.ge [sflag:s25], $0x4000  }
0x75: {  	[sflag:s25] =	ssyncset.done $0x0  }
0x76: {  	s29 =	sadd.s32 $0x2800, s29;
	s30 =	sadd.s32 $0x480, s30;
	[sflag:s25] =	ssyncadd.s32 $0xFFFFC000  }
0x77: {  	[tilespmem:s24], [sflag:$0x1] =	stream.indirect.gather [hbm4b:s1+s15], $0x80, s30, s15, $0xb8;
	[tilespmem:$0x16800] =	vst v63  }
0x78: {  	_ =	swait.ge [sflag:s20], $0x4000  }
0x79: {  	[sflag:s20] =	ssyncset.done $0x0  }
0x7a: {  	[sflag:s20] =	ssyncadd.s32 $0xFFFFC000  }
0x7b: {  	[hbm4b:s8+s3] =	stream.linear.scatter [tilespmem:s19], [sflag:$0x2], $0x4000, $0x38;
	[tilespmem:$0x16800] =	vst v63  }
0x7c: {  	_ =	swait.ge [sflag:s25], $0x4000  }
0x7d: {  	[sflag:s25] =	ssyncset.done $0x0  }
0x7e: {  	[sflag:s25] =	ssyncadd.s32 $0xFFFFC000  }
0x7f: {  	_ =	swait.ge [sflag:s20], $0x4000  }
0x80: {  	[sflag:s20] =	ssyncset.done $0x0  }
0x81: {  	[sflag:s20] =	ssyncadd.s32 $0xFFFFC000  }
0x82: {  	[hbm4b:s9+s3] =	stream.linear.scatter [tilespmem:s22], [sflag:$0x2], $0x4000, $0x38;
	[tilespmem:$0x16800] =	vst v63  }
0x83: {  	_ =	swait.ge [sflag:s25], $0x4000  }
0x84: {  	[sflag:s25] =	ssyncset.done $0x0  }
0x85: {  	[sflag:s25] =	ssyncadd.s32 $0xFFFFC000  }
0x86: {  	_ =	swait.ge [sflag:s20], $0x4000  }
0x87: {  	[sflag:s20] =	ssyncset.done $0x0  }
0x88: {  	[sflag:s20] =	ssyncadd.s32 $0xFFFFC000  }
0x89: {  	[hbm4b:s10+s3] =	stream.linear.scatter [tilespmem:s24], [sflag:$0x2], $0x4000, $0x38;
	[tilespmem:$0x16800] =	vst v63  }
0x8a: {  	_ =	swait.ge [sflag:s25], $0x4000  }
0x8b: {  	[sflag:s25] =	ssyncset.done $0x0  }
0x8c: {  	s26 =	sadd.s32 $0x1, s26;
	[sflag:s25] =	ssyncadd.s32 $0xFFFFC000  }
0x8d: {  	p0 =	sne.s32 s26, s11;
	_ =	swait.ge [sflag:s25], $0x4000  }
.Ltmp1:
0x8e: {  	[sflag:s25] =	ssyncset.done $0x0;
	(pc) =	sbr.rel @p0 .LBB2_1-.Ltmp1, $4  }
0x8f: {  	[sflag:s25] =	ssyncadd.s32 $0xFFFFC000  }
0x90: {  	_ =	swait.ge [sflag:s25], $0x4000  }
0x91: {  	[sflag:s25] =	ssyncset.done $0x0  }
0x92: {  	[sflag:s25] =	ssyncadd.s32 $0xFFFFC000  }
0x93: {  	_ =	sfence.sel $0x180000  }
0x94: {  	[bflag:$0x0] =	sbarrier.arrive $0xFFFF  }
0x95: {  	_ =	strace $0x90000047  }
0x96: {  	[bflag:$0x2] =	sbarrier.arrive $0xFFFF  }
0x97: {  	p0 =	sne.s32 s0, $0x0;
	s0 =	rddreg [dreg:$0x3]  }
0x98: {  	s0 =	sadd.s32 @!p0 $0x100000, s0  }
0x99: {  	[sflag:s0] =	ssyncadd.tile.s32 @!p0 $0x1;
	_ =	shalt  }
.Lfunc_end2:
_tile_overlayer_lowered:
.L_overlay_start_2:
0x9a: {  	(tag) =	ssettag $0x2  }
0x9b: {  	s0 =	rddreg [dreg:$0x0];
	s2 =	stileid.u32  }
0x9c: {  	s1 =	rddreg [dreg:$0x1];
	p0 =	sne.s32 s2, $0x0  }
0x9d: {  	s3 =	rddreg [dreg:$0x2];
	[bflag:$0x3] =	sbarrier.arrive $0xFFFF;
	s2 =	simm.s32 @!p0 $0x1C03  }
0x9e: {  	[timem:s3], [sflag:s2] =	dma.local @!p0 [hbm:s0], s1  }
0x9f: {  	s0 =	simm.s32 @!p0 $0x3  }
0xa0: {  	_ =	swait.ge @!p0 [sflag:s0], s1  }
0xa1: {  	s1 =	ssub.s32 @!p0 $0x0, s1;
	[sflag:s0] =	ssyncset.done @!p0 $0x0  }
0xa2: {  	[sflag:s0] =	ssyncadd.s32 @!p0 s1  }
0xa3: {  	[bflag:$0x3] =	sbarrier.arrive $0xFFFF  }
0xa4: {  	_ =	shalt  }

// kernel: kernel.9.cloned.1.call-start
scs
__scs_entry_jumppad:
0x0: {  	(pc) =	sbr.rel $0x88, $3  }
0x1: {  	(tag) =	ssettag $0x0;
	lr =	simm.s32 $0x1  }
0x2: {  	[smem:$0x3F91] =	sst lr;
	_ =	strace $0xD0000000  }
0x3: {  	_ = 	snop  }
0x4: {  	_ = 	snop  }
0x5: {  	_ = 	snop  }
0x6: {  	_ = 	snop  }
0x7: {  	_ = 	snop  }
__scs_overlays_trampoline_lowered:
0x8: {  	[smem:$0x3FA0] =	sst s0  }
0x9: {  	[smem:$0x3FA1] =	sst s1  }
0xa: {  	[smem:$0x3FA2] =	sst s2  }
0xb: {  	[smem:$0x3FA3] =	sst s3  }
0xc: {  	[smem:$0x3FA4] =	sst s4  }
0xd: {  	[smem:$0x3FA5] =	sst s5  }
0xe: {  	[smem:$0x3FA6] =	sst s6  }
0xf: {  	[smem:$0x3FA7] =	sst s7  }
0x10: {  	[smem:$0x3FA8] =	sst s8  }
0x11: {  	[smem:$0x3FA9] =	sst s9;
	s0 =	simm.s32 @!p0 $0x0  }
0x12: {  	s1 =	sld [smem:$0x3F8F];
	s0 =	simm.s32 @p0 $0x1  }
0x13: {  	[smem:$0x3FAA] =	sst s0;
	s0 =	simm.s32 @!p1 $0x0  }
0x14: {  	s2 =	sld [smem:$0x3F8E];
	s0 =	simm.s32 @p1 $0x1  }
0x15: {  	[smem:$0x3FAB] =	sst s0;
	s0 =	simm.s32 @!p2 $0x0  }
0x16: {  	s3 =	sld [smem:$0x3FDB];
	s0 =	simm.s32 @p2 $0x1  }
0x17: {  	s4 =	simm.s32 $0x1BF5;
	[smem:$0x3FAD] =	sst s0  }
0x18: {  	s0 =	sld [smem:$0x3F90];
	_ =	swait.ge [sflag:s4], $0x0  }
0x19: {  	s7 =	sld [smem:$0x3F91]  }
0x1a: {  	s8 =	sadd.s32 $0xFFFFE003, lr  }
0x1b: {  	s9 =	sadd.s32 $0xFFFFFEF7, lr;
	s5 =	simm.s32 $0xFFFFFFFF;
	p2 =	slt.u32 s8, $0xFFFFF086  }
0x1c: {  	p1 =	slt.u32 s9, $0xF7A;
	s5 =	simm.s32 @!p2 $0x0  }
0x1d: {  	s5 =	simm.s32 @p1 $0x1;
	p0 =	seq.s32 s7, s2  }
0x1e: {  	s7 =	smul.u32 @!p0 $0xF7A, s2;
	p2 =	seq.s32 @!p0 s5, $0x0  }
0x1f: {  	s9 =	smul.u32 $0xF7A, s1;
	s8 =	simm.s32 @!p0 $0x1BF5;
	p2 =	por !p2, p0  }
0x20: {  	[sflag:s8] =	ssyncset.s32 @!p0 $0xFFFFF086;
	s6 =	sadd.s32 @!p0 s3, s7;
	s7 =	simm.s32 @!p0 $0x108  }
0x21: {  	s3 =	sadd.s32 s3, s9;
	s6 =	sadd.s32 @!p0 $0x88, s6;
	s7 =	simm.s32 @p2 $0x1082  }
0x22: {  	[simem:s7], [sflag:s8] =	dma.local @!p0 [hbm:s6], $0xF7A  }
0x23: {  	s9 =	sor.u32 $0xD0000000, s2;
	s6 =	simm.s32 $0x108;
	_ =	swait.ge @!p0 [sflag:s8], $0x0  }
0x24: {  	s3 =	sadd.s32 $0x88, s3;
	s6 =	simm.s32 @!p1 $0x1082;
	[sflag:s4] =	ssyncset.s32 $0xFFFFF086  }
0x25: {  	[simem:s6], [sflag:s4] =	dma.local [hbm:s3], $0xF7A  }
0x26: {  	[smem:$0x3F91] =	sst s1;
	(tag) =	ssettag s2;
	_ =	strace s9  }
0x27: {  	s1 =	sld [smem:$0x3FA1]  }
0x28: {  	s2 =	sld [smem:$0x3FA2]  }
0x29: {  	s4 =	sld [smem:$0x3FA4]  }
0x2a: {  	p0 =	seq.s32 s5, $0x0;
	s5 =	sld [smem:$0x3FA5]  }
0x2b: {  	s6 =	sld [smem:$0x3FA6]  }
0x2c: {  	s7 =	sld [smem:$0x3FA7]  }
0x2d: {  	s3 =	simm.s32 $0x108;
	s8 =	sld [smem:$0x3FA8]  }
0x2e: {  	s3 =	simm.s32 @!p0 $0x1082;
	s9 =	sld [smem:$0x3FA9]  }
0x2f: {  	lr =	sadd.s32 s0, s3;
	s0 =	sld [smem:$0x3FA0]  }
0x30: {  	s3 =	sld [smem:$0x3FA3]  }
0x31: {  	[smem:$0x3FAC] =	sst s10  }
0x32: {  	s10 =	sld [smem:$0x3FAA];
	_ =	sdelay $0x3  }
0x33: {  	p0 =	seq.s32 s10, $0x1;
	s10 =	sld [smem:$0x3FAC];
	_ =	sdelay $0x3  }
0x34: {  	[smem:$0x3FAC] =	sst s10  }
0x35: {  	s10 =	sld [smem:$0x3FAB];
	_ =	sdelay $0x3  }
0x36: {  	p1 =	seq.s32 s10, $0x1;
	s10 =	sld [smem:$0x3FAC];
	_ =	sdelay $0x3  }
0x37: {  	[smem:$0x3FAC] =	sst s10  }
0x38: {  	s10 =	sld [smem:$0x3FAD]  }
0x39: {  	_ = 	snop;
	(pc) =	sbr.ind lr, $3  }
0x3a: {  	_ = 	snop  }
0x3b: {  	_ = 	snop  }
0x3c: {  	p2 =	seq.s32 s10, $0x1;
	s10 =	sld [smem:$0x3FAC]  }
0x3d: {  	_ =	shalt  }
0x3e: {  	_ =	shalt  }
0x3f: {  	_ =	shalt  }
0x40: {  	_ =	shalt  }
0x41: {  	_ =	shalt  }
0x42: {  	_ =	shalt  }
0x43: {  	_ =	shalt  }
0x44: {  	_ =	shalt  }
0x45: {  	_ =	shalt  }
0x46: {  	_ =	shalt  }
0x47: {  	_ =	shalt  }
0x48: {  	_ =	shalt  }
0x49: {  	_ =	shalt  }
0x4a: {  	_ =	shalt  }
0x4b: {  	_ =	shalt  }
0x4c: {  	_ =	shalt  }
0x4d: {  	_ =	shalt  }
0x4e: {  	_ =	shalt  }
0x4f: {  	_ =	shalt  }
0x50: {  	_ =	shalt  }
0x51: {  	_ =	shalt  }
0x52: {  	_ =	shalt  }
0x53: {  	_ =	shalt  }
0x54: {  	_ =	shalt  }
0x55: {  	_ =	shalt  }
0x56: {  	_ =	shalt  }
0x57: {  	_ =	shalt  }
0x58: {  	_ =	shalt  }
0x59: {  	_ =	shalt  }
0x5a: {  	_ =	shalt  }
0x5b: {  	_ =	shalt  }
0x5c: {  	_ =	shalt  }
0x5d: {  	_ =	shalt  }
0x5e: {  	_ =	shalt  }
0x5f: {  	_ =	shalt  }
0x60: {  	_ =	shalt  }
0x61: {  	_ =	shalt  }
0x62: {  	_ =	shalt  }
0x63: {  	_ =	shalt  }
0x64: {  	_ =	shalt  }
0x65: {  	_ =	shalt  }
0x66: {  	_ =	shalt  }
0x67: {  	_ =	shalt  }
0x68: {  	_ =	shalt  }
0x69: {  	_ =	shalt  }
0x6a: {  	_ =	shalt  }
0x6b: {  	_ =	shalt  }
0x6c: {  	_ =	shalt  }
0x6d: {  	_ =	shalt  }
0x6e: {  	_ =	shalt  }
0x6f: {  	_ =	shalt  }
0x70: {  	_ =	shalt  }
0x71: {  	_ =	shalt  }
0x72: {  	_ =	shalt  }
0x73: {  	_ =	shalt  }
0x74: {  	_ =	shalt  }
0x75: {  	_ =	shalt  }
0x76: {  	_ =	shalt  }
0x77: {  	_ =	shalt  }
0x78: {  	_ =	shalt  }
0x79: {  	_ =	shalt  }
0x7a: {  	_ =	shalt  }
0x7b: {  	_ =	shalt  }
0x7c: {  	_ =	shalt  }
0x7d: {  	_ =	shalt  }
0x7e: {  	_ =	shalt  }
0x7f: {  	_ =	shalt  }
0x80: {  	_ =	shalt  }
0x81: {  	_ =	shalt  }
0x82: {  	_ =	shalt  }
0x83: {  	_ =	shalt  }
0x84: {  	_ =	shalt  }
0x85: {  	_ =	shalt  }
0x86: {  	_ =	shalt  }
0x87: {  	_ =	shalt  }
.Lfunc_end0:
.L_simem_size_0:
called_computation.1_lowered:
.L_overlay_start_0:
0x88: {  	s2 =	sld [smem:$0x3FD9]  }
0x89: {  	s3 =	sld [smem:$0x3FFE];
	_ =	sdelay $0x1  }
0x8a: {  	s1 =	srdreg.scid  }
0x8b: {  	s0 =	sand.u32 $0x1, s1  }
0x8c: {  	s16 =	sshll.u32 s0, $0xA;
	s2 =	sadd.s32 s3, s2  }
0x8d: {  	s2 =	sadd.s32 s2, s16  }
0x8e: {  	[smem:$0x3FB8] =	sst s2  }
0x8f: {  	_ = 	snop  }
0x90: {  	(tm) =	ssettm $0x1  }
0x91: {  	s17 =	sld [smem:$0x3FFB];
	_ =	sdelay $0x3  }
0x92: {  	_ =	strace s17  }
0x93: {  	s2 =	sld [smem:$0x3FFC];
	_ =	sdelay $0x3  }
0x94: {  	_ =	strace s2  }
0x95: {  	s2 =	sld [smem:$0x3FFD];
	_ =	sdelay $0x3  }
0x96: {  	_ =	strace s2  }
0x97: {  	_ =	strace $0x8FFFFFFF  }
0x98: {  	s18 =	sld [smem:$0x3FDB];
	_ =	sdelay $0x1  }
0x99: {  	s19 =	simm.s32 $_scs_section_size  }
0x9a: {  	s4 =	simm.s32 $_size__tile_overlayer_lowered;
	s5 =	simm.s32 $_tile_overlayer_lowered  }
0x9b: {  	s22 =	simm.s32 $0x1BFF;
	s21 =	sshll.u32 s5, $0x1;
	s2 =	sadd.s32 s19, s18  }
0x9c: {  	s6 =	simm.s32 $0x0;
	s20 =	sshll.u32 s4, $0x1;
	s4 =	sadd.s32 s21, s2  }
0x9d: {  	[timem:s6], [sflag:s22] =	dma.local [hbm:s4], s20  }
0x9e: {  	_ =	swait.ge [sflag:s22], s20  }
0x9f: {  	s3 =	ssub.s32 $0x0, s20;
	[sflag:s22] =	ssyncset.done $0x0  }
0xa0: {  	[sflag:s22] =	ssyncadd.s32 s3;
	_ =	sdelay $0x1  }
0xa1: {  	s23 =	simm.s32 $0x1B8B  }
0xa2: {  	_ =	swait.ge [sflag:s23], $0x1  }
0xa3: {  	[sflag:s23] =	ssyncset.done $0x0  }
0xa4: {  	s25 =	simm.s32 $0x1B8E;
	s24 =	sld [smem:$0x3FFE];
	[sflag:s23] =	ssyncadd.s32 $0xFFFFFFFF  }
0xa5: {  	s26 =	simm.s32 $execute0_lowered;
	[smem:$0x3FD2] =	sst s25  }
0xa6: {  	s4 =	sshll.u32 s26, $0x1;
	_ =	strace $0x80000049;
	[dreg:$0x1] =	wrdreg $0xFFFFFFFF  }
0xa7: {  	s28 =	simm.s32 $_size_execute0_lowered;
	s2 =	sadd.s32 s2, s4;
	[dreg:$0x0] =	wrdreg $0x0  }
0xa8: {  	s4 =	sshll.u32 s28, $0x1;
	[dreg:$0x2] =	wrdreg s2  }
0xa9: {  	[dreg:$0x3] =	wrdreg s4  }
0xaa: {  	[dreg:$0x4] =	wrdreg $0xC0  }
0xab: {  	_ =	task [dreg:s6], $0x5FFFF  }
0xac: {  	[dreg:$0x1] =	wrdreg $0xFFFFFFFF  }
0xad: {  	[dreg:$0x0] =	wrdreg $0x60  }
0xae: {  	[dreg:$0x2] =	wrdreg s24  }
0xaf: {  	[dreg:$0x3] =	wrdreg $0x9C000  }
0xb0: {  	[dreg:$0x4] =	wrdreg $0x9  }
0xb1: {  	_ =	task.clear_ibuf [dreg:s6], $0x5FFFF;
	_ =	strace $0x90000049  }
0xb2: {  	s29 =	simm.s32 $0x9;
	_ =	strace $0x8000004B  }
0xb3: {  	_ =	swait.ge [sflag:s29], $0x1  }
0xb4: {  	[sflag:s29] =	ssyncadd.s32 $0xFFFFFFFF  }
0xb5: {  	_ =	strace $0x9000004B  }
0xb6: {  	_ =	sfence  }
0xb7: {  	s30 =	sld [smem:$0x0];
	_ =	sdelay $0x2  }
0xb8: {  	s31 =	sshll.u32 s1, $0xD;
	s1 =	sshrl.u32 s1, $0x2  }
0xb9: {  	s3 =	sand.u32 $0x4000, s31;
	s1 =	sadd.s32 s1, s30  }
0xba: {  	s0 =	sor.u32 s3, s0;
	s1 =	sshll.u32 s1, $0x11  }
0xbb: {  	s0 =	sor.u32 s1, s0  }
0xbc: {  	s0 =	sadd.s32 $0x8F2B, s0  }
0xbd: {  	[sflag:s0] =	ssyncadd.remote.s32 $0x1  }
0xbe: {  	_ =	sfence.sel $0xFFFF  }
0xbf: {  	[dreg:$0x0] =	wrdreg $0xFFFFFFFF;
	(pc) =	sbr.abs _section_cstart, $3  }
0xc0: {  	[dreg:$0x1] =	wrdreg $0xFFFFFFFF  }
0xc1: {  	_ =	task.clear_ibuf [dreg:s6], $0x2FFFF;
	_ =	strace $0x9FFFFFFF  }
0xc2: {  	(tm) =	ssettm $0x7FFFFFFF  }
0xc3: {  	_ =	shalt  }
tec
execute0_lowered:
.L_overlay_start_1:
0x0: {  	(tag) =	ssettag $0x1  }
0x1: {  	s12 =	stileid.u32  }
0x2: {  	s0 =	rddreg [dreg:$0x0];
	s6 =	smul.u32 $0x50000, s12  }
0x3: {  	s1 =	srdreg.scid;
	s11 =	smul.u32 $0x14000, s12  }
0x4: {  	s2 =	rddreg [dreg:$0x1];
	s1 =	sand.u32 $0x1, s1;
	s20 =	smul.u32 $0x50, s12  }
0x5: {  	s3 =	simm.s32 $0x0;
	s4 =	sshll.u32 s12, $0x1;
	s9 =	smul.u32 $0x140000, s1  }
0x6: {  	s4 =	sor.u32 s1, s4;
	s23 =	ssub.s32 $0x2, s1;
	s1 =	smul.u32 $0x28, s1  }
0x7: {  	[smem:$0x7FF] =	sst s3;
	s7 =	sadd.s32 $0x2800, s0;
	s5 =	smul.u32 $0x280, s4  }
0x8: {  	_ =	strace $0x8000004A;
	s8 =	smul.u32 $0x14000, s4;
	s10 =	sshrl.u32 s23, $0x1  }
0x9: {  	s6 =	sshrl.u32 s6, $0x2;
	s25 =	sadd.s32 $0x4000, s11;
	s13 =	sadd.s32 $0x8000, s11  }
0xa: {  	s16 =	sadd.s32 $0xC000, s11;
	s4 =	sadd.s32 s6, s2;
	s6 =	sadd.s32 s25, s2  }
0xb: {  	s18 =	sadd.s32 $0x10000, s11;
	s15 =	sadd.s32 s13, s2;
	[dreg:$0x7] =	wrdreg s6  }
0xc: {  	s10 =	ssub.s32 s23, s10;
	s17 =	sadd.s32 s16, s2;
	[dreg:$0x9] =	wrdreg s15  }
0xd: {  	s24 =	sadd.s32 s11, s9;
	s8 =	sadd.s32 s7, s8;
	[dreg:$0xb] =	wrdreg s17  }
0xe: {  	s26 =	sadd.s32 s9, s25;
	s21 =	smax.u32 s10, $0x1;
	[dreg:$0x4] =	wrdreg s8  }
0xf: {  	s14 =	sadd.s32 s9, s13;
	s22 =	sadd.s32 $0x800, s4;
	[dreg:$0xf] =	wrdreg s21  }
0x10: {  	s19 =	sadd.s32 s9, s18;
	s25 =	sadd.s32 $0x1800, s4;
	[dreg:$0x10] =	wrdreg s22  }
0x11: {  	s6 =	sadd.s32 s9, s16;
	s9 =	sadd.s32 $0x4800, s4;
	[dreg:$0x12] =	wrdreg s25  }
0x12: {  	s23 =	sadd.s32 s1, s20;
	s10 =	sadd.s32 $0x5000, s4;
	[dreg:$0x18] =	wrdreg s9  }
0x13: {  	s5 =	sadd.s32 s5, s0;
	s11 =	sadd.s32 $0x5800, s4;
	[dreg:$0x19] =	wrdreg s10  }
0x14: {  	s0 =	sadd.s32 $0x282800, s0;
	s12 =	sadd.s32 $0x6000, s4;
	[dreg:$0x1a] =	wrdreg s11  }
0x15: {  	s13 =	sadd.s32 $0x6800, s4;
	s15 =	sadd.s32 $0x7800, s4;
	[dreg:$0x1b] =	wrdreg s12  }
0x16: {  	s16 =	sadd.s32 $0x8000, s4;
	s17 =	sadd.s32 $0x8800, s4;
	[dreg:$0x1c] =	wrdreg s13  }
0x17: {  	s20 =	sadd.s32 $0xA000, s4;
	s28 =	sadd.s32 $0x11000, s4;
	[dreg:$0x1e] =	wrdreg s15  }
0x18: {  	s29 =	sadd.s32 $0x11800, s4;
	s30 =	sadd.s32 $0x12000, s4;
	[dreg:$0x1f] =	wrdreg s16  }
0x19: {  	s31 =	sadd.s32 $0x12800, s4;
	s1 =	sadd.s32 $0x13000, s4;
	[smem:$0x7F6] =	sst s17  }
0x1a: {  	s5 =	sadd.s32 $0x502800, s5;
	s8 =	sadd.s32 $0x800, s8;
	[smem:$0x7F9] =	sst s20  }
0x1b: {  	s6 =	sshrl.u32 s6, $0x3;
	s21 =	sadd.s32 $0xA800, s4;
	[dreg:$0x3] =	wrdreg s5  }
0x1c: {  	s22 =	sadd.s32 $0xB000, s4;
	s16 =	sadd.s32 $0xC800, s4;
	[dreg:$0x5] =	wrdreg s8  }
0x1d: {  	s17 =	sadd.s32 $0xD000, s4;
	s20 =	sadd.s32 $0xE800, s4;
	[smem:$0x7FA] =	sst s21  }
0x1e: {  	s9 =	simm.s32 $0x1400;
	s6 =	sadd.s32 s0, s6;
	[smem:$0x7FB] =	sst s22  }
0x1f: {  	s5 =	sshrl.u32 s24, $0x3;
	s24 =	sadd.s32 $0x1000, s4;
	[dreg:$0xc] =	wrdreg s6  }
0x20: {  	s8 =	sshrl.u32 s26, $0x3;
	s26 =	sadd.s32 $0x2000, s4;
	[dreg:$0x11] =	wrdreg s24  }
0x21: {  	s10 =	simm.s32 $0x5400;
	s5 =	sadd.s32 s0, s5;
	[dreg:$0x13] =	wrdreg s26  }
0x22: {  	s11 =	simm.s32 $0x80;
	s6 =	sadd.s32 $0x3000, s4;
	[dreg:$0x6] =	wrdreg s5  }
0x23: {  	s21 =	sadd.s32 $0xF000, s4;
	s26 =	sadd.s32 $0xC000, s4;
	[dreg:$0x15] =	wrdreg s6  }
0x24: {  	s22 =	sadd.s32 $0xF800, s4;
	s5 =	sadd.s32 s0, s8;
	[smem:$0x7FD] =	sst s26  }
0x25: {  	s8 =	sshrl.u32 s19, $0x3;
	s19 =	sadd.s32 $0x9800, s4;
	[dreg:$0x8] =	wrdreg s5  }
0x26: {  	s5 =	sshrl.u32 s14, $0x3;
	s14 =	sadd.s32 $0x7000, s4;
	[smem:$0x7F8] =	sst s19  }
0x27: {  	s26 =	sadd.s32 $0x10800, s4;
	s5 =	sadd.s32 s0, s5;
	[dreg:$0x1d] =	wrdreg s14  }
0x28: {  	s6 =	simm.s32 $0x0;
	s0 =	sadd.s32 s0, s8;
	[dreg:$0xa] =	wrdreg s5  }
0x29: {  	s19 =	sadd.s32 $0xE000, s4;
	s8 =	sadd.s32 $0x4000, s4;
	[dreg:$0xe] =	wrdreg s0  }
0x2a: {  	s5 =	sadd.s32 s18, s2;
	s0 =	sshll.u32 s23, $0xB;
	[dreg:$0x17] =	wrdreg s8  }
0x2b: {  	s18 =	sadd.s32 $0x9000, s4;
	s23 =	sadd.s32 $0xB800, s4;
	[dreg:$0xd] =	wrdreg s5  }
0x2c: {  	s8 =	simm.s32 $0x1;
	s5 =	sadd.s32 $0x2800, s4;
	[smem:$0x7F7] =	sst s18  }
0x2d: {  	s0 =	sadd.s32 s0, s7;
	s7 =	sadd.s32 $0x3800, s4;
	[smem:$0x7FC] =	sst s23  }
0x2e: {  	s18 =	sadd.s32 $0xD800, s4;
	s23 =	sadd.s32 $0x10000, s4;
	[dreg:$0x14] =	wrdreg s5  }
0x2f: {  	s24 =	sadd.s32 $0x1800, s0;
	s25 =	sadd.s32 $0x1000, s0;
	[dreg:$0x16] =	wrdreg s7  }
0x30: {  	v0 =	vimm.f32 $0.0e+00;
	s0 =	sadd.s32 $0x13800, s4;
	s5 =	simm.s32 $0x9400;
	s7 =	simm.s32 $0x2  }
.LBB2_1:
0x31: {  	[tilespmem:$0x9400] =	vst v0  }
0x32: {  	[tilespmem:$0x9410] =	vst v0  }
0x33: {  	[tilespmem:$0x9420] =	vst v0  }
0x34: {  	[tilespmem:$0x9430] =	vst v0  }
0x35: {  	[tilespmem:$0x9440] =	vst v0  }
0x36: {  	[tilespmem:$0x9450] =	vst v0  }
0x37: {  	[tilespmem:$0x9460] =	vst v0  }
0x38: {  	[tilespmem:$0x9470] =	vst v0  }
0x39: {  	[tilespmem:$0x9480] =	vst v0  }
0x3a: {  	[tilespmem:$0x9490] =	vst v0  }
0x3b: {  	[tilespmem:$0x94A0] =	vst v0  }
0x3c: {  	[tilespmem:$0x94B0] =	vst v0  }
0x3d: {  	[tilespmem:$0x94C0] =	vst v0  }
0x3e: {  	[tilespmem:$0x94D0] =	vst v0  }
0x3f: {  	[tilespmem:$0x94E0] =	vst v0  }
0x40: {  	[tilespmem:$0x94F0] =	vst v0  }
0x41: {  	[tilespmem:$0x9500] =	vst v0  }
0x42: {  	[tilespmem:$0x9510] =	vst v0  }
0x43: {  	[tilespmem:$0x9520] =	vst v0  }
0x44: {  	[tilespmem:$0x9530] =	vst v0  }
0x45: {  	[tilespmem:$0x9540] =	vst v0  }
0x46: {  	[tilespmem:$0x9550] =	vst v0  }
0x47: {  	[tilespmem:$0x9560] =	vst v0  }
0x48: {  	[tilespmem:$0x9570] =	vst v0  }
0x49: {  	[tilespmem:$0x9580] =	vst v0  }
0x4a: {  	[tilespmem:$0x9590] =	vst v0  }
0x4b: {  	[tilespmem:$0x95A0] =	vst v0  }
0x4c: {  	[tilespmem:$0x95B0] =	vst v0  }
0x4d: {  	[tilespmem:$0x95C0] =	vst v0  }
0x4e: {  	[tilespmem:$0x95D0] =	vst v0  }
0x4f: {  	[tilespmem:$0x95E0] =	vst v0  }
0x50: {  	[tilespmem:$0x95F0] =	vst v0  }
0x51: {  	[tilespmem:$0x9600] =	vst v0  }
0x52: {  	[tilespmem:$0x9610] =	vst v0  }
0x53: {  	[tilespmem:$0x9620] =	vst v0  }
0x54: {  	[tilespmem:$0x9630] =	vst v0  }
0x55: {  	[tilespmem:$0x9640] =	vst v0  }
0x56: {  	[tilespmem:$0x9650] =	vst v0  }
0x57: {  	[tilespmem:$0x9660] =	vst v0  }
0x58: {  	[tilespmem:$0x9670] =	vst v0  }
0x59: {  	[tilespmem:$0x9680] =	vst v0  }
0x5a: {  	[tilespmem:$0x9690] =	vst v0  }
0x5b: {  	[tilespmem:$0x96A0] =	vst v0  }
0x5c: {  	[tilespmem:$0x96B0] =	vst v0  }
0x5d: {  	[tilespmem:$0x96C0] =	vst v0  }
0x5e: {  	[tilespmem:$0x96D0] =	vst v0  }
0x5f: {  	[tilespmem:$0x96E0] =	vst v0  }
0x60: {  	[tilespmem:$0x96F0] =	vst v0  }
0x61: {  	[tilespmem:$0x9700] =	vst v0  }
0x62: {  	[tilespmem:$0x9710] =	vst v0  }
0x63: {  	[tilespmem:$0x9720] =	vst v0  }
0x64: {  	[tilespmem:$0x9730] =	vst v0  }
0x65: {  	[tilespmem:$0x9740] =	vst v0  }
0x66: {  	[tilespmem:$0x9750] =	vst v0  }
0x67: {  	[tilespmem:$0x9760] =	vst v0  }
0x68: {  	[tilespmem:$0x9770] =	vst v0  }
0x69: {  	[tilespmem:$0x9780] =	vst v0  }
0x6a: {  	[tilespmem:$0x9790] =	vst v0  }
0x6b: {  	[tilespmem:$0x97A0] =	vst v0  }
0x6c: {  	[tilespmem:$0x97B0] =	vst v0  }
0x6d: {  	[tilespmem:$0x97C0] =	vst v0  }
0x6e: {  	[tilespmem:$0x97D0] =	vst v0  }
0x6f: {  	[tilespmem:$0x97E0] =	vst v0  }
0x70: {  	[tilespmem:$0x97F0] =	vst v0  }
0x71: {  	[tilespmem:$0x9800] =	vst v0  }
0x72: {  	[tilespmem:$0x9810] =	vst v0  }
0x73: {  	[tilespmem:$0x9820] =	vst v0  }
0x74: {  	[tilespmem:$0x9830] =	vst v0  }
0x75: {  	[tilespmem:$0x9840] =	vst v0  }
0x76: {  	[tilespmem:$0x9850] =	vst v0  }
0x77: {  	[tilespmem:$0x9860] =	vst v0  }
0x78: {  	[tilespmem:$0x9870] =	vst v0  }
0x79: {  	[tilespmem:$0x9880] =	vst v0  }
0x7a: {  	[tilespmem:$0x9890] =	vst v0  }
0x7b: {  	[tilespmem:$0x98A0] =	vst v0  }
0x7c: {  	[tilespmem:$0x98B0] =	vst v0  }
0x7d: {  	[tilespmem:$0x98C0] =	vst v0  }
0x7e: {  	[tilespmem:$0x98D0] =	vst v0  }
0x7f: {  	[tilespmem:$0x98E0] =	vst v0  }
0x80: {  	[tilespmem:$0x98F0] =	vst v0  }
0x81: {  	[tilespmem:$0x9900] =	vst v0  }
0x82: {  	[tilespmem:$0x9910] =	vst v0  }
0x83: {  	[tilespmem:$0x9920] =	vst v0  }
0x84: {  	[tilespmem:$0x9930] =	vst v0  }
0x85: {  	[tilespmem:$0x9940] =	vst v0  }
0x86: {  	[tilespmem:$0x9950] =	vst v0  }
0x87: {  	[tilespmem:$0x9960] =	vst v0  }
0x88: {  	[tilespmem:$0x9970] =	vst v0  }
0x89: {  	[tilespmem:$0x9980] =	vst v0  }
0x8a: {  	[tilespmem:$0x9990] =	vst v0  }
0x8b: {  	[tilespmem:$0x99A0] =	vst v0  }
0x8c: {  	[tilespmem:$0x99B0] =	vst v0  }
0x8d: {  	[tilespmem:$0x99C0] =	vst v0  }
0x8e: {  	[tilespmem:$0x99D0] =	vst v0  }
0x8f: {  	[tilespmem:$0x99E0] =	vst v0  }
0x90: {  	[tilespmem:$0x99F0] =	vst v0  }
0x91: {  	[tilespmem:$0x9A00] =	vst v0  }
0x92: {  	[tilespmem:$0x9A10] =	vst v0  }
0x93: {  	[tilespmem:$0x9A20] =	vst v0  }
0x94: {  	[tilespmem:$0x9A30] =	vst v0  }
0x95: {  	[tilespmem:$0x9A40] =	vst v0  }
0x96: {  	[tilespmem:$0x9A50] =	vst v0  }
0x97: {  	[tilespmem:$0x9A60] =	vst v0  }
0x98: {  	[tilespmem:$0x9A70] =	vst v0  }
0x99: {  	[tilespmem:$0x9A80] =	vst v0  }
0x9a: {  	[tilespmem:$0x9A90] =	vst v0  }
0x9b: {  	[tilespmem:$0x9AA0] =	vst v0  }
0x9c: {  	[tilespmem:$0x9AB0] =	vst v0  }
0x9d: {  	[tilespmem:$0x9AC0] =	vst v0  }
0x9e: {  	[tilespmem:$0x9AD0] =	vst v0  }
0x9f: {  	[tilespmem:$0x9AE0] =	vst v0  }
0xa0: {  	[tilespmem:$0x9AF0] =	vst v0  }
0xa1: {  	[tilespmem:$0x9B00] =	vst v0  }
0xa2: {  	[tilespmem:$0x9B10] =	vst v0  }
0xa3: {  	[tilespmem:$0x9B20] =	vst v0  }
0xa4: {  	[tilespmem:$0x9B30] =	vst v0  }
0xa5: {  	[tilespmem:$0x9B40] =	vst v0  }
0xa6: {  	[tilespmem:$0x9B50] =	vst v0  }
0xa7: {  	[tilespmem:$0x9B60] =	vst v0  }
0xa8: {  	[tilespmem:$0x9B70] =	vst v0  }
0xa9: {  	[tilespmem:$0x9B80] =	vst v0  }
0xaa: {  	[tilespmem:$0x9B90] =	vst v0  }
0xab: {  	[tilespmem:$0x9BA0] =	vst v0  }
0xac: {  	[tilespmem:$0x9BB0] =	vst v0  }
0xad: {  	[tilespmem:$0x9BC0] =	vst v0  }
0xae: {  	[tilespmem:$0x9BD0] =	vst v0  }
0xaf: {  	[tilespmem:$0x9BE0] =	vst v0  }
0xb0: {  	[tilespmem:$0x9BF0] =	vst v0;
	s12 =	rddreg [dreg:$0x10]  }
0xb1: {  	[spmem:s4] =	stream.linear.scatter [tilespmem:s5], [sflag:$0x1], $0x800, $0x38;
	[tilespmem:$0x1DC00] =	vst v63  }
0xb2: {  	s13 =	rddreg [dreg:$0x11]  }
0xb3: {  	[spmem:s12] =	stream.linear.scatter [tilespmem:s5], [sflag:$0x1], $0x800, $0x38;
	[tilespmem:$0x1DC00] =	vst v63  }
0xb4: {  	s14 =	rddreg [dreg:$0x12]  }
0xb5: {  	[spmem:s13] =	stream.linear.scatter [tilespmem:s5], [sflag:$0x1], $0x800, $0x38;
	[tilespmem:$0x1DC00] =	vst v63  }
0xb6: {  	s15 =	rddreg [dreg:$0x13]  }
0xb7: {  	[spmem:s14] =	stream.linear.scatter [tilespmem:s5], [sflag:$0x1], $0x800, $0x38;
	[tilespmem:$0x1DC00] =	vst v63  }
0xb8: {  	s13 =	rddreg [dreg:$0x14]  }
0xb9: {  	[spmem:s15] =	stream.linear.scatter [tilespmem:s5], [sflag:$0x1], $0x800, $0x38;
	[tilespmem:$0x1DC00] =	vst v63  }
0xba: {  	s14 =	rddreg [dreg:$0x15]  }
0xbb: {  	[spmem:s13] =	stream.linear.scatter [tilespmem:s5], [sflag:$0x1], $0x800, $0x38;
	[tilespmem:$0x1DC00] =	vst v63  }
0xbc: {  	s15 =	rddreg [dreg:$0x16]  }
0xbd: {  	[spmem:s14] =	stream.linear.scatter [tilespmem:s5], [sflag:$0x1], $0x800, $0x38;
	[tilespmem:$0x1DC00] =	vst v63  }
0xbe: {  	s13 =	rddreg [dreg:$0x17]  }
0xbf: {  	[spmem:s15] =	stream.linear.scatter [tilespmem:s5], [sflag:$0x1], $0x800, $0x38;
	[tilespmem:$0x1DC00] =	vst v63  }
0xc0: {  	s14 =	rddreg [dreg:$0x18]  }
0xc1: {  	[spmem:s13] =	stream.linear.scatter [tilespmem:s5], [sflag:$0x1], $0x800, $0x38;
	[tilespmem:$0x1DC00] =	vst v63  }
0xc2: {  	s15 =	rddreg [dreg:$0x19]  }
0xc3: {  	[spmem:s14] =	stream.linear.scatter [tilespmem:s5], [sflag:$0x1], $0x800, $0x38;
	[tilespmem:$0x1DC00] =	vst v63  }
0xc4: {  	s13 =	rddreg [dreg:$0x1a]  }
0xc5: {  	[spmem:s15] =	stream.linear.scatter [tilespmem:s5], [sflag:$0x1], $0x800, $0x38;
	[tilespmem:$0x1DC00] =	vst v63  }
0xc6: {  	s14 =	rddreg [dreg:$0x1b]  }
0xc7: {  	[spmem:s13] =	stream.linear.scatter [tilespmem:s5], [sflag:$0x1], $0x800, $0x38;
	[tilespmem:$0x1DC00] =	vst v63  }
0xc8: {  	s15 =	rddreg [dreg:$0x1c]  }
0xc9: {  	[spmem:s14] =	stream.linear.scatter [tilespmem:s5], [sflag:$0x1], $0x800, $0x38;
	[tilespmem:$0x1DC00] =	vst v63  }
0xca: {  	s13 =	rddreg [dreg:$0x1d]  }
0xcb: {  	[spmem:s15] =	stream.linear.scatter [tilespmem:s5], [sflag:$0x1], $0x800, $0x38;
	[tilespmem:$0x1DC00] =	vst v63  }
0xcc: {  	s14 =	rddreg [dreg:$0x1e]  }
0xcd: {  	[spmem:s13] =	stream.linear.scatter [tilespmem:s5], [sflag:$0x1], $0x800, $0x38;
	[tilespmem:$0x1DC00] =	vst v63  }
0xce: {  	s15 =	rddreg [dreg:$0x1f]  }
0xcf: {  	[spmem:s14] =	stream.linear.scatter [tilespmem:s5], [sflag:$0x1], $0x800, $0x38;
	[tilespmem:$0x1DC00] =	vst v63  }
0xd0: {  	s13 =	sld [smem:$0x7F6]  }
0xd1: {  	[spmem:s15] =	stream.linear.scatter [tilespmem:s5], [sflag:$0x1], $0x800, $0x38;
	[tilespmem:$0x1DC00] =	vst v63  }
0xd2: {  	s14 =	sld [smem:$0x7F7]  }
0xd3: {  	[spmem:s13] =	stream.linear.scatter [tilespmem:s5], [sflag:$0x1], $0x800, $0x38;
	[tilespmem:$0x1DC00] =	vst v63  }
0xd4: {  	s15 =	sld [smem:$0x7F8]  }
0xd5: {  	[spmem:s14] =	stream.linear.scatter [tilespmem:s5], [sflag:$0x1], $0x800, $0x38;
	[tilespmem:$0x1DC00] =	vst v63  }
0xd6: {  	s13 =	sld [smem:$0x7F9]  }
0xd7: {  	[spmem:s15] =	stream.linear.scatter [tilespmem:s5], [sflag:$0x1], $0x800, $0x38;
	[tilespmem:$0x1DC00] =	vst v63  }
0xd8: {  	s14 =	sld [smem:$0x7FA]  }
0xd9: {  	[spmem:s13] =	stream.linear.scatter [tilespmem:s5], [sflag:$0x1], $0x800, $0x38;
	[tilespmem:$0x1DC00] =	vst v63  }
0xda: {  	s15 =	sld [smem:$0x7FB]  }
0xdb: {  	[spmem:s14] =	stream.linear.scatter [tilespmem:s5], [sflag:$0x1], $0x800, $0x38;
	[tilespmem:$0x1DC00] =	vst v63  }
0xdc: {  	s13 =	sld [smem:$0x7FC]  }
0xdd: {  	[spmem:s15] =	stream.linear.scatter [tilespmem:s5], [sflag:$0x1], $0x800, $0x38;
	[tilespmem:$0x1DC00] =	vst v63  }
0xde: {  	s14 =	sld [smem:$0x7FD]  }
0xdf: {  	[spmem:s13] =	stream.linear.scatter [tilespmem:s5], [sflag:$0x1], $0x800, $0x38;
	[tilespmem:$0x1DC00] =	vst v63  }
0xe0: {  	_ = 	snop  }
0xe1: {  	[spmem:s14] =	stream.linear.scatter [tilespmem:s5], [sflag:$0x1], $0x800, $0x38;
	[tilespmem:$0x1DC00] =	vst v63  }
0xe2: {  	_ = 	snop  }
0xe3: {  	[spmem:s16] =	stream.linear.scatter [tilespmem:s5], [sflag:$0x1], $0x800, $0x38;
	[tilespmem:$0x1DC00] =	vst v63  }
0xe4: {  	_ = 	snop  }
0xe5: {  	[spmem:s17] =	stream.linear.scatter [tilespmem:s5], [sflag:$0x1], $0x800, $0x38;
	[tilespmem:$0x1DC00] =	vst v63  }
0xe6: {  	_ = 	snop  }
0xe7: {  	[spmem:s18] =	stream.linear.scatter [tilespmem:s5], [sflag:$0x1], $0x800, $0x38;
	[tilespmem:$0x1DC00] =	vst v63  }
0xe8: {  	_ = 	snop  }
0xe9: {  	[spmem:s19] =	stream.linear.scatter [tilespmem:s5], [sflag:$0x1], $0x800, $0x38;
	[tilespmem:$0x1DC00] =	vst v63  }
0xea: {  	_ = 	snop  }
0xeb: {  	[spmem:s20] =	stream.linear.scatter [tilespmem:s5], [sflag:$0x1], $0x800, $0x38;
	[tilespmem:$0x1DC00] =	vst v63  }
0xec: {  	_ = 	snop  }
0xed: {  	[spmem:s21] =	stream.linear.scatter [tilespmem:s5], [sflag:$0x1], $0x800, $0x38;
	[tilespmem:$0x1DC00] =	vst v63  }
0xee: {  	_ = 	snop  }
0xef: {  	[spmem:s22] =	stream.linear.scatter [tilespmem:s5], [sflag:$0x1], $0x800, $0x38;
	[tilespmem:$0x1DC00] =	vst v63  }
0xf0: {  	_ = 	snop  }
0xf1: {  	[spmem:s23] =	stream.linear.scatter [tilespmem:s5], [sflag:$0x1], $0x800, $0x38;
	[tilespmem:$0x1DC00] =	vst v63  }
0xf2: {  	_ = 	snop  }
0xf3: {  	[spmem:s26] =	stream.linear.scatter [tilespmem:s5], [sflag:$0x1], $0x800, $0x38;
	[tilespmem:$0x1DC00] =	vst v63  }
0xf4: {  	_ = 	snop  }
0xf5: {  	[spmem:s28] =	stream.linear.scatter [tilespmem:s5], [sflag:$0x1], $0x800, $0x38;
	[tilespmem:$0x1DC00] =	vst v63  }
0xf6: {  	_ = 	snop  }
0xf7: {  	[spmem:s29] =	stream.linear.scatter [tilespmem:s5], [sflag:$0x1], $0x800, $0x38;
	[tilespmem:$0x1DC00] =	vst v63  }
0xf8: {  	_ = 	snop  }
0xf9: {  	[spmem:s30] =	stream.linear.scatter [tilespmem:s5], [sflag:$0x1], $0x800, $0x38;
	[tilespmem:$0x1DC00] =	vst v63  }
0xfa: {  	_ = 	snop  }
0xfb: {  	[spmem:s31] =	stream.linear.scatter [tilespmem:s5], [sflag:$0x1], $0x800, $0x38;
	[tilespmem:$0x1DC00] =	vst v63  }
0xfc: {  	_ = 	snop  }
0xfd: {  	[spmem:s1] =	stream.linear.scatter [tilespmem:s5], [sflag:$0x1], $0x800, $0x38;
	[tilespmem:$0x1DC00] =	vst v63  }
0xfe: {  	_ = 	snop  }
0xff: {  	[spmem:s0] =	stream.linear.scatter [tilespmem:s5], [sflag:$0x1], $0x800, $0x38;
	[tilespmem:$0x1DC00] =	vst v63  }
0x100: {  	s15 =	rddreg [dreg:$0x3]  }
0x101: {  	[tilespmem:s3], [sflag:$0x2] =	stream.linear.gather [hbm4b:s15+s3], $0x1400, $0x38;
	[tilespmem:$0x1DC00] =	vst v63  }
0x102: {  	_ =	swait.ge [sflag:s7], $0x1400  }
0x103: {  	[sflag:s7] =	ssyncset.done $0x0  }
0x104: {  	[sflag:s7] =	ssyncadd.s32 $0xFFFFEC00  }
0x105: {  	_ =	swait.ge [sflag:s8], $0x800  }
0x106: {  	s12 =	simm.s32 $0x27;
	[sflag:s8] =	ssyncset.done $0x0  }
.LBB2_2:
0x107: {  	p0 =	sne.s32 s12, $0x1;
	s12 =	sadd.s32 $0xFFFFFFFF, s12;
	[sflag:s8] =	ssyncadd.s32 $0xFFFFF800  }
.Ltmp0:
0x108: {  	(pc) =	sbr.rel @p0 .LBB2_2-.Ltmp0, $3  }
0x109: {  	_ =	sdelay $0x1  }
0x10a: {  	_ =	swait.ge [sflag:s8], $0x800  }
0x10b: {  	[sflag:s8] =	ssyncset.done $0x0  }
0x10c: {  	[sflag:s8] =	ssyncadd.s32 $0xFFFFF800  }
0x10d: {  	[bflag:$0x0] =	sbarrier.arrive $0xFFFF  }
0x10e: {  	s12 =	simm.s32 $0x0;
	s13 =	rddreg [dreg:$0x4]  }
0x10f: {  	[tilespmem:s9], [sflag:$0x1] =	stream.linear.gather [hbm4b:s13+s12], $0x4000, $0x38;
	[tilespmem:$0x1DC00] =	vst v63  }
0x110: {  	s15 =	rddreg [dreg:$0x5]  }
0x111: {  	[tilespmem:s10], [sflag:$0x1] =	stream.linear.gather [hbm4b:s15+s12], $0x4000, $0x38;
	[tilespmem:$0x1DC00] =	vst v63  }
0x112: {  	_ =	swait.ge [sflag:s8], $0x4000  }
0x113: {  	[sflag:s8] =	ssyncset.done $0x0  }
0x114: {  	s13 =	simm.s32 $0x0;
	[sflag:s8] =	ssyncadd.s32 $0xFFFFC000  }
0x115: {  	[spmem:s2] =	stream.indirect.scatter.add.f32 [tilespmem:s9], [sflag:$0x2], $0x80, s13, s11, $0xb8;
	[tilespmem:$0x1DC00] =	vst v63  }
0x116: {  	_ =	swait.ge [sflag:s7], $0x4000  }
0x117: {  	[sflag:s7] =	ssyncset.done $0x0  }
0x118: {  	s14 =	sadd.s32 $0x0, s25;
	[sflag:s7] =	ssyncadd.s32 $0xFFFFC000  }
0x119: {  	[tilespmem:s9], [sflag:$0x1] =	stream.linear.gather [hbm4b:s14+s3], $0x4000, $0x38;
	[tilespmem:$0x1DC00] =	vst v63  }
0x11a: {  	_ =	swait.ge [sflag:s8], $0x4000  }
0x11b: {  	[sflag:s8] =	ssyncset.done $0x0  }
0x11c: {  	s15 =	simm.s32 $0x80;
	[sflag:s8] =	ssyncadd.s32 $0xFFFFC000  }
0x11d: {  	[spmem:s2] =	stream.indirect.scatter.add.f32 [tilespmem:s10], [sflag:$0x2], $0x80, s15, s11, $0xb8;
	[tilespmem:$0x1DC00] =	vst v63  }
0x11e: {  	_ =	swait.ge [sflag:s7], $0x4000  }
0x11f: {  	s12 =	simm.s32 $0x1000;
	[sflag:s7] =	ssyncset.done $0x0  }
0x120: {  	s13 =	simm.s32 $0x180;
	s14 =	sadd.s32 $0x0, s24;
	[sflag:s7] =	ssyncadd.s32 $0xFFFFC000  }
.LBB2_4:
0x121: {  	[tilespmem:s10], [sflag:$0x1] =	stream.linear.gather [hbm4b:s14+s3], $0x4000, $0x38;
	[tilespmem:$0x1DC00] =	vst v63  }
0x122: {  	s14 =	smov.u32 s12  }
0x123: {  	p0 =	sne.s32 s12, $0x12000;
	s12 =	sadd.s32 $0x1000, s12;
	_ =	swait.ge [sflag:s8], $0x4000  }
0x124: {  	[sflag:s8] =	ssyncset.done $0x0  }
0x125: {  	s15 =	sadd.s32 $0xFFFFFF80, s13;
	[sflag:s8] =	ssyncadd.s32 $0xFFFFC000  }
0x126: {  	[spmem:s2] =	stream.indirect.scatter.add.f32 [tilespmem:s9], [sflag:$0x2], $0x80, s15, s11, $0xb8;
	[tilespmem:$0x1DC00] =	vst v63  }
0x127: {  	_ =	swait.ge [sflag:s7], $0x4000  }
0x128: {  	[sflag:s7] =	ssyncset.done $0x0  }
0x129: {  	s15 =	sadd.s32 s14, s25;
	[sflag:s7] =	ssyncadd.s32 $0xFFFFC000  }
0x12a: {  	[tilespmem:s9], [sflag:$0x1] =	stream.linear.gather [hbm4b:s15+s3], $0x4000, $0x38;
	[tilespmem:$0x1DC00] =	vst v63  }
0x12b: {  	_ =	swait.ge [sflag:s8], $0x4000  }
0x12c: {  	[sflag:s8] =	ssyncset.done $0x0  }
.Ltmp1:
0x12d: {  	[sflag:s8] =	ssyncadd.s32 $0xFFFFC000;
	(pc) =	sbr.rel @p0 .LBB2_4-.Ltmp1, $4  }
0x12e: {  	[spmem:s2] =	stream.indirect.scatter.add.f32 [tilespmem:s10], [sflag:$0x2], $0x80, s13, s11, $0xb8;
	[tilespmem:$0x1DC00] =	vst v63  }
0x12f: {  	_ =	swait.ge [sflag:s7], $0x4000  }
0x130: {  	[sflag:s7] =	ssyncset.done $0x0  }
0x131: {  	s14 =	sadd.s32 s14, s24;
	s13 =	sadd.s32 $0x100, s13;
	[sflag:s7] =	ssyncadd.s32 $0xFFFFC000  }
0x132: {  	[tilespmem:s10], [sflag:$0x1] =	stream.linear.gather [hbm4b:s14+s3], $0x4000, $0x38;
	[tilespmem:$0x1DC00] =	vst v63  }
0x133: {  	_ =	swait.ge [sflag:s8], $0x4000  }
0x134: {  	[sflag:s8] =	ssyncset.done $0x0  }
0x135: {  	s12 =	simm.s32 $0x1300;
	[sflag:s8] =	ssyncadd.s32 $0xFFFFC000  }
0x136: {  	[spmem:s2] =	stream.indirect.scatter.add.f32 [tilespmem:s9], [sflag:$0x2], $0x80, s12, s11, $0xb8;
	[tilespmem:$0x1DC00] =	vst v63  }
0x137: {  	_ =	swait.ge [sflag:s7], $0x4000  }
0x138: {  	[sflag:s7] =	ssyncset.done $0x0  }
0x139: {  	[sflag:s7] =	ssyncadd.s32 $0xFFFFC000  }
0x13a: {  	_ =	swait.ge [sflag:s8], $0x4000  }
0x13b: {  	[sflag:s8] =	ssyncset.done $0x0  }
0x13c: {  	s14 =	simm.s32 $0x1380;
	[sflag:s8] =	ssyncadd.s32 $0xFFFFC000  }
0x13d: {  	[spmem:s2] =	stream.indirect.scatter.add.f32 [tilespmem:s10], [sflag:$0x2], $0x80, s14, s11, $0xb8;
	[tilespmem:$0x1DC00] =	vst v63  }
0x13e: {  	_ =	swait.ge [sflag:s7], $0x4000  }
0x13f: {  	[sflag:s7] =	ssyncset.done $0x0  }
0x140: {  	[sflag:s7] =	ssyncadd.s32 $0xFFFFC000  }
0x141: {  	[bflag:$0x0] =	sbarrier.arrive $0xFFFF  }
0x142: {  	[tilespmem:s9], [sflag:$0x2] =	stream.linear.gather [spmem:s4], $0x4000, $0x38;
	[tilespmem:$0x1DC00] =	vst v63  }
0x143: {  	_ =	swait.ge [sflag:s7], $0x4000  }
0x144: {  	[sflag:s7] =	ssyncset.done $0x0  }
0x145: {  	s15 =	rddreg [dreg:$0x6];
	[sflag:s7] =	ssyncadd.s32 $0xFFFFC000  }
0x146: {  	[hbm4b:s15+s3] =	stream.linear.scatter [tilespmem:s9], [sflag:$0x2], $0x4000, $0x38;
	[tilespmem:$0x1DC00] =	vst v63  }
0x147: {  	_ =	swait.ge [sflag:s7], $0x4000  }
0x148: {  	[sflag:s7] =	ssyncset.done $0x0  }
0x149: {  	s13 =	rddreg [dreg:$0x7];
	[sflag:s7] =	ssyncadd.s32 $0xFFFFC000  }
0x14a: {  	[tilespmem:s9], [sflag:$0x2] =	stream.linear.gather [spmem:s13], $0x4000, $0x38;
	[tilespmem:$0x1DC00] =	vst v63  }
0x14b: {  	_ =	swait.ge [sflag:s7], $0x4000  }
0x14c: {  	[sflag:s7] =	ssyncset.done $0x0  }
0x14d: {  	s14 =	rddreg [dreg:$0x8];
	[sflag:s7] =	ssyncadd.s32 $0xFFFFC000  }
0x14e: {  	[hbm4b:s14+s3] =	stream.linear.scatter [tilespmem:s9], [sflag:$0x2], $0x4000, $0x38;
	[tilespmem:$0x1DC00] =	vst v63  }
0x14f: {  	_ =	swait.ge [sflag:s7], $0x4000  }
0x150: {  	[sflag:s7] =	ssyncset.done $0x0  }
0x151: {  	s15 =	rddreg [dreg:$0x9];
	[sflag:s7] =	ssyncadd.s32 $0xFFFFC000  }
0x152: {  	[tilespmem:s9], [sflag:$0x2] =	stream.linear.gather [spmem:s15], $0x4000, $0x38;
	[tilespmem:$0x1DC00] =	vst v63  }
0x153: {  	_ =	swait.ge [sflag:s7], $0x4000  }
0x154: {  	[sflag:s7] =	ssyncset.done $0x0  }
0x155: {  	s13 =	rddreg [dreg:$0xa];
	[sflag:s7] =	ssyncadd.s32 $0xFFFFC000  }
0x156: {  	[hbm4b:s13+s3] =	stream.linear.scatter [tilespmem:s9], [sflag:$0x2], $0x4000, $0x38;
	[tilespmem:$0x1DC00] =	vst v63  }
0x157: {  	_ =	swait.ge [sflag:s7], $0x4000  }
0x158: {  	[sflag:s7] =	ssyncset.done $0x0  }
0x159: {  	s14 =	rddreg [dreg:$0xb];
	[sflag:s7] =	ssyncadd.s32 $0xFFFFC000  }
0x15a: {  	[tilespmem:s9], [sflag:$0x2] =	stream.linear.gather [spmem:s14], $0x4000, $0x38;
	[tilespmem:$0x1DC00] =	vst v63  }
0x15b: {  	_ =	swait.ge [sflag:s7], $0x4000  }
0x15c: {  	[sflag:s7] =	ssyncset.done $0x0  }
0x15d: {  	s15 =	rddreg [dreg:$0xc];
	[sflag:s7] =	ssyncadd.s32 $0xFFFFC000  }
0x15e: {  	[hbm4b:s15+s3] =	stream.linear.scatter [tilespmem:s9], [sflag:$0x2], $0x4000, $0x38;
	[tilespmem:$0x1DC00] =	vst v63  }
0x15f: {  	_ =	swait.ge [sflag:s7], $0x4000  }
0x160: {  	[sflag:s7] =	ssyncset.done $0x0  }
0x161: {  	s13 =	rddreg [dreg:$0xd];
	[sflag:s7] =	ssyncadd.s32 $0xFFFFC000  }
0x162: {  	[tilespmem:s9], [sflag:$0x2] =	stream.linear.gather [spmem:s13], $0x4000, $0x38;
	[tilespmem:$0x1DC00] =	vst v63  }
0x163: {  	_ =	swait.ge [sflag:s7], $0x4000  }
0x164: {  	[sflag:s7] =	ssyncset.done $0x0  }
0x165: {  	s14 =	rddreg [dreg:$0xe];
	[sflag:s7] =	ssyncadd.s32 $0xFFFFC000  }
0x166: {  	[hbm4b:s14+s3] =	stream.linear.scatter [tilespmem:s9], [sflag:$0x2], $0x4000, $0x38;
	[tilespmem:$0x1DC00] =	vst v63  }
0x167: {  	_ =	swait.ge [sflag:s7], $0x4000  }
0x168: {  	s6 =	sadd.s32 $0x1, s6;
	s15 =	rddreg [dreg:$0xf]  }
0x169: {  	p0 =	sne.s32 s6, s15  }
.Ltmp2:
0x16a: {  	_ = 	snop;
	(pc) =	sbr.rel @p0 .LBB2_1-.Ltmp2, $3  }
0x16b: {  	_ =	sdelay $0x1  }
0x16c: {  	[sflag:s7] =	ssyncset.done $0x0  }
0x16d: {  	[sflag:s7] =	ssyncadd.s32 $0xFFFFC000  }
0x16e: {  	_ =	sfence.sel $0x180000  }
0x16f: {  	[bflag:$0x0] =	sbarrier.arrive $0xFFFF  }
0x170: {  	_ =	strace $0x9000004A  }
0x171: {  	s0 =	stileid.u32;
	[bflag:$0x2] =	sbarrier.arrive $0xFFFF  }
0x172: {  	p0 =	sne.s32 s0, $0x0;
	s0 =	rddreg [dreg:$0x2]  }
0x173: {  	s0 =	sadd.s32 @!p0 $0x100000, s0  }
0x174: {  	[sflag:s0] =	ssyncadd.tile.s32 @!p0 $0x1;
	_ =	shalt  }
.Lfunc_end2:
_tile_overlayer_lowered:
.L_overlay_start_2:
0x175: {  	(tag) =	ssettag $0x2  }
0x176: {  	s0 =	rddreg [dreg:$0x0];
	s2 =	stileid.u32  }
0x177: {  	s1 =	rddreg [dreg:$0x1];
	p0 =	sne.s32 s2, $0x0  }
0x178: {  	s3 =	rddreg [dreg:$0x2];
	[bflag:$0x3] =	sbarrier.arrive $0xFFFF;
	s2 =	simm.s32 @!p0 $0x1C02  }
0x179: {  	[timem:s3], [sflag:s2] =	dma.local @!p0 [hbm:s0], s1  }
0x17a: {  	s0 =	simm.s32 @!p0 $0x2  }
0x17b: {  	_ =	swait.ge @!p0 [sflag:s0], s1  }
0x17c: {  	s1 =	ssub.s32 @!p0 $0x0, s1;
	[sflag:s0] =	ssyncset.done @!p0 $0x0  }
0x17d: {  	[sflag:s0] =	ssyncadd.s32 @!p0 s1  }
0x17e: {  	[bflag:$0x3] =	sbarrier.arrive $0xFFFF  }
0x17f: {  	_ =	shalt  }

</sc_bundles>
